<compile_context>
chip_gen: v7x
topology: tpu7x:2x2x1
jax: 0.10.2.dev20260603
libtpu: 0.0.44.dev20260713+nightly
codegen_flags: <defaults>
</compile_context>

<pallas_src>
import functools

import jax
import jax.numpy as jnp
from jax import lax
from jax.experimental import pallas as pl
from jax.experimental.pallas import tpu as pltpu
from jax.experimental.pallas import tpu_sc as plsc

N = 10000
D = 128
E = 320000

NC = 2
NS = 16
NW = NC * NS
L = 16

CHUNK = 128
CPT = 80
E_PAD = NW * CPT * CHUNK

NP = 10240
TPB = NP // NS

BLK = 2048
N_BLK = NP // BLK


def _sc_mesh():
    return plsc.VectorSubcoreMesh(core_axis_name="c", subcore_axis_name="s")


_SC_PARAMS = pltpu.CompilerParams(needs_layout_passes=False)


def _deg_body(edges_hbm, out_hbm, hist, didx, tmp, acc, spart):
    c = lax.axis_index("c")
    s = lax.axis_index("s")
    wid = s * NC + c

    z16 = jnp.zeros((L,), jnp.float32)

    def zero_hist(i, _):
        hist[pl.ds(i * L, L)] = z16
        return ()
    lax.fori_loop(0, NP // L, zero_hist, ())

    pltpu.sync_copy(edges_hbm.at[1, wid], didx)

    @plsc.parallel_loop(0, CPT, unroll=4)
    def hist_chunk(j):
        for k in range(CHUNK // L):
            idx16 = didx[j, pl.ds(k * L, L)]
            cnt, last = plsc.scan_count(idx16)
            plsc.addupdate_scatter(hist, [idx16], cnt.astype(jnp.float32),
                                   mask=last)

    pltpu.sync_copy(hist, spart.at[s])
    plsc.subcore_barrier()

    base = s * TPB

    def zero_acc(i, _):
        acc[pl.ds(i * L, L)] = z16
        return ()
    lax.fori_loop(0, TPB // L, zero_acc, ())

    def red(t, _):
        pltpu.sync_copy(spart.at[t, pl.ds(base, TPB)], tmp)

        @plsc.parallel_loop(0, TPB // L, unroll=4)
        def add16(k):
            sl = pl.ds(k * L, L)
            acc[sl] = acc[sl] + tmp[sl]
        return ()
    lax.fori_loop(0, NS, red, ())

    pltpu.sync_copy(acc, out_hbm.at[c, pl.ds(base, TPB)])


def _deg_kernel(edges3):
    return pl.kernel(
        _deg_body,
        out_type=jax.ShapeDtypeStruct((NC, NP), jnp.float32),
        mesh=_sc_mesh(),
        compiler_params=_SC_PARAMS,
        scratch_types=[
            pltpu.VMEM((NP,), jnp.float32),
            pltpu.VMEM((CPT, CHUNK), jnp.int32),
            pltpu.VMEM((TPB,), jnp.float32),
            pltpu.VMEM((TPB,), jnp.float32),
            pltpu.VMEM_SHARED((NS, NP), jnp.float32),
        ],
    )(edges3)


def _agg_body(hs_hbm, edges_hbm, eflat_hbm, out_hbm,
              acc, rows, sidx, dst_all,
              gsem0, gsem1, isem0, isem1, ssem0, ssem1):
    c = lax.axis_index("c")
    s = lax.axis_index("s")
    wid = s * NC + c
    gsems = (gsem0, gsem1)
    isems = (isem0, isem1)
    ssems = (ssem0, ssem1)

    z16 = jnp.zeros((L,), jnp.float32)

    def zrow(i, _):
        def zcol(k, _):
            rows[0, i, pl.ds(k * L, L)] = z16
            return ()
        return lax.fori_loop(0, D // L, zcol, ())
    lax.fori_loop(0, CHUNK, zrow, ())

    def zacc(t, _):
        pltpu.sync_copy(rows.at[0],
                        acc.at[pl.ds(s * TPB + t * CHUNK, CHUNK)])
        return ()
    lax.fori_loop(0, TPB // CHUNK, zacc, ())

    pltpu.sync_copy(edges_hbm.at[1, wid], dst_all)

    plsc.subcore_barrier()

    def src_row(j):
        return eflat_hbm.at[0, wid, pl.ds(j * CHUNK, CHUNK)]

    pltpu.sync_copy(src_row(0), sidx.at[0])
    pltpu.make_async_copy(hs_hbm.at[sidx.at[0]], rows.at[0], gsems[0]).start()
    pltpu.make_async_copy(src_row(1), sidx.at[1], isems[1]).start()

    def chunk_iter(g, _):
        for b in range(2):
            j = g * 2 + b
            nb = 1 - b
            pltpu.make_async_copy(hs_hbm.at[sidx.at[b]], rows.at[b],
                                  gsems[b]).wait()

            @pl.when(j + 2 < CPT)
            def _pre_idx():
                pltpu.make_async_copy(src_row(j + 2), sidx.at[b],
                                      isems[b]).start()

            pltpu.make_async_copy(rows.at[b], acc.at[dst_all.at[j]],
                                  ssems[b]).start(add=True)

            @pl.when(j + 1 < CPT)
            def _pre_gather():
                @pl.when(j >= 1)
                def _drain_prev():
                    pltpu.make_async_copy(rows.at[nb],
                                          acc.at[dst_all.at[j - 1]],
                                          ssems[nb]).wait()

                pltpu.make_async_copy(src_row(j + 1), sidx.at[nb],
                                      isems[nb]).wait()
                pltpu.make_async_copy(hs_hbm.at[sidx.at[nb]], rows.at[nb],
                                      gsems[nb]).start()
        return ()
    lax.fori_loop(0, CPT // 2, chunk_iter, ())

    pltpu.make_async_copy(rows.at[0], acc.at[dst_all.at[CPT - 2]],
                          ssems[0]).wait()
    pltpu.make_async_copy(rows.at[1], acc.at[dst_all.at[CPT - 1]],
                          ssems[1]).wait()

    plsc.subcore_barrier()
    sl = pl.ds(s * TPB, TPB)
    pltpu.sync_copy(acc.at[sl], out_hbm.at[c, sl])


def _agg_kernel(hs, edges4, eflat):
    return pl.kernel(
        _agg_body,
        out_type=jax.ShapeDtypeStruct((NC, NP, D), jnp.float32),
        mesh=_sc_mesh(),
        compiler_params=_SC_PARAMS,
        scratch_types=[
            pltpu.VMEM_SHARED((NP, D), jnp.float32),
            pltpu.VMEM((2, CHUNK, D), jnp.float32),
            pltpu.VMEM((2, CHUNK), jnp.int32),
            pltpu.VMEM((CPT, CHUNK), jnp.int32),
            pltpu.SemaphoreType.DMA,
            pltpu.SemaphoreType.DMA,
            pltpu.SemaphoreType.DMA,
            pltpu.SemaphoreType.DMA,
            pltpu.SemaphoreType.DMA,
            pltpu.SemaphoreType.DMA,
        ],
    )(hs, edges4, eflat)


def _prep_body(e_ref, out_ref):
    out_ref[:, :E] = e_ref[...]
    npad = E_PAD - E
    it = lax.broadcasted_iota(jnp.int32, (1, npad), 1)
    out_ref[0:1, E:] = it % (2 * (NP - N))
    out_ref[1:2, E:] = N + it % (NP - N)


def _prep_kernel(ei):
    return pl.pallas_call(
        _prep_body,
        out_shape=jax.ShapeDtypeStruct((2, E_PAD), jnp.int32),
    )(ei)


def _enc_body(x_ref, w1_ref, wenc_ref, benc_ref, deg_ref, hs1_ref, xfc_ref):
    xb = x_ref[...]
    dis = lax.rsqrt(deg_ref[0, :] + deg_ref[1, :] + 1.0)
    h1 = jnp.dot(xb, w1_ref[...], preferred_element_type=jnp.float32)
    hs1_ref[...] = h1 * dis[:, None]
    xfc = jnp.dot(xb, wenc_ref[...], preferred_element_type=jnp.float32)
    xfc_ref[...] = jnp.maximum(xfc + benc_ref[...], 0.0)


def _enc_kernel(x, W1, Wenc, benc2, deg):
    return pl.pallas_call(
        _enc_body,
        grid=(N_BLK,),
        in_specs=[
            pl.BlockSpec((BLK, D), lambda i: (i, 0)),
            pl.BlockSpec((D, D), lambda i: (0, 0)),
            pl.BlockSpec((D, D), lambda i: (0, 0)),
            pl.BlockSpec((1, D), lambda i: (0, 0)),
            pl.BlockSpec((NC, BLK), lambda i: (0, i)),
        ],
        out_specs=[
            pl.BlockSpec((BLK, D), lambda i: (i, 0)),
            pl.BlockSpec((BLK, D), lambda i: (i, 0)),
        ],
        out_shape=[
            jax.ShapeDtypeStruct((NP, D), jnp.float32),
            jax.ShapeDtypeStruct((NP, D), jnp.float32),
        ],
    )(x, W1, Wenc, benc2, deg)


def _mid_body(agg_ref, hs1_ref, xfc_ref, b1_ref, w2_ref, deg_ref,
              h_ref, hs2_ref):
    dis = lax.rsqrt(deg_ref[0, :] + deg_ref[1, :] + 1.0)
    tot = agg_ref[0] + agg_ref[1] + hs1_ref[...]
    conv1 = jnp.maximum(tot * dis[:, None] + b1_ref[...], 0.0)
    h = conv1 + xfc_ref[...]
    h_ref[...] = h
    g = jnp.dot(h, w2_ref[...], preferred_element_type=jnp.float32)
    hs2_ref[...] = g * dis[:, None]


def _mid_kernel(agg1, hs1, xfc, b12, W2, deg):
    return pl.pallas_call(
        _mid_body,
        grid=(N_BLK,),
        in_specs=[
            pl.BlockSpec((NC, BLK, D), lambda i: (0, i, 0)),
            pl.BlockSpec((BLK, D), lambda i: (i, 0)),
            pl.BlockSpec((BLK, D), lambda i: (i, 0)),
            pl.BlockSpec((1, D), lambda i: (0, 0)),
            pl.BlockSpec((D, D), lambda i: (0, 0)),
            pl.BlockSpec((NC, BLK), lambda i: (0, i)),
        ],
        out_specs=[
            pl.BlockSpec((BLK, D), lambda i: (i, 0)),
            pl.BlockSpec((BLK, D), lambda i: (i, 0)),
        ],
        out_shape=[
            jax.ShapeDtypeStruct((NP, D), jnp.float32),
            jax.ShapeDtypeStruct((NP, D), jnp.float32),
        ],
    )(agg1, hs1, xfc, b12, W2, deg)


def _head_body(agg_ref, hs2_ref, h_ref, b2_ref, deg_ref, wfc_ref, bfc_ref,
               out_ref, acc_ref):
    i = pl.program_id(0)

    @pl.when(i == 0)
    def _init():
        acc_ref[...] = jnp.zeros_like(acc_ref)

    dis = lax.rsqrt(deg_ref[0, :] + deg_ref[1, :] + 1.0)
    tot = agg_ref[0] + agg_ref[1] + hs2_ref[...]
    conv2 = jnp.maximum(tot * dis[:, None] + b2_ref[...], 0.0)
    h2 = conv2 + h_ref[...]
    rows_i = lax.broadcasted_iota(jnp.int32, (BLK, 1), 0) + i * BLK
    h2 = jnp.where(rows_i < N, h2, 0.0)
    acc_ref[...] = acc_ref[...] + jnp.sum(h2, axis=0, keepdims=True)

    @pl.when(i == N_BLK - 1)
    def _fin():
        pooled = acc_ref[...] / jnp.float32(N)
        logit = jnp.dot(pooled, wfc_ref[...],
                        preferred_element_type=jnp.float32) + bfc_ref[...]
        out_ref[...] = jax.nn.sigmoid(logit)


def _head_kernel(agg2, hs2, h, b22, deg, Wfc, bfc2):
    return pl.pallas_call(
        _head_body,
        grid=(N_BLK,),
        in_specs=[
            pl.BlockSpec((NC, BLK, D), lambda i: (0, i, 0)),
            pl.BlockSpec((BLK, D), lambda i: (i, 0)),
            pl.BlockSpec((BLK, D), lambda i: (i, 0)),
            pl.BlockSpec((1, D), lambda i: (0, 0)),
            pl.BlockSpec((NC, BLK), lambda i: (0, i)),
            pl.BlockSpec((D, 1), lambda i: (0, 0)),
            pl.BlockSpec((1, 1), lambda i: (0, 0)),
        ],
        out_specs=pl.BlockSpec((1, 1), lambda i: (0, 0)),
        out_shape=jax.ShapeDtypeStruct((1, 1), jnp.float32),
        scratch_shapes=[pltpu.VMEM((1, D), jnp.float32)],
    )(agg2, hs2, h, b22, deg, Wfc, bfc2)


def kernel(x, edge_index, W1, b1, W2, b2, Wenc, benc, Wfc, bfc):
    assert x.shape == (N, D) and edge_index.shape == (2, E)

    ep = _prep_kernel(edge_index.astype(jnp.int32))
    edges4 = ep.reshape(2, NW, CPT, CHUNK)
    eflat = ep.reshape(2, NW, CPT * CHUNK)

    benc2 = benc.reshape(1, D)
    b12 = b1.reshape(1, D)
    b22 = b2.reshape(1, D)
    bfc2 = bfc.reshape(1, 1)

    x_pad = jnp.pad(x, ((0, NP - N), (0, 0)))
    deg = _deg_kernel(edges4)
    hs1, xfc = _enc_kernel(x_pad, W1, Wenc, benc2, deg)
    agg1 = _agg_kernel(hs1, edges4, eflat)
    h, hs2 = _mid_kernel(agg1, hs1, xfc, b12, W2, deg)
    agg2 = _agg_kernel(hs2, edges4, eflat)
    predict = _head_kernel(agg2, hs2, h, b22, deg, Wfc, bfc2)
    return predict

# --- scband reference (transcript-rebuilt; emitter-appended) ---
"""Pipeline reference for scband-surrogate-gcn-39986145525889 (READ-ONLY COPY).

The authoritative reference and input builder live on the scoring server;
editing this copy changes nothing except your own understanding.
"""

import jax, jax.numpy as jnp
import numpy as np

N_NODES = 10000
N_EDGES = 320000
D_IN = 128
D_HID = 128


def gcn_conv(x, edge_index, W, b):
    # Faithful PyG GCNConv: add self-loops, symmetric degree normalization, scatter-add aggregation.
    num_nodes = x.shape[0]
    src = edge_index[0]
    dst = edge_index[1]
    loop = jnp.arange(num_nodes, dtype=edge_index.dtype)
    src = jnp.concatenate([src, loop])
    dst = jnp.concatenate([dst, loop])
    ones = jnp.ones(src.shape[0], dtype=x.dtype)
    deg = jnp.zeros((num_nodes,), dtype=x.dtype).at[dst].add(ones)
    deg_inv_sqrt = jnp.where(deg > 0, deg ** -0.5, 0.0)
    norm = deg_inv_sqrt[src] * deg_inv_sqrt[dst]
    h = x @ W
    msg = h[src] * norm[:, None]
    out = jnp.zeros_like(h).at[dst].add(msg)
    return out + b


def setup_inputs(seed: int = 0) -> dict:
    key = jax.random.key(seed)
    ks = jax.random.split(key, 10)
    x = jax.random.normal(ks[0], (N_NODES, D_IN), dtype=jnp.float32)
    edge_index = jax.random.randint(ks[1], (2, N_EDGES), 0, N_NODES, dtype=jnp.int64)
    W1 = jax.random.normal(ks[2], (D_IN, D_HID), dtype=jnp.float32) * 0.05
    b1 = jnp.zeros((D_HID,), dtype=jnp.float32)
    W2 = jax.random.normal(ks[3], (D_HID, D_HID), dtype=jnp.float32) * 0.05
    b2 = jnp.zeros((D_HID,), dtype=jnp.float32)
    Wenc = jax.random.normal(ks[4], (D_IN, D_HID), dtype=jnp.float32) * 0.05
    benc = jnp.zeros((D_HID,), dtype=jnp.float32)
    Wfc = jax.random.normal(ks[5], (D_HID, 1), dtype=jnp.float32) * 0.05
    bfc = jnp.zeros((1,), dtype=jnp.float32)
    return {"x": x, "edge_index": edge_index, "W1": W1, "b1": b1, "W2": W2, "b2": b2,
            "Wenc": Wenc, "benc": benc, "Wfc": Wfc, "bfc": bfc}


def reference(x, edge_index, W1, b1, W2, b2, Wenc, benc, Wfc, bfc):
    # conv1 + encoder skip
    x_conv = jax.nn.relu(gcn_conv(x, edge_index, W1, b1))
    x_fc = jax.nn.relu(x @ Wenc + benc)
    h = x_conv + x_fc
    # dropout p=0.0 (eval) -> no-op
    x_conv2 = jax.nn.relu(gcn_conv(h, edge_index, W2, b2))
    h = x_conv2 + h
    # global_mean_pool with batch = all zeros -> mean over all nodes -> [1, d]
    pooled = jnp.mean(h, axis=0, keepdims=True)
    predict = jax.nn.sigmoid(pooled @ Wfc + bfc)
    return predict

if __name__ == "__main__":
    import jax
    _d = setup_inputs()
    print(jax.jit(kernel)(*tuple(_d.values())))

</pallas_src>

<mosaic_0001>
#map = affine_map<(d0, d1) -> (0, 0, 0, 0)>
#map1 = affine_map<(d0, d1) -> (0, 0)>
module attributes {stable_mosaic.version = 14 : i64} {
  func.func @_deg_body(%arg0: i32, %arg1: i32, %arg2: memref<2x32x80x128xi32, #tpu.memory_space<hbm>>, %arg3: memref<2x10240xf32, #tpu.memory_space<hbm>>, %arg4: memref<10240xf32, #tpu.memory_space<vmem>>, %arg5: memref<80x128xi32, #tpu.memory_space<vmem>>, %arg6: memref<640xf32, #tpu.memory_space<vmem>>, %arg7: memref<640xf32, #tpu.memory_space<vmem>>, %arg8: memref<16x10240xf32, #tpu.memory_space<vmem_shared>>) attributes {dimension_semantics = [#tpu.dimension_semantics<core_parallel>, #tpu.dimension_semantics<subcore_parallel>], iteration_bounds = array<i64: 2, 16>, scalar_prefetch = 0 : i64, scratch_operands = 5 : i64, tpu.core_type = #tpu.core_type<sc_vector_subcore>, window_params = [{transform_indices = #map}, {transform_indices = #map1}]} {
    %mul3A = arith.constant 2 : i32
    %mul3A_0 = arith.muli %arg1, %mul3A : i32
    %add3A = arith.addi %mul3A_0, %arg0 : i32
    %broadcast_in_dim3A = arith.constant 0.000000e+00 : f32
    %broadcast_in_dim3A_1 = vector.broadcast %broadcast_in_dim3A : f32 to vector<16xf32>
    %scan3A = arith.constant 0 : i32
    %scan3A_2 = arith.constant 640 : i32
    %scan3A_3 = arith.addi %scan3A, %scan3A_2 : i32
    %scan3A_4 = arith.constant 1 : i32
    scf.for %scan3A_20 = %scan3A to %scan3A_3 step %scan3A_4  : i32 {
      %mul3A_21 = arith.constant 16 : i32
      %mul3A_22 = arith.muli %scan3A_20, %mul3A_21 : i32
      %swap3A = arith.index_cast %mul3A_22 : i32 to index
      %swap3A_23 = tpu.vector_load %arg4[%swap3A] {strides = array<i32>} : memref<10240xf32, #tpu.memory_space<vmem>>, vector<16xf32>,
      tpu.vector_store %arg4[%swap3A], %broadcast_in_dim3A_1 {strides = array<i32>} : memref<10240xf32, #tpu.memory_space<vmem>>, vector<16xf32>,
    }
    %scan3A_5 = arith.constant 640 : i32
    %run_scoped3A = arith.constant 1 : i32
    "tpu.region"() ({
      %run_scoped3A_20 = tpu.sem_alloc : memref<!tpu.dma_semaphore, #tpu.memory_space<semaphore_mem>>
      %dma_start3A = arith.constant 0 : i32
      %dma_start3A_21 = arith.constant 0 : i32
      %dma_start3A_22 = tpu.memref_slice %arg2[%run_scoped3A, %add3A, %dma_start3A, %dma_start3A_21] : memref<2x32x80x128xi32, #tpu.memory_space<hbm>> -> memref<1x1x80x128xi32, #tpu.memory_space<hbm>>
      %dma_start3A_23 = tpu.memref_squeeze %dma_start3A_22 : memref<1x1x80x128xi32, #tpu.memory_space<hbm>> -> memref<80x128xi32, #tpu.memory_space<hbm>>
      %dma_start3A_24 = arith.constant 0 : i32
      %dma_start3A_25 = arith.constant 0 : i32
      %dma_start3A_26 = tpu.memref_slice %arg2[%run_scoped3A, %add3A, %dma_start3A_24, %dma_start3A_25] : memref<2x32x80x128xi32, #tpu.memory_space<hbm>> -> memref<1x1x80x128xi32, #tpu.memory_space<hbm>>
      %dma_start3A_27 = tpu.memref_squeeze %dma_start3A_26 : memref<1x1x80x128xi32, #tpu.memory_space<hbm>> -> memref<80x128xi32, #tpu.memory_space<hbm>>
      tpu.enqueue_dma source(%dma_start3A_27 : memref<80x128xi32, #tpu.memory_space<hbm>>) target(%arg5 : memref<80x128xi32, #tpu.memory_space<vmem>>) target_semaphore(%run_scoped3A_20 : memref<!tpu.dma_semaphore, #tpu.memory_space<semaphore_mem>>)
      %dma_wait3A = arith.constant 0 : i32
      %dma_wait3A_28 = arith.constant 0 : i32
      %dma_wait3A_29 = tpu.memref_slice %arg2[%run_scoped3A, %add3A, %dma_wait3A, %dma_wait3A_28] : memref<2x32x80x128xi32, #tpu.memory_space<hbm>> -> memref<1x1x80x128xi32, #tpu.memory_space<hbm>>
      %dma_wait3A_30 = tpu.memref_squeeze %dma_wait3A_29 : memref<1x1x80x128xi32, #tpu.memory_space<hbm>> -> memref<80x128xi32, #tpu.memory_space<hbm>>
      %dma_wait3A_31 = arith.constant 0 : i32
      %dma_wait3A_32 = arith.constant 0 : i32
      %dma_wait3A_33 = tpu.memref_slice %arg2[%run_scoped3A, %add3A, %dma_wait3A_31, %dma_wait3A_32] : memref<2x32x80x128xi32, #tpu.memory_space<hbm>> -> memref<1x1x80x128xi32, #tpu.memory_space<hbm>>
      %dma_wait3A_34 = tpu.memref_squeeze %dma_wait3A_33 : memref<1x1x80x128xi32, #tpu.memory_space<hbm>> -> memref<80x128xi32, #tpu.memory_space<hbm>>
      tpu.wait_dma2 semaphore(%run_scoped3A_20 : memref<!tpu.dma_semaphore, #tpu.memory_space<semaphore_mem>>) src(%dma_wait3A_34 : memref<80x128xi32, #tpu.memory_space<hbm>>) dst(%arg5 : memref<80x128xi32, #tpu.memory_space<vmem>>)
      tpu.yield
    }) : () -> ()
    %parallel_loop3A = arith.constant 0 : i32
    %parallel_loop3A_6 = arith.constant 80 : i32
    %parallel_loop3A_7 = arith.constant 1 : i32
    scf.for %parallel_loop3A_20 = %parallel_loop3A to %parallel_loop3A_6 step %parallel_loop3A_7  : i32 {
      %parallel_loop3A_21 = arith.index_cast %parallel_loop3A_20 : i32 to index
      %parallel_loop3A_22 = arith.constant 0 : index
      %parallel_loop3A_23 = tpu.vector_load %arg5[%parallel_loop3A_21, %parallel_loop3A_22] {strides = array<i32>} : memref<80x128xi32, #tpu.memory_space<vmem>>, vector<16xi32>,
      %parallel_loop3A_24 = arith.constant true
      %parallel_loop3A_25 = vector.broadcast %parallel_loop3A_24 : i1 to vector<16xi1>
      %parallel_loop3A_26, %parallel_loop3A_27 = tpu.scan_count mask(%parallel_loop3A_25 : vector<16xi1>) value(%parallel_loop3A_23 : vector<16xi32>) : vector<16xi1>, vector<16xi32>
      %parallel_loop3A_28 = arith.sitofp %parallel_loop3A_27 : vector<16xi32> to vector<16xf32>
      tpu.vector_store_idx %arg4[%parallel_loop3A_23], %parallel_loop3A_28 masked %parallel_loop3A_26 {add = true} : memref<10240xf32, #tpu.memory_space<vmem>>[vector<16xi32>], vector<16xf32>, vector<16xi1>
      %parallel_loop3A_29 = arith.index_cast %parallel_loop3A_20 : i32 to index
      %parallel_loop3A_30 = arith.constant 16 : index
      %parallel_loop3A_31 = tpu.vector_load %arg5[%parallel_loop3A_29, %parallel_loop3A_30] {strides = array<i32>} : memref<80x128xi32, #tpu.memory_space<vmem>>, vector<16xi32>,
      %parallel_loop3A_32 = arith.constant true
      %parallel_loop3A_33 = vector.broadcast %parallel_loop3A_32 : i1 to vector<16xi1>
      %parallel_loop3A_34, %parallel_loop3A_35 = tpu.scan_count mask(%parallel_loop3A_33 : vector<16xi1>) value(%parallel_loop3A_31 : vector<16xi32>) : vector<16xi1>, vector<16xi32>
      %parallel_loop3A_36 = arith.sitofp %parallel_loop3A_35 : vector<16xi32> to vector<16xf32>
      tpu.vector_store_idx %arg4[%parallel_loop3A_31], %parallel_loop3A_36 masked %parallel_loop3A_34 {add = true} : memref<10240xf32, #tpu.memory_space<vmem>>[vector<16xi32>], vector<16xf32>, vector<16xi1>
      %parallel_loop3A_37 = arith.index_cast %parallel_loop3A_20 : i32 to index
      %parallel_loop3A_38 = arith.constant 32 : index
      %parallel_loop3A_39 = tpu.vector_load %arg5[%parallel_loop3A_37, %parallel_loop3A_38] {strides = array<i32>} : memref<80x128xi32, #tpu.memory_space<vmem>>, vector<16xi32>,
      %parallel_loop3A_40 = arith.constant true
      %parallel_loop3A_41 = vector.broadcast %parallel_loop3A_40 : i1 to vector<16xi1>
      %parallel_loop3A_42, %parallel_loop3A_43 = tpu.scan_count mask(%parallel_loop3A_41 : vector<16xi1>) value(%parallel_loop3A_39 : vector<16xi32>) : vector<16xi1>, vector<16xi32>
      %parallel_loop3A_44 = arith.sitofp %parallel_loop3A_43 : vector<16xi32> to vector<16xf32>
      tpu.vector_store_idx %arg4[%parallel_loop3A_39], %parallel_loop3A_44 masked %parallel_loop3A_42 {add = true} : memref<10240xf32, #tpu.memory_space<vmem>>[vector<16xi32>], vector<16xf32>, vector<16xi1>
      %parallel_loop3A_45 = arith.index_cast %parallel_loop3A_20 : i32 to index
      %parallel_loop3A_46 = arith.constant 48 : index
      %parallel_loop3A_47 = tpu.vector_load %arg5[%parallel_loop3A_45, %parallel_loop3A_46] {strides = array<i32>} : memref<80x128xi32, #tpu.memory_space<vmem>>, vector<16xi32>,
      %parallel_loop3A_48 = arith.constant true
      %parallel_loop3A_49 = vector.broadcast %parallel_loop3A_48 : i1 to vector<16xi1>
      %parallel_loop3A_50, %parallel_loop3A_51 = tpu.scan_count mask(%parallel_loop3A_49 : vector<16xi1>) value(%parallel_loop3A_47 : vector<16xi32>) : vector<16xi1>, vector<16xi32>
      %parallel_loop3A_52 = arith.sitofp %parallel_loop3A_51 : vector<16xi32> to vector<16xf32>
      tpu.vector_store_idx %arg4[%parallel_loop3A_47], %parallel_loop3A_52 masked %parallel_loop3A_50 {add = true} : memref<10240xf32, #tpu.memory_space<vmem>>[vector<16xi32>], vector<16xf32>, vector<16xi1>
      %parallel_loop3A_53 = arith.index_cast %parallel_loop3A_20 : i32 to index
      %parallel_loop3A_54 = arith.constant 64 : index
      %parallel_loop3A_55 = tpu.vector_load %arg5[%parallel_loop3A_53, %parallel_loop3A_54] {strides = array<i32>} : memref<80x128xi32, #tpu.memory_space<vmem>>, vector<16xi32>,
      %parallel_loop3A_56 = arith.constant true
      %parallel_loop3A_57 = vector.broadcast %parallel_loop3A_56 : i1 to vector<16xi1>
      %parallel_loop3A_58, %parallel_loop3A_59 = tpu.scan_count mask(%parallel_loop3A_57 : vector<16xi1>) value(%parallel_loop3A_55 : vector<16xi32>) : vector<16xi1>, vector<16xi32>
      %parallel_loop3A_60 = arith.sitofp %parallel_loop3A_59 : vector<16xi32> to vector<16xf32>
      tpu.vector_store_idx %arg4[%parallel_loop3A_55], %parallel_loop3A_60 masked %parallel_loop3A_58 {add = true} : memref<10240xf32, #tpu.memory_space<vmem>>[vector<16xi32>], vector<16xf32>, vector<16xi1>
      %parallel_loop3A_61 = arith.index_cast %parallel_loop3A_20 : i32 to index
      %parallel_loop3A_62 = arith.constant 80 : index
      %parallel_loop3A_63 = tpu.vector_load %arg5[%parallel_loop3A_61, %parallel_loop3A_62] {strides = array<i32>} : memref<80x128xi32, #tpu.memory_space<vmem>>, vector<16xi32>,
      %parallel_loop3A_64 = arith.constant true
      %parallel_loop3A_65 = vector.broadcast %parallel_loop3A_64 : i1 to vector<16xi1>
      %parallel_loop3A_66, %parallel_loop3A_67 = tpu.scan_count mask(%parallel_loop3A_65 : vector<16xi1>) value(%parallel_loop3A_63 : vector<16xi32>) : vector<16xi1>, vector<16xi32>
      %parallel_loop3A_68 = arith.sitofp %parallel_loop3A_67 : vector<16xi32> to vector<16xf32>
      tpu.vector_store_idx %arg4[%parallel_loop3A_63], %parallel_loop3A_68 masked %parallel_loop3A_66 {add = true} : memref<10240xf32, #tpu.memory_space<vmem>>[vector<16xi32>], vector<16xf32>, vector<16xi1>
      %parallel_loop3A_69 = arith.index_cast %parallel_loop3A_20 : i32 to index
      %parallel_loop3A_70 = arith.constant 96 : index
      %parallel_loop3A_71 = tpu.vector_load %arg5[%parallel_loop3A_69, %parallel_loop3A_70] {strides = array<i32>} : memref<80x128xi32, #tpu.memory_space<vmem>>, vector<16xi32>,
      %parallel_loop3A_72 = arith.constant true
      %parallel_loop3A_73 = vector.broadcast %parallel_loop3A_72 : i1 to vector<16xi1>
      %parallel_loop3A_74, %parallel_loop3A_75 = tpu.scan_count mask(%parallel_loop3A_73 : vector<16xi1>) value(%parallel_loop3A_71 : vector<16xi32>) : vector<16xi1>, vector<16xi32>
      %parallel_loop3A_76 = arith.sitofp %parallel_loop3A_75 : vector<16xi32> to vector<16xf32>
      tpu.vector_store_idx %arg4[%parallel_loop3A_71], %parallel_loop3A_76 masked %parallel_loop3A_74 {add = true} : memref<10240xf32, #tpu.memory_space<vmem>>[vector<16xi32>], vector<16xf32>, vector<16xi1>
      %parallel_loop3A_77 = arith.index_cast %parallel_loop3A_20 : i32 to index
      %parallel_loop3A_78 = arith.constant 112 : index
      %parallel_loop3A_79 = tpu.vector_load %arg5[%parallel_loop3A_77, %parallel_loop3A_78] {strides = array<i32>} : memref<80x128xi32, #tpu.memory_space<vmem>>, vector<16xi32>,
      %parallel_loop3A_80 = arith.constant true
      %parallel_loop3A_81 = vector.broadcast %parallel_loop3A_80 : i1 to vector<16xi1>
      %parallel_loop3A_82, %parallel_loop3A_83 = tpu.scan_count mask(%parallel_loop3A_81 : vector<16xi1>) value(%parallel_loop3A_79 : vector<16xi32>) : vector<16xi1>, vector<16xi32>
      %parallel_loop3A_84 = arith.sitofp %parallel_loop3A_83 : vector<16xi32> to vector<16xf32>
      tpu.vector_store_idx %arg4[%parallel_loop3A_79], %parallel_loop3A_84 masked %parallel_loop3A_82 {add = true} : memref<10240xf32, #tpu.memory_space<vmem>>[vector<16xi32>], vector<16xf32>, vector<16xi1>
    } {sc.loop_unroll_factor = 4 : i64, sc.parallel_access}
    "tpu.region"() ({
      %run_scoped3A_20 = tpu.sem_alloc : memref<!tpu.dma_semaphore, #tpu.memory_space<semaphore_mem>>
      %dma_start3A = arith.constant 0 : i32
      %dma_start3A_21 = tpu.memref_slice %arg8[%arg1, %dma_start3A] : memref<16x10240xf32, #tpu.memory_space<vmem_shared>> -> memref<1x10240xf32, #tpu.memory_space<vmem_shared>>
      %dma_start3A_22 = tpu.memref_squeeze %dma_start3A_21 : memref<1x10240xf32, #tpu.memory_space<vmem_shared>> -> memref<10240xf32, #tpu.memory_space<vmem_shared>>
      %dma_start3A_23 = arith.constant 0 : i32
      %dma_start3A_24 = tpu.memref_slice %arg8[%arg1, %dma_start3A_23] : memref<16x10240xf32, #tpu.memory_space<vmem_shared>> -> memref<1x10240xf32, #tpu.memory_space<vmem_shared>>
      %dma_start3A_25 = tpu.memref_squeeze %dma_start3A_24 : memref<1x10240xf32, #tpu.memory_space<vmem_shared>> -> memref<10240xf32, #tpu.memory_space<vmem_shared>>
      tpu.enqueue_dma source(%arg4 : memref<10240xf32, #tpu.memory_space<vmem>>) target(%dma_start3A_25 : memref<10240xf32, #tpu.memory_space<vmem_shared>>) target_semaphore(%run_scoped3A_20 : memref<!tpu.dma_semaphore, #tpu.memory_space<semaphore_mem>>)
      %dma_wait3A = arith.constant 0 : i32
      %dma_wait3A_26 = tpu.memref_slice %arg8[%arg1, %dma_wait3A] : memref<16x10240xf32, #tpu.memory_space<vmem_shared>> -> memref<1x10240xf32, #tpu.memory_space<vmem_shared>>
      %dma_wait3A_27 = tpu.memref_squeeze %dma_wait3A_26 : memref<1x10240xf32, #tpu.memory_space<vmem_shared>> -> memref<10240xf32, #tpu.memory_space<vmem_shared>>
      %dma_wait3A_28 = arith.constant 0 : i32
      %dma_wait3A_29 = tpu.memref_slice %arg8[%arg1, %dma_wait3A_28] : memref<16x10240xf32, #tpu.memory_space<vmem_shared>> -> memref<1x10240xf32, #tpu.memory_space<vmem_shared>>
      %dma_wait3A_30 = tpu.memref_squeeze %dma_wait3A_29 : memref<1x10240xf32, #tpu.memory_space<vmem_shared>> -> memref<10240xf32, #tpu.memory_space<vmem_shared>>
      tpu.wait_dma2 semaphore(%run_scoped3A_20 : memref<!tpu.dma_semaphore, #tpu.memory_space<semaphore_mem>>) src(%arg4 : memref<10240xf32, #tpu.memory_space<vmem>>) dst(%dma_wait3A_30 : memref<10240xf32, #tpu.memory_space<vmem_shared>>)
      tpu.yield
    }) : () -> ()
    %barrier3A = arith.constant 0 : index
    tpu.barrier barrier_id(%barrier3A)
    %mul3A_8 = arith.constant 640 : i32
    %mul3A_9 = arith.muli %arg1, %mul3A_8 : i32
    %scan3A_10 = arith.constant 0 : i32
    %scan3A_11 = arith.constant 40 : i32
    %scan3A_12 = arith.addi %scan3A_10, %scan3A_11 : i32
    %scan3A_13 = arith.constant 1 : i32
    scf.for %scan3A_20 = %scan3A_10 to %scan3A_12 step %scan3A_13  : i32 {
      %mul3A_21 = arith.constant 16 : i32
      %mul3A_22 = arith.muli %scan3A_20, %mul3A_21 : i32
      %swap3A = arith.index_cast %mul3A_22 : i32 to index
      %swap3A_23 = tpu.vector_load %arg7[%swap3A] {strides = array<i32>} : memref<640xf32, #tpu.memory_space<vmem>>, vector<16xf32>,
      tpu.vector_store %arg7[%swap3A], %broadcast_in_dim3A_1 {strides = array<i32>} : memref<640xf32, #tpu.memory_space<vmem>>, vector<16xf32>,
    }
    %scan3A_14 = arith.constant 40 : i32
    %scan3A_15 = arith.constant 0 : i32
    %scan3A_16 = arith.constant 16 : i32
    %scan3A_17 = arith.addi %scan3A_15, %scan3A_16 : i32
    %scan3A_18 = arith.constant 1 : i32
    scf.for %scan3A_20 = %scan3A_15 to %scan3A_17 step %scan3A_18  : i32 {
      "tpu.region"() ({
        %run_scoped3A_24 = tpu.sem_alloc : memref<!tpu.dma_semaphore, #tpu.memory_space<semaphore_mem>>
        %dma_start3A = tpu.memref_slice %arg8[%scan3A_20, %mul3A_9] : memref<16x10240xf32, #tpu.memory_space<vmem_shared>> -> memref<1x640xf32, #tpu.memory_space<vmem_shared>>
        %dma_start3A_25 = tpu.memref_squeeze %dma_start3A : memref<1x640xf32, #tpu.memory_space<vmem_shared>> -> memref<640xf32, #tpu.memory_space<vmem_shared>>
        %dma_start3A_26 = tpu.memref_slice %arg8[%scan3A_20, %mul3A_9] : memref<16x10240xf32, #tpu.memory_space<vmem_shared>> -> memref<1x640xf32, #tpu.memory_space<vmem_shared>>
        %dma_start3A_27 = tpu.memref_squeeze %dma_start3A_26 : memref<1x640xf32, #tpu.memory_space<vmem_shared>> -> memref<640xf32, #tpu.memory_space<vmem_shared>>
        tpu.enqueue_dma source(%dma_start3A_27 : memref<640xf32, #tpu.memory_space<vmem_shared>>) target(%arg6 : memref<640xf32, #tpu.memory_space<vmem>>) target_semaphore(%run_scoped3A_24 : memref<!tpu.dma_semaphore, #tpu.memory_space<semaphore_mem>>)
        %dma_wait3A = tpu.memref_slice %arg8[%scan3A_20, %mul3A_9] : memref<16x10240xf32, #tpu.memory_space<vmem_shared>> -> memref<1x640xf32, #tpu.memory_space<vmem_shared>>
        %dma_wait3A_28 = tpu.memref_squeeze %dma_wait3A : memref<1x640xf32, #tpu.memory_space<vmem_shared>> -> memref<640xf32, #tpu.memory_space<vmem_shared>>
        %dma_wait3A_29 = tpu.memref_slice %arg8[%scan3A_20, %mul3A_9] : memref<16x10240xf32, #tpu.memory_space<vmem_shared>> -> memref<1x640xf32, #tpu.memory_space<vmem_shared>>
        %dma_wait3A_30 = tpu.memref_squeeze %dma_wait3A_29 : memref<1x640xf32, #tpu.memory_space<vmem_shared>> -> memref<640xf32, #tpu.memory_space<vmem_shared>>
        tpu.wait_dma2 semaphore(%run_scoped3A_24 : memref<!tpu.dma_semaphore, #tpu.memory_space<semaphore_mem>>) src(%dma_wait3A_30 : memref<640xf32, #tpu.memory_space<vmem_shared>>) dst(%arg6 : memref<640xf32, #tpu.memory_space<vmem>>)
        tpu.yield
      }) : () -> ()
      %parallel_loop3A_21 = arith.constant 0 : i32
      %parallel_loop3A_22 = arith.constant 40 : i32
      %parallel_loop3A_23 = arith.constant 1 : i32
      scf.for %parallel_loop3A_24 = %parallel_loop3A_21 to %parallel_loop3A_22 step %parallel_loop3A_23  : i32 {
        %parallel_loop3A_25 = arith.constant 16 : i32
        %parallel_loop3A_26 = arith.muli %parallel_loop3A_24, %parallel_loop3A_25 : i32
        %parallel_loop3A_27 = arith.index_cast %parallel_loop3A_26 : i32 to index
        %parallel_loop3A_28 = tpu.vector_load %arg7[%parallel_loop3A_27] {strides = array<i32>} : memref<640xf32, #tpu.memory_space<vmem>>, vector<16xf32>,
        %parallel_loop3A_29 = arith.index_cast %parallel_loop3A_26 : i32 to index
        %parallel_loop3A_30 = tpu.vector_load %arg6[%parallel_loop3A_29] {strides = array<i32>} : memref<640xf32, #tpu.memory_space<vmem>>, vector<16xf32>,
        %parallel_loop3A_31 = arith.addf %parallel_loop3A_28, %parallel_loop3A_30 : vector<16xf32>
        %parallel_loop3A_32 = arith.index_cast %parallel_loop3A_26 : i32 to index
        %parallel_loop3A_33 = tpu.vector_load %arg7[%parallel_loop3A_32] {strides = array<i32>} : memref<640xf32, #tpu.memory_space<vmem>>, vector<16xf32>,
        tpu.vector_store %arg7[%parallel_loop3A_32], %parallel_loop3A_31 {strides = array<i32>} : memref<640xf32, #tpu.memory_space<vmem>>, vector<16xf32>,
      } {sc.loop_unroll_factor = 4 : i64, sc.parallel_access}
    }
    %scan3A_19 = arith.constant 16 : i32
    "tpu.region"() ({
      %run_scoped3A_20 = tpu.sem_alloc : memref<!tpu.dma_semaphore, #tpu.memory_space<semaphore_mem>>
      %dma_start3A = tpu.memref_slice %arg3[%arg0, %mul3A_9] : memref<2x10240xf32, #tpu.memory_space<hbm>> -> memref<1x640xf32, #tpu.memory_space<hbm>>
      %dma_start3A_21 = tpu.memref_squeeze %dma_start3A : memref<1x640xf32, #tpu.memory_space<hbm>> -> memref<640xf32, #tpu.memory_space<hbm>>
      %dma_start3A_22 = tpu.memref_slice %arg3[%arg0, %mul3A_9] : memref<2x10240xf32, #tpu.memory_space<hbm>> -> memref<1x640xf32, #tpu.memory_space<hbm>>
      %dma_start3A_23 = tpu.memref_squeeze %dma_start3A_22 : memref<1x640xf32, #tpu.memory_space<hbm>> -> memref<640xf32, #tpu.memory_space<hbm>>
      tpu.enqueue_dma source(%arg7 : memref<640xf32, #tpu.memory_space<vmem>>) target(%dma_start3A_23 : memref<640xf32, #tpu.memory_space<hbm>>) target_semaphore(%run_scoped3A_20 : memref<!tpu.dma_semaphore, #tpu.memory_space<semaphore_mem>>)
      %dma_wait3A = tpu.memref_slice %arg3[%arg0, %mul3A_9] : memref<2x10240xf32, #tpu.memory_space<hbm>> -> memref<1x640xf32, #tpu.memory_space<hbm>>
      %dma_wait3A_24 = tpu.memref_squeeze %dma_wait3A : memref<1x640xf32, #tpu.memory_space<hbm>> -> memref<640xf32, #tpu.memory_space<hbm>>
      %dma_wait3A_25 = tpu.memref_slice %arg3[%arg0, %mul3A_9] : memref<2x10240xf32, #tpu.memory_space<hbm>> -> memref<1x640xf32, #tpu.memory_space<hbm>>
      %dma_wait3A_26 = tpu.memref_squeeze %dma_wait3A_25 : memref<1x640xf32, #tpu.memory_space<hbm>> -> memref<640xf32, #tpu.memory_space<hbm>>
      tpu.wait_dma2 semaphore(%run_scoped3A_20 : memref<!tpu.dma_semaphore, #tpu.memory_space<semaphore_mem>>) src(%arg7 : memref<640xf32, #tpu.memory_space<vmem>>) dst(%dma_wait3A_26 : memref<640xf32, #tpu.memory_space<hbm>>)
      tpu.yield
    }) : () -> ()
    return
  }
}

#map = affine_map<(d0, d1) -> (0, 0)>
#map1 = affine_map<(d0, d1) -> (0, 0, 0, 0)>
#map2 = affine_map<(d0, d1) -> (0, 0, 0)>
module attributes {stable_mosaic.version = 14 : i64} {
  func.func @_agg_body(%arg0: i32, %arg1: i32, %arg2: memref<10240x128xf32, #tpu.memory_space<hbm>>, %arg3: memref<2x32x80x128xi32, #tpu.memory_space<hbm>>, %arg4: memref<2x32x10240xi32, #tpu.memory_space<hbm>>, %arg5: memref<2x10240x128xf32, #tpu.memory_space<hbm>>, %arg6: memref<10240x128xf32, #tpu.memory_space<vmem_shared>>, %arg7: memref<2x128x128xf32, #tpu.memory_space<vmem>>, %arg8: memref<2x128xi32, #tpu.memory_space<vmem>>, %arg9: memref<80x128xi32, #tpu.memory_space<vmem>>, %arg10: memref<!tpu.dma_semaphore, #tpu.memory_space<semaphore_mem>>, %arg11: memref<!tpu.dma_semaphore, #tpu.memory_space<semaphore_mem>>, %arg12: memref<!tpu.dma_semaphore, #tpu.memory_space<semaphore_mem>>, %arg13: memref<!tpu.dma_semaphore, #tpu.memory_space<semaphore_mem>>, %arg14: memref<!tpu.dma_semaphore, #tpu.memory_space<semaphore_mem>>, %arg15: memref<!tpu.dma_semaphore, #tpu.memory_space<semaphore_mem>>) attributes {dimension_semantics = [#tpu.dimension_semantics<core_parallel>, #tpu.dimension_semantics<subcore_parallel>], iteration_bounds = array<i64: 2, 16>, scalar_prefetch = 0 : i64, scratch_operands = 10 : i64, tpu.core_type = #tpu.core_type<sc_vector_subcore>, window_params = [{transform_indices = #map}, {transform_indices = #map1}, {transform_indices = #map2}, {transform_indices = #map2}]} {
    %mul3A = arith.constant 2 : i32
    %mul3A_0 = arith.muli %arg1, %mul3A : i32
    %add3A = arith.addi %mul3A_0, %arg0 : i32
    %broadcast_in_dim3A = arith.constant 0.000000e+00 : f32
    %broadcast_in_dim3A_1 = vector.broadcast %broadcast_in_dim3A : f32 to vector<16xf32>
    %scan3A = arith.constant 0 : i32
    %scan3A_2 = arith.constant 128 : i32
    %scan3A_3 = arith.addi %scan3A, %scan3A_2 : i32
    %scan3A_4 = arith.constant 1 : i32
    scf.for %scan3A_69 = %scan3A to %scan3A_3 step %scan3A_4  : i32 {
      %scan3A_70 = arith.constant 0 : i32
      %scan3A_71 = arith.constant 8 : i32
      %scan3A_72 = arith.addi %scan3A_70, %scan3A_71 : i32
      %scan3A_73 = arith.constant 1 : i32
      scf.for %scan3A_75 = %scan3A_70 to %scan3A_72 step %scan3A_73  : i32 {
        %mul3A_76 = arith.constant 16 : i32
        %mul3A_77 = arith.muli %scan3A_75, %mul3A_76 : i32
        %swap3A = arith.constant 0 : i32
        %swap3A_78 = arith.index_cast %swap3A : i32 to index
        %swap3A_79 = arith.index_cast %scan3A_69 : i32 to index
        %swap3A_80 = arith.index_cast %mul3A_77 : i32 to index
        %swap3A_81 = tpu.vector_load %arg7[%swap3A_78, %swap3A_79, %swap3A_80] {strides = array<i32>} : memref<2x128x128xf32, #tpu.memory_space<vmem>>, vector<16xf32>,
        tpu.vector_store %arg7[%swap3A_78, %swap3A_79, %swap3A_80], %broadcast_in_dim3A_1 {strides = array<i32>} : memref<2x128x128xf32, #tpu.memory_space<vmem>>, vector<16xf32>,
      }
      %scan3A_74 = arith.constant 8 : i32
    }
    %scan3A_5 = arith.constant 128 : i32
    %scan3A_6 = arith.constant 0 : i32
    %scan3A_7 = arith.constant 5 : i32
    %scan3A_8 = arith.addi %scan3A_6, %scan3A_7 : i32
    %scan3A_9 = arith.constant 1 : i32
    scf.for %scan3A_69 = %scan3A_6 to %scan3A_8 step %scan3A_9  : i32 {
      %mul3A_70 = arith.constant 640 : i32
      %mul3A_71 = arith.muli %arg1, %mul3A_70 : i32
      %mul3A_72 = arith.constant 128 : i32
      %mul3A_73 = arith.muli %scan3A_69, %mul3A_72 : i32
      %add3A_74 = arith.addi %mul3A_71, %mul3A_73 : i32
      %run_scoped3A_75 = arith.constant 0 : i32
      "tpu.region"() ({
        %run_scoped3A_76 = tpu.sem_alloc : memref<!tpu.dma_semaphore, #tpu.memory_space<semaphore_mem>>
        %dma_start3A_77 = arith.constant 0 : i32
        %dma_start3A_78 = arith.constant 0 : i32
        %dma_start3A_79 = tpu.memref_slice %arg7[%run_scoped3A_75, %dma_start3A_77, %dma_start3A_78] : memref<2x128x128xf32, #tpu.memory_space<vmem>> -> memref<1x128x128xf32, #tpu.memory_space<vmem>>
        %dma_start3A_80 = tpu.memref_squeeze %dma_start3A_79 : memref<1x128x128xf32, #tpu.memory_space<vmem>> -> memref<128x128xf32, #tpu.memory_space<vmem>>
        %dma_start3A_81 = arith.constant 0 : i32
        %dma_start3A_82 = tpu.memref_slice %arg6[%add3A_74, %dma_start3A_81] : memref<10240x128xf32, #tpu.memory_space<vmem_shared>> -> memref<128x128xf32, #tpu.memory_space<vmem_shared>>
        %dma_start3A_83 = arith.constant 0 : i32
        %dma_start3A_84 = tpu.memref_slice %arg6[%add3A_74, %dma_start3A_83] : memref<10240x128xf32, #tpu.memory_space<vmem_shared>> -> memref<128x128xf32, #tpu.memory_space<vmem_shared>>
        %dma_start3A_85 = arith.constant 0 : i32
        %dma_start3A_86 = arith.constant 0 : i32
        %dma_start3A_87 = tpu.memref_slice %arg7[%run_scoped3A_75, %dma_start3A_85, %dma_start3A_86] : memref<2x128x128xf32, #tpu.memory_space<vmem>> -> memref<1x128x128xf32, #tpu.memory_space<vmem>>
        %dma_start3A_88 = tpu.memref_squeeze %dma_start3A_87 : memref<1x128x128xf32, #tpu.memory_space<vmem>> -> memref<128x128xf32, #tpu.memory_space<vmem>>
        tpu.enqueue_dma source(%dma_start3A_88 : memref<128x128xf32, #tpu.memory_space<vmem>>) target(%dma_start3A_84 : memref<128x128xf32, #tpu.memory_space<vmem_shared>>) target_semaphore(%run_scoped3A_76 : memref<!tpu.dma_semaphore, #tpu.memory_space<semaphore_mem>>)
        %dma_wait3A_89 = arith.constant 0 : i32
        %dma_wait3A_90 = arith.constant 0 : i32
        %dma_wait3A_91 = tpu.memref_slice %arg7[%run_scoped3A_75, %dma_wait3A_89, %dma_wait3A_90] : memref<2x128x128xf32, #tpu.memory_space<vmem>> -> memref<1x128x128xf32, #tpu.memory_space<vmem>>
        %dma_wait3A_92 = tpu.memref_squeeze %dma_wait3A_91 : memref<1x128x128xf32, #tpu.memory_space<vmem>> -> memref<128x128xf32, #tpu.memory_space<vmem>>
        %dma_wait3A_93 = arith.constant 0 : i32
        %dma_wait3A_94 = tpu.memref_slice %arg6[%add3A_74, %dma_wait3A_93] : memref<10240x128xf32, #tpu.memory_space<vmem_shared>> -> memref<128x128xf32, #tpu.memory_space<vmem_shared>>
        %dma_wait3A_95 = arith.constant 0 : i32
        %dma_wait3A_96 = tpu.memref_slice %arg6[%add3A_74, %dma_wait3A_95] : memref<10240x128xf32, #tpu.memory_space<vmem_shared>> -> memref<128x128xf32, #tpu.memory_space<vmem_shared>>
        %dma_wait3A_97 = arith.constant 0 : i32
        %dma_wait3A_98 = arith.constant 0 : i32
        %dma_wait3A_99 = tpu.memref_slice %arg7[%run_scoped3A_75, %dma_wait3A_97, %dma_wait3A_98] : memref<2x128x128xf32, #tpu.memory_space<vmem>> -> memref<1x128x128xf32, #tpu.memory_space<vmem>>
        %dma_wait3A_100 = tpu.memref_squeeze %dma_wait3A_99 : memref<1x128x128xf32, #tpu.memory_space<vmem>> -> memref<128x128xf32, #tpu.memory_space<vmem>>
        tpu.wait_dma2 semaphore(%run_scoped3A_76 : memref<!tpu.dma_semaphore, #tpu.memory_space<semaphore_mem>>) src(%dma_wait3A_100 : memref<128x128xf32, #tpu.memory_space<vmem>>) dst(%dma_wait3A_96 : memref<128x128xf32, #tpu.memory_space<vmem_shared>>)
        tpu.yield
      }) : () -> ()
    }
    %scan3A_10 = arith.constant 5 : i32
    %run_scoped3A = arith.constant 1 : i32
    "tpu.region"() ({
      %run_scoped3A_69 = tpu.sem_alloc : memref<!tpu.dma_semaphore, #tpu.memory_space<semaphore_mem>>
      %dma_start3A_70 = arith.constant 0 : i32
      %dma_start3A_71 = arith.constant 0 : i32
      %dma_start3A_72 = tpu.memref_slice %arg3[%run_scoped3A, %add3A, %dma_start3A_70, %dma_start3A_71] : memref<2x32x80x128xi32, #tpu.memory_space<hbm>> -> memref<1x1x80x128xi32, #tpu.memory_space<hbm>>
      %dma_start3A_73 = tpu.memref_squeeze %dma_start3A_72 : memref<1x1x80x128xi32, #tpu.memory_space<hbm>> -> memref<80x128xi32, #tpu.memory_space<hbm>>
      %dma_start3A_74 = arith.constant 0 : i32
      %dma_start3A_75 = arith.constant 0 : i32
      %dma_start3A_76 = tpu.memref_slice %arg3[%run_scoped3A, %add3A, %dma_start3A_74, %dma_start3A_75] : memref<2x32x80x128xi32, #tpu.memory_space<hbm>> -> memref<1x1x80x128xi32, #tpu.memory_space<hbm>>
      %dma_start3A_77 = tpu.memref_squeeze %dma_start3A_76 : memref<1x1x80x128xi32, #tpu.memory_space<hbm>> -> memref<80x128xi32, #tpu.memory_space<hbm>>
      tpu.enqueue_dma source(%dma_start3A_77 : memref<80x128xi32, #tpu.memory_space<hbm>>) target(%arg9 : memref<80x128xi32, #tpu.memory_space<vmem>>) target_semaphore(%run_scoped3A_69 : memref<!tpu.dma_semaphore, #tpu.memory_space<semaphore_mem>>)
      %dma_wait3A_78 = arith.constant 0 : i32
      %dma_wait3A_79 = arith.constant 0 : i32
      %dma_wait3A_80 = tpu.memref_slice %arg3[%run_scoped3A, %add3A, %dma_wait3A_78, %dma_wait3A_79] : memref<2x32x80x128xi32, #tpu.memory_space<hbm>> -> memref<1x1x80x128xi32, #tpu.memory_space<hbm>>
      %dma_wait3A_81 = tpu.memref_squeeze %dma_wait3A_80 : memref<1x1x80x128xi32, #tpu.memory_space<hbm>> -> memref<80x128xi32, #tpu.memory_space<hbm>>
      %dma_wait3A_82 = arith.constant 0 : i32
      %dma_wait3A_83 = arith.constant 0 : i32
      %dma_wait3A_84 = tpu.memref_slice %arg3[%run_scoped3A, %add3A, %dma_wait3A_82, %dma_wait3A_83] : memref<2x32x80x128xi32, #tpu.memory_space<hbm>> -> memref<1x1x80x128xi32, #tpu.memory_space<hbm>>
      %dma_wait3A_85 = tpu.memref_squeeze %dma_wait3A_84 : memref<1x1x80x128xi32, #tpu.memory_space<hbm>> -> memref<80x128xi32, #tpu.memory_space<hbm>>
      tpu.wait_dma2 semaphore(%run_scoped3A_69 : memref<!tpu.dma_semaphore, #tpu.memory_space<semaphore_mem>>) src(%dma_wait3A_85 : memref<80x128xi32, #tpu.memory_space<hbm>>) dst(%arg9 : memref<80x128xi32, #tpu.memory_space<vmem>>)
      tpu.yield
    }) : () -> ()
    %barrier3A = arith.constant 0 : index
    tpu.barrier barrier_id(%barrier3A)
    %run_scoped3A_11 = arith.constant 0 : i32
    %run_scoped3A_12 = arith.constant 0 : i32
    "tpu.region"() ({
      %run_scoped3A_69 = tpu.sem_alloc : memref<!tpu.dma_semaphore, #tpu.memory_space<semaphore_mem>>
      %dma_start3A_70 = arith.constant 0 : i32
      %dma_start3A_71 = tpu.memref_slice %arg8[%run_scoped3A_12, %dma_start3A_70] : memref<2x128xi32, #tpu.memory_space<vmem>> -> memref<1x128xi32, #tpu.memory_space<vmem>>
      %dma_start3A_72 = tpu.memref_squeeze %dma_start3A_71 : memref<1x128xi32, #tpu.memory_space<vmem>> -> memref<128xi32, #tpu.memory_space<vmem>>
      %dma_start3A_73 = arith.constant 0 : i32
      %dma_start3A_74 = tpu.memref_slice %arg4[%run_scoped3A_11, %add3A, %dma_start3A_73] : memref<2x32x10240xi32, #tpu.memory_space<hbm>> -> memref<1x1x128xi32, #tpu.memory_space<hbm>>
      %dma_start3A_75 = tpu.memref_squeeze %dma_start3A_74 : memref<1x1x128xi32, #tpu.memory_space<hbm>> -> memref<128xi32, #tpu.memory_space<hbm>>
      %dma_start3A_76 = arith.constant 0 : i32
      %dma_start3A_77 = tpu.memref_slice %arg8[%run_scoped3A_12, %dma_start3A_76] : memref<2x128xi32, #tpu.memory_space<vmem>> -> memref<1x128xi32, #tpu.memory_space<vmem>>
      %dma_start3A_78 = tpu.memref_squeeze %dma_start3A_77 : memref<1x128xi32, #tpu.memory_space<vmem>> -> memref<128xi32, #tpu.memory_space<vmem>>
      %dma_start3A_79 = arith.constant 0 : i32
      %dma_start3A_80 = tpu.memref_slice %arg4[%run_scoped3A_11, %add3A, %dma_start3A_79] : memref<2x32x10240xi32, #tpu.memory_space<hbm>> -> memref<1x1x128xi32, #tpu.memory_space<hbm>>
      %dma_start3A_81 = tpu.memref_squeeze %dma_start3A_80 : memref<1x1x128xi32, #tpu.memory_space<hbm>> -> memref<128xi32, #tpu.memory_space<hbm>>
      tpu.enqueue_dma source(%dma_start3A_81 : memref<128xi32, #tpu.memory_space<hbm>>) target(%dma_start3A_78 : memref<128xi32, #tpu.memory_space<vmem>>) target_semaphore(%run_scoped3A_69 : memref<!tpu.dma_semaphore, #tpu.memory_space<semaphore_mem>>)
      %dma_wait3A_82 = arith.constant 0 : i32
      %dma_wait3A_83 = tpu.memref_slice %arg8[%run_scoped3A_12, %dma_wait3A_82] : memref<2x128xi32, #tpu.memory_space<vmem>> -> memref<1x128xi32, #tpu.memory_space<vmem>>
      %dma_wait3A_84 = tpu.memref_squeeze %dma_wait3A_83 : memref<1x128xi32, #tpu.memory_space<vmem>> -> memref<128xi32, #tpu.memory_space<vmem>>
      %dma_wait3A_85 = arith.constant 0 : i32
      %dma_wait3A_86 = tpu.memref_slice %arg4[%run_scoped3A_11, %add3A, %dma_wait3A_85] : memref<2x32x10240xi32, #tpu.memory_space<hbm>> -> memref<1x1x128xi32, #tpu.memory_space<hbm>>
      %dma_wait3A_87 = tpu.memref_squeeze %dma_wait3A_86 : memref<1x1x128xi32, #tpu.memory_space<hbm>> -> memref<128xi32, #tpu.memory_space<hbm>>
      %dma_wait3A_88 = arith.constant 0 : i32
      %dma_wait3A_89 = tpu.memref_slice %arg8[%run_scoped3A_12, %dma_wait3A_88] : memref<2x128xi32, #tpu.memory_space<vmem>> -> memref<1x128xi32, #tpu.memory_space<vmem>>
      %dma_wait3A_90 = tpu.memref_squeeze %dma_wait3A_89 : memref<1x128xi32, #tpu.memory_space<vmem>> -> memref<128xi32, #tpu.memory_space<vmem>>
      %dma_wait3A_91 = arith.constant 0 : i32
      %dma_wait3A_92 = tpu.memref_slice %arg4[%run_scoped3A_11, %add3A, %dma_wait3A_91] : memref<2x32x10240xi32, #tpu.memory_space<hbm>> -> memref<1x1x128xi32, #tpu.memory_space<hbm>>
      %dma_wait3A_93 = tpu.memref_squeeze %dma_wait3A_92 : memref<1x1x128xi32, #tpu.memory_space<hbm>> -> memref<128xi32, #tpu.memory_space<hbm>>
      tpu.wait_dma2 semaphore(%run_scoped3A_69 : memref<!tpu.dma_semaphore, #tpu.memory_space<semaphore_mem>>) src(%dma_wait3A_93 : memref<128xi32, #tpu.memory_space<hbm>>) dst(%dma_wait3A_90 : memref<128xi32, #tpu.memory_space<vmem>>)
      tpu.yield
    }) : () -> ()
    %dma_start3A = arith.constant 0 : i32
    %dma_start3A_13 = arith.constant 0 : i32
    %dma_start3A_14 = arith.constant 0 : i32
    %dma_start3A_15 = arith.constant 0 : i32
    %dma_start3A_16 = tpu.memref_slice %arg7[%dma_start3A_13, %dma_start3A_14, %dma_start3A_15] : memref<2x128x128xf32, #tpu.memory_space<vmem>> -> memref<1x128x128xf32, #tpu.memory_space<vmem>>
    %dma_start3A_17 = tpu.memref_squeeze %dma_start3A_16 : memref<1x128x128xf32, #tpu.memory_space<vmem>> -> memref<128x128xf32, #tpu.memory_space<vmem>>
    %dma_start3A_18 = arith.constant 0 : i32
    %dma_start3A_19 = tpu.memref_slice %arg8[%dma_start3A, %dma_start3A_18] : memref<2x128xi32, #tpu.memory_space<vmem>> -> memref<1x128xi32, #tpu.memory_space<vmem>>
    %dma_start3A_20 = tpu.memref_squeeze %dma_start3A_19 : memref<1x128xi32, #tpu.memory_space<vmem>> -> memref<128xi32, #tpu.memory_space<vmem>>
    %dma_start3A_21 = arith.constant 0 : i32
    %dma_start3A_22 = arith.constant 0 : i32
    %dma_start3A_23 = tpu.memref_slice %arg2[%dma_start3A_21, %dma_start3A_22] : memref<10240x128xf32, #tpu.memory_space<hbm>> -> memref<10240x128xf32, #tpu.memory_space<hbm>>
    tpu.enqueue_indirect_dma source(%dma_start3A_23 : memref<10240x128xf32, #tpu.memory_space<hbm>>) target(%dma_start3A_17 : memref<128x128xf32, #tpu.memory_space<vmem>>) offsets(%dma_start3A_20 : memref<128xi32, #tpu.memory_space<vmem>>) semaphore(%arg10 : memref<!tpu.dma_semaphore, #tpu.memory_space<semaphore_mem>>)
    %dma_start3A_24 = arith.constant 0 : i32
    %dma_start3A_25 = arith.constant 1 : i32
    %dma_start3A_26 = arith.constant 0 : i32
    %dma_start3A_27 = tpu.memref_slice %arg8[%dma_start3A_25, %dma_start3A_26] : memref<2x128xi32, #tpu.memory_space<vmem>> -> memref<1x128xi32, #tpu.memory_space<vmem>>
    %dma_start3A_28 = tpu.memref_squeeze %dma_start3A_27 : memref<1x128xi32, #tpu.memory_space<vmem>> -> memref<128xi32, #tpu.memory_space<vmem>>
    %dma_start3A_29 = arith.constant 128 : i32
    %dma_start3A_30 = tpu.memref_slice %arg4[%dma_start3A_24, %add3A, %dma_start3A_29] : memref<2x32x10240xi32, #tpu.memory_space<hbm>> -> memref<1x1x128xi32, #tpu.memory_space<hbm>>
    %dma_start3A_31 = tpu.memref_squeeze %dma_start3A_30 : memref<1x1x128xi32, #tpu.memory_space<hbm>> -> memref<128xi32, #tpu.memory_space<hbm>>
    %dma_start3A_32 = arith.constant 0 : i32
    %dma_start3A_33 = tpu.memref_slice %arg8[%dma_start3A_25, %dma_start3A_32] : memref<2x128xi32, #tpu.memory_space<vmem>> -> memref<1x128xi32, #tpu.memory_space<vmem>>
    %dma_start3A_34 = tpu.memref_squeeze %dma_start3A_33 : memref<1x128xi32, #tpu.memory_space<vmem>> -> memref<128xi32, #tpu.memory_space<vmem>>
    %dma_start3A_35 = arith.constant 128 : i32
    %dma_start3A_36 = tpu.memref_slice %arg4[%dma_start3A_24, %add3A, %dma_start3A_35] : memref<2x32x10240xi32, #tpu.memory_space<hbm>> -> memref<1x1x128xi32, #tpu.memory_space<hbm>>
    %dma_start3A_37 = tpu.memref_squeeze %dma_start3A_36 : memref<1x1x128xi32, #tpu.memory_space<hbm>> -> memref<128xi32, #tpu.memory_space<hbm>>
    tpu.enqueue_dma source(%dma_start3A_37 : memref<128xi32, #tpu.memory_space<hbm>>) target(%dma_start3A_34 : memref<128xi32, #tpu.memory_space<vmem>>) target_semaphore(%arg13 : memref<!tpu.dma_semaphore, #tpu.memory_space<semaphore_mem>>)
    %scan3A_38 = arith.constant 0 : i32
    %scan3A_39 = arith.constant 40 : i32
    %scan3A_40 = arith.addi %scan3A_38, %scan3A_39 : i32
    %scan3A_41 = arith.constant 1 : i32
    scf.for %scan3A_69 = %scan3A_38 to %scan3A_40 step %scan3A_41  : i32 {
      %mul3A_70 = arith.constant 2 : i32
      %mul3A_71 = arith.muli %scan3A_69, %mul3A_70 : i32
      %add3A_72 = arith.constant 0 : i32
      %add3A_73 = arith.addi %mul3A_71, %add3A_72 : i32
      %dma_wait3A_74 = arith.constant 0 : i32
      %dma_wait3A_75 = arith.constant 0 : i32
      %dma_wait3A_76 = arith.constant 0 : i32
      %dma_wait3A_77 = arith.constant 0 : i32
      %dma_wait3A_78 = tpu.memref_slice %arg7[%dma_wait3A_75, %dma_wait3A_76, %dma_wait3A_77] : memref<2x128x128xf32, #tpu.memory_space<vmem>> -> memref<1x128x128xf32, #tpu.memory_space<vmem>>
      %dma_wait3A_79 = tpu.memref_squeeze %dma_wait3A_78 : memref<1x128x128xf32, #tpu.memory_space<vmem>> -> memref<128x128xf32, #tpu.memory_space<vmem>>
      %dma_wait3A_80 = arith.constant 0 : i32
      %dma_wait3A_81 = tpu.memref_slice %arg8[%dma_wait3A_74, %dma_wait3A_80] : memref<2x128xi32, #tpu.memory_space<vmem>> -> memref<1x128xi32, #tpu.memory_space<vmem>>
      %dma_wait3A_82 = tpu.memref_squeeze %dma_wait3A_81 : memref<1x128xi32, #tpu.memory_space<vmem>> -> memref<128xi32, #tpu.memory_space<vmem>>
      %dma_wait3A_83 = arith.constant 0 : i32
      %dma_wait3A_84 = arith.constant 0 : i32
      %dma_wait3A_85 = tpu.memref_slice %arg2[%dma_wait3A_83, %dma_wait3A_84] : memref<10240x128xf32, #tpu.memory_space<hbm>> -> memref<10240x128xf32, #tpu.memory_space<hbm>>
      tpu.wait_indirect_dma semaphore(%arg10 : memref<!tpu.dma_semaphore, #tpu.memory_space<semaphore_mem>>) src(%dma_wait3A_85 : memref<10240x128xf32, #tpu.memory_space<hbm>>) dst(%dma_wait3A_79 : memref<128x128xf32, #tpu.memory_space<vmem>>)
      %add3A_86 = arith.constant 2 : i32
      %add3A_87 = arith.addi %add3A_73, %add3A_86 : i32
      %lt3A = arith.constant 80 : i32
      %lt3A_88 = arith.cmpi slt, %add3A_87, %lt3A : i32
      %convert_element_type3A = arith.extui %lt3A_88 : i1 to i32
      %cond3A = arith.constant 0 : i32
      %cond3A_89 = arith.cmpi ne, %convert_element_type3A, %cond3A : i32
      scf.if %cond3A_89 {
        %add3A_149 = arith.constant 2 : i32
        %add3A_150 = arith.addi %add3A_73, %add3A_149 : i32
        %mul3A_151 = arith.constant 128 : i32
        %mul3A_152 = arith.muli %add3A_150, %mul3A_151 : i32
        %dma_start3A_153 = arith.constant 0 : i32
        %dma_start3A_154 = arith.constant 0 : i32
        %dma_start3A_155 = arith.constant 0 : i32
        %dma_start3A_156 = tpu.memref_slice %arg8[%dma_start3A_154, %dma_start3A_155] : memref<2x128xi32, #tpu.memory_space<vmem>> -> memref<1x128xi32, #tpu.memory_space<vmem>>
        %dma_start3A_157 = tpu.memref_squeeze %dma_start3A_156 : memref<1x128xi32, #tpu.memory_space<vmem>> -> memref<128xi32, #tpu.memory_space<vmem>>
        %dma_start3A_158 = tpu.memref_slice %arg4[%dma_start3A_153, %add3A, %mul3A_152] : memref<2x32x10240xi32, #tpu.memory_space<hbm>> -> memref<1x1x128xi32, #tpu.memory_space<hbm>>
        %dma_start3A_159 = tpu.memref_squeeze %dma_start3A_158 : memref<1x1x128xi32, #tpu.memory_space<hbm>> -> memref<128xi32, #tpu.memory_space<hbm>>
        %dma_start3A_160 = arith.constant 0 : i32
        %dma_start3A_161 = tpu.memref_slice %arg8[%dma_start3A_154, %dma_start3A_160] : memref<2x128xi32, #tpu.memory_space<vmem>> -> memref<1x128xi32, #tpu.memory_space<vmem>>
        %dma_start3A_162 = tpu.memref_squeeze %dma_start3A_161 : memref<1x128xi32, #tpu.memory_space<vmem>> -> memref<128xi32, #tpu.memory_space<vmem>>
        %dma_start3A_163 = tpu.memref_slice %arg4[%dma_start3A_153, %add3A, %mul3A_152] : memref<2x32x10240xi32, #tpu.memory_space<hbm>> -> memref<1x1x128xi32, #tpu.memory_space<hbm>>
        %dma_start3A_164 = tpu.memref_squeeze %dma_start3A_163 : memref<1x1x128xi32, #tpu.memory_space<hbm>> -> memref<128xi32, #tpu.memory_space<hbm>>
        tpu.enqueue_dma source(%dma_start3A_164 : memref<128xi32, #tpu.memory_space<hbm>>) target(%dma_start3A_162 : memref<128xi32, #tpu.memory_space<vmem>>) target_semaphore(%arg12 : memref<!tpu.dma_semaphore, #tpu.memory_space<semaphore_mem>>)
      } else {
      }
      %dma_start3A_90 = arith.constant 0 : i32
      %dma_start3A_91 = arith.constant 0 : i32
      %dma_start3A_92 = arith.constant 0 : i32
      %dma_start3A_93 = tpu.memref_slice %arg7[%dma_start3A_90, %dma_start3A_91, %dma_start3A_92] : memref<2x128x128xf32, #tpu.memory_space<vmem>> -> memref<1x128x128xf32, #tpu.memory_space<vmem>>
      %dma_start3A_94 = tpu.memref_squeeze %dma_start3A_93 : memref<1x128x128xf32, #tpu.memory_space<vmem>> -> memref<128x128xf32, #tpu.memory_space<vmem>>
      %dma_start3A_95 = arith.constant 0 : i32
      %dma_start3A_96 = tpu.memref_slice %arg9[%add3A_73, %dma_start3A_95] : memref<80x128xi32, #tpu.memory_space<vmem>> -> memref<1x128xi32, #tpu.memory_space<vmem>>
      %dma_start3A_97 = tpu.memref_squeeze %dma_start3A_96 : memref<1x128xi32, #tpu.memory_space<vmem>> -> memref<128xi32, #tpu.memory_space<vmem>>
      %dma_start3A_98 = arith.constant 0 : i32
      %dma_start3A_99 = arith.constant 0 : i32
      %dma_start3A_100 = tpu.memref_slice %arg6[%dma_start3A_98, %dma_start3A_99] : memref<10240x128xf32, #tpu.memory_space<vmem_shared>> -> memref<10240x128xf32, #tpu.memory_space<vmem_shared>>
      tpu.enqueue_indirect_dma source(%dma_start3A_94 : memref<128x128xf32, #tpu.memory_space<vmem>>) target(%dma_start3A_100 : memref<10240x128xf32, #tpu.memory_space<vmem_shared>>) offsets(%dma_start3A_97 : memref<128xi32, #tpu.memory_space<vmem>>) semaphore(%arg14 : memref<!tpu.dma_semaphore, #tpu.memory_space<semaphore_mem>>) {add = true}
      %add3A_101 = arith.constant 1 : i32
      %add3A_102 = arith.addi %add3A_73, %add3A_101 : i32
      %lt3A_103 = arith.constant 80 : i32
      %lt3A_104 = arith.cmpi slt, %add3A_102, %lt3A_103 : i32
      %convert_element_type3A_105 = arith.extui %lt3A_104 : i1 to i32
      %cond3A_106 = arith.constant 0 : i32
      %cond3A_107 = arith.cmpi ne, %convert_element_type3A_105, %cond3A_106 : i32
      scf.if %cond3A_107 {
        %ge3A = arith.constant 1 : i32
        %ge3A_149 = arith.cmpi sge, %add3A_73, %ge3A : i32
        %convert_element_type3A_150 = arith.extui %ge3A_149 : i1 to i32
        %cond3A_151 = arith.constant 0 : i32
        %cond3A_152 = arith.cmpi ne, %convert_element_type3A_150, %cond3A_151 : i32
        scf.if %cond3A_152 {
          %sub3A = arith.constant 1 : i32
          %sub3A_181 = arith.subi %add3A_73, %sub3A : i32
          %dma_wait3A_182 = arith.constant 1 : i32
          %dma_wait3A_183 = arith.constant 0 : i32
          %dma_wait3A_184 = arith.constant 0 : i32
          %dma_wait3A_185 = tpu.memref_slice %arg7[%dma_wait3A_182, %dma_wait3A_183, %dma_wait3A_184] : memref<2x128x128xf32, #tpu.memory_space<vmem>> -> memref<1x128x128xf32, #tpu.memory_space<vmem>>
          %dma_wait3A_186 = tpu.memref_squeeze %dma_wait3A_185 : memref<1x128x128xf32, #tpu.memory_space<vmem>> -> memref<128x128xf32, #tpu.memory_space<vmem>>
          %dma_wait3A_187 = arith.constant 0 : i32
          %dma_wait3A_188 = tpu.memref_slice %arg9[%sub3A_181, %dma_wait3A_187] : memref<80x128xi32, #tpu.memory_space<vmem>> -> memref<1x128xi32, #tpu.memory_space<vmem>>
          %dma_wait3A_189 = tpu.memref_squeeze %dma_wait3A_188 : memref<1x128xi32, #tpu.memory_space<vmem>> -> memref<128xi32, #tpu.memory_space<vmem>>
          %dma_wait3A_190 = arith.constant 0 : i32
          %dma_wait3A_191 = arith.constant 0 : i32
          %dma_wait3A_192 = tpu.memref_slice %arg6[%dma_wait3A_190, %dma_wait3A_191] : memref<10240x128xf32, #tpu.memory_space<vmem_shared>> -> memref<10240x128xf32, #tpu.memory_space<vmem_shared>>
          tpu.wait_indirect_dma semaphore(%arg15 : memref<!tpu.dma_semaphore, #tpu.memory_space<semaphore_mem>>) src(%dma_wait3A_186 : memref<128x128xf32, #tpu.memory_space<vmem>>) dst(%dma_wait3A_192 : memref<10240x128xf32, #tpu.memory_space<vmem_shared>>)
        } else {
        }
        %add3A_153 = arith.constant 1 : i32
        %add3A_154 = arith.addi %add3A_73, %add3A_153 : i32
        %mul3A_155 = arith.constant 128 : i32
        %mul3A_156 = arith.muli %add3A_154, %mul3A_155 : i32
        %dma_wait3A_157 = arith.constant 0 : i32
        %dma_wait3A_158 = arith.constant 1 : i32
        %dma_wait3A_159 = arith.constant 0 : i32
        %dma_wait3A_160 = tpu.memref_slice %arg8[%dma_wait3A_158, %dma_wait3A_159] : memref<2x128xi32, #tpu.memory_space<vmem>> -> memref<1x128xi32, #tpu.memory_space<vmem>>
        %dma_wait3A_161 = tpu.memref_squeeze %dma_wait3A_160 : memref<1x128xi32, #tpu.memory_space<vmem>> -> memref<128xi32, #tpu.memory_space<vmem>>
        %dma_wait3A_162 = tpu.memref_slice %arg4[%dma_wait3A_157, %add3A, %mul3A_156] : memref<2x32x10240xi32, #tpu.memory_space<hbm>> -> memref<1x1x128xi32, #tpu.memory_space<hbm>>
        %dma_wait3A_163 = tpu.memref_squeeze %dma_wait3A_162 : memref<1x1x128xi32, #tpu.memory_space<hbm>> -> memref<128xi32, #tpu.memory_space<hbm>>
        %dma_wait3A_164 = arith.constant 0 : i32
        %dma_wait3A_165 = tpu.memref_slice %arg8[%dma_wait3A_158, %dma_wait3A_164] : memref<2x128xi32, #tpu.memory_space<vmem>> -> memref<1x128xi32, #tpu.memory_space<vmem>>
        %dma_wait3A_166 = tpu.memref_squeeze %dma_wait3A_165 : memref<1x128xi32, #tpu.memory_space<vmem>> -> memref<128xi32, #tpu.memory_space<vmem>>
        %dma_wait3A_167 = tpu.memref_slice %arg4[%dma_wait3A_157, %add3A, %mul3A_156] : memref<2x32x10240xi32, #tpu.memory_space<hbm>> -> memref<1x1x128xi32, #tpu.memory_space<hbm>>
        %dma_wait3A_168 = tpu.memref_squeeze %dma_wait3A_167 : memref<1x1x128xi32, #tpu.memory_space<hbm>> -> memref<128xi32, #tpu.memory_space<hbm>>
        tpu.wait_dma2 semaphore(%arg13 : memref<!tpu.dma_semaphore, #tpu.memory_space<semaphore_mem>>) src(%dma_wait3A_168 : memref<128xi32, #tpu.memory_space<hbm>>) dst(%dma_wait3A_166 : memref<128xi32, #tpu.memory_space<vmem>>)
        %dma_start3A_169 = arith.constant 1 : i32
        %dma_start3A_170 = arith.constant 1 : i32
        %dma_start3A_171 = arith.constant 0 : i32
        %dma_start3A_172 = arith.constant 0 : i32
        %dma_start3A_173 = tpu.memref_slice %arg7[%dma_start3A_170, %dma_start3A_171, %dma_start3A_172] : memref<2x128x128xf32, #tpu.memory_space<vmem>> -> memref<1x128x128xf32, #tpu.memory_space<vmem>>
        %dma_start3A_174 = tpu.memref_squeeze %dma_start3A_173 : memref<1x128x128xf32, #tpu.memory_space<vmem>> -> memref<128x128xf32, #tpu.memory_space<vmem>>
        %dma_start3A_175 = arith.constant 0 : i32
        %dma_start3A_176 = tpu.memref_slice %arg8[%dma_start3A_169, %dma_start3A_175] : memref<2x128xi32, #tpu.memory_space<vmem>> -> memref<1x128xi32, #tpu.memory_space<vmem>>
        %dma_start3A_177 = tpu.memref_squeeze %dma_start3A_176 : memref<1x128xi32, #tpu.memory_space<vmem>> -> memref<128xi32, #tpu.memory_space<vmem>>
        %dma_start3A_178 = arith.constant 0 : i32
        %dma_start3A_179 = arith.constant 0 : i32
        %dma_start3A_180 = tpu.memref_slice %arg2[%dma_start3A_178, %dma_start3A_179] : memref<10240x128xf32, #tpu.memory_space<hbm>> -> memref<10240x128xf32, #tpu.memory_space<hbm>>
        tpu.enqueue_indirect_dma source(%dma_start3A_180 : memref<10240x128xf32, #tpu.memory_space<hbm>>) target(%dma_start3A_174 : memref<128x128xf32, #tpu.memory_space<vmem>>) offsets(%dma_start3A_177 : memref<128xi32, #tpu.memory_space<vmem>>) semaphore(%arg11 : memref<!tpu.dma_semaphore, #tpu.memory_space<semaphore_mem>>)
      } else {
      }
      %mul3A_108 = arith.constant 2 : i32
      %mul3A_109 = arith.muli %scan3A_69, %mul3A_108 : i32
      %add3A_110 = arith.constant 1 : i32
      %add3A_111 = arith.addi %mul3A_109, %add3A_110 : i32
      %dma_wait3A_112 = arith.constant 1 : i32
      %dma_wait3A_113 = arith.constant 1 : i32
      %dma_wait3A_114 = arith.constant 0 : i32
      %dma_wait3A_115 = arith.constant 0 : i32
      %dma_wait3A_116 = tpu.memref_slice %arg7[%dma_wait3A_113, %dma_wait3A_114, %dma_wait3A_115] : memref<2x128x128xf32, #tpu.memory_space<vmem>> -> memref<1x128x128xf32, #tpu.memory_space<vmem>>
      %dma_wait3A_117 = tpu.memref_squeeze %dma_wait3A_116 : memref<1x128x128xf32, #tpu.memory_space<vmem>> -> memref<128x128xf32, #tpu.memory_space<vmem>>
      %dma_wait3A_118 = arith.constant 0 : i32
      %dma_wait3A_119 = tpu.memref_slice %arg8[%dma_wait3A_112, %dma_wait3A_118] : memref<2x128xi32, #tpu.memory_space<vmem>> -> memref<1x128xi32, #tpu.memory_space<vmem>>
      %dma_wait3A_120 = tpu.memref_squeeze %dma_wait3A_119 : memref<1x128xi32, #tpu.memory_space<vmem>> -> memref<128xi32, #tpu.memory_space<vmem>>
      %dma_wait3A_121 = arith.constant 0 : i32
      %dma_wait3A_122 = arith.constant 0 : i32
      %dma_wait3A_123 = tpu.memref_slice %arg2[%dma_wait3A_121, %dma_wait3A_122] : memref<10240x128xf32, #tpu.memory_space<hbm>> -> memref<10240x128xf32, #tpu.memory_space<hbm>>
      tpu.wait_indirect_dma semaphore(%arg11 : memref<!tpu.dma_semaphore, #tpu.memory_space<semaphore_mem>>) src(%dma_wait3A_123 : memref<10240x128xf32, #tpu.memory_space<hbm>>) dst(%dma_wait3A_117 : memref<128x128xf32, #tpu.memory_space<vmem>>)
      %add3A_124 = arith.constant 2 : i32
      %add3A_125 = arith.addi %add3A_111, %add3A_124 : i32
      %lt3A_126 = arith.constant 80 : i32
      %lt3A_127 = arith.cmpi slt, %add3A_125, %lt3A_126 : i32
      %convert_element_type3A_128 = arith.extui %lt3A_127 : i1 to i32
      %cond3A_129 = arith.constant 0 : i32
      %cond3A_130 = arith.cmpi ne, %convert_element_type3A_128, %cond3A_129 : i32
      scf.if %cond3A_130 {
        %add3A_149 = arith.constant 2 : i32
        %add3A_150 = arith.addi %add3A_111, %add3A_149 : i32
        %mul3A_151 = arith.constant 128 : i32
        %mul3A_152 = arith.muli %add3A_150, %mul3A_151 : i32
        %dma_start3A_153 = arith.constant 0 : i32
        %dma_start3A_154 = arith.constant 1 : i32
        %dma_start3A_155 = arith.constant 0 : i32
        %dma_start3A_156 = tpu.memref_slice %arg8[%dma_start3A_154, %dma_start3A_155] : memref<2x128xi32, #tpu.memory_space<vmem>> -> memref<1x128xi32, #tpu.memory_space<vmem>>
        %dma_start3A_157 = tpu.memref_squeeze %dma_start3A_156 : memref<1x128xi32, #tpu.memory_space<vmem>> -> memref<128xi32, #tpu.memory_space<vmem>>
        %dma_start3A_158 = tpu.memref_slice %arg4[%dma_start3A_153, %add3A, %mul3A_152] : memref<2x32x10240xi32, #tpu.memory_space<hbm>> -> memref<1x1x128xi32, #tpu.memory_space<hbm>>
        %dma_start3A_159 = tpu.memref_squeeze %dma_start3A_158 : memref<1x1x128xi32, #tpu.memory_space<hbm>> -> memref<128xi32, #tpu.memory_space<hbm>>
        %dma_start3A_160 = arith.constant 0 : i32
        %dma_start3A_161 = tpu.memref_slice %arg8[%dma_start3A_154, %dma_start3A_160] : memref<2x128xi32, #tpu.memory_space<vmem>> -> memref<1x128xi32, #tpu.memory_space<vmem>>
        %dma_start3A_162 = tpu.memref_squeeze %dma_start3A_161 : memref<1x128xi32, #tpu.memory_space<vmem>> -> memref<128xi32, #tpu.memory_space<vmem>>
        %dma_start3A_163 = tpu.memref_slice %arg4[%dma_start3A_153, %add3A, %mul3A_152] : memref<2x32x10240xi32, #tpu.memory_space<hbm>> -> memref<1x1x128xi32, #tpu.memory_space<hbm>>
        %dma_start3A_164 = tpu.memref_squeeze %dma_start3A_163 : memref<1x1x128xi32, #tpu.memory_space<hbm>> -> memref<128xi32, #tpu.memory_space<hbm>>
        tpu.enqueue_dma source(%dma_start3A_164 : memref<128xi32, #tpu.memory_space<hbm>>) target(%dma_start3A_162 : memref<128xi32, #tpu.memory_space<vmem>>) target_semaphore(%arg13 : memref<!tpu.dma_semaphore, #tpu.memory_space<semaphore_mem>>)
      } else {
      }
      %dma_start3A_131 = arith.constant 1 : i32
      %dma_start3A_132 = arith.constant 0 : i32
      %dma_start3A_133 = arith.constant 0 : i32
      %dma_start3A_134 = tpu.memref_slice %arg7[%dma_start3A_131, %dma_start3A_132, %dma_start3A_133] : memref<2x128x128xf32, #tpu.memory_space<vmem>> -> memref<1x128x128xf32, #tpu.memory_space<vmem>>
      %dma_start3A_135 = tpu.memref_squeeze %dma_start3A_134 : memref<1x128x128xf32, #tpu.memory_space<vmem>> -> memref<128x128xf32, #tpu.memory_space<vmem>>
      %dma_start3A_136 = arith.constant 0 : i32
      %dma_start3A_137 = tpu.memref_slice %arg9[%add3A_111, %dma_start3A_136] : memref<80x128xi32, #tpu.memory_space<vmem>> -> memref<1x128xi32, #tpu.memory_space<vmem>>
      %dma_start3A_138 = tpu.memref_squeeze %dma_start3A_137 : memref<1x128xi32, #tpu.memory_space<vmem>> -> memref<128xi32, #tpu.memory_space<vmem>>
      %dma_start3A_139 = arith.constant 0 : i32
      %dma_start3A_140 = arith.constant 0 : i32
      %dma_start3A_141 = tpu.memref_slice %arg6[%dma_start3A_139, %dma_start3A_140] : memref<10240x128xf32, #tpu.memory_space<vmem_shared>> -> memref<10240x128xf32, #tpu.memory_space<vmem_shared>>
      tpu.enqueue_indirect_dma source(%dma_start3A_135 : memref<128x128xf32, #tpu.memory_space<vmem>>) target(%dma_start3A_141 : memref<10240x128xf32, #tpu.memory_space<vmem_shared>>) offsets(%dma_start3A_138 : memref<128xi32, #tpu.memory_space<vmem>>) semaphore(%arg15 : memref<!tpu.dma_semaphore, #tpu.memory_space<semaphore_mem>>) {add = true}
      %add3A_142 = arith.constant 1 : i32
      %add3A_143 = arith.addi %add3A_111, %add3A_142 : i32
      %lt3A_144 = arith.constant 80 : i32
      %lt3A_145 = arith.cmpi slt, %add3A_143, %lt3A_144 : i32
      %convert_element_type3A_146 = arith.extui %lt3A_145 : i1 to i32
      %cond3A_147 = arith.constant 0 : i32
      %cond3A_148 = arith.cmpi ne, %convert_element_type3A_146, %cond3A_147 : i32
      scf.if %cond3A_148 {
        %ge3A = arith.constant 1 : i32
        %ge3A_149 = arith.cmpi sge, %add3A_111, %ge3A : i32
        %convert_element_type3A_150 = arith.extui %ge3A_149 : i1 to i32
        %cond3A_151 = arith.constant 0 : i32
        %cond3A_152 = arith.cmpi ne, %convert_element_type3A_150, %cond3A_151 : i32
        scf.if %cond3A_152 {
          %sub3A = arith.constant 1 : i32
          %sub3A_181 = arith.subi %add3A_111, %sub3A : i32
          %dma_wait3A_182 = arith.constant 0 : i32
          %dma_wait3A_183 = arith.constant 0 : i32
          %dma_wait3A_184 = arith.constant 0 : i32
          %dma_wait3A_185 = tpu.memref_slice %arg7[%dma_wait3A_182, %dma_wait3A_183, %dma_wait3A_184] : memref<2x128x128xf32, #tpu.memory_space<vmem>> -> memref<1x128x128xf32, #tpu.memory_space<vmem>>
          %dma_wait3A_186 = tpu.memref_squeeze %dma_wait3A_185 : memref<1x128x128xf32, #tpu.memory_space<vmem>> -> memref<128x128xf32, #tpu.memory_space<vmem>>
          %dma_wait3A_187 = arith.constant 0 : i32
          %dma_wait3A_188 = tpu.memref_slice %arg9[%sub3A_181, %dma_wait3A_187] : memref<80x128xi32, #tpu.memory_space<vmem>> -> memref<1x128xi32, #tpu.memory_space<vmem>>
          %dma_wait3A_189 = tpu.memref_squeeze %dma_wait3A_188 : memref<1x128xi32, #tpu.memory_space<vmem>> -> memref<128xi32, #tpu.memory_space<vmem>>
          %dma_wait3A_190 = arith.constant 0 : i32
          %dma_wait3A_191 = arith.constant 0 : i32
          %dma_wait3A_192 = tpu.memref_slice %arg6[%dma_wait3A_190, %dma_wait3A_191] : memref<10240x128xf32, #tpu.memory_space<vmem_shared>> -> memref<10240x128xf32, #tpu.memory_space<vmem_shared>>
          tpu.wait_indirect_dma semaphore(%arg14 : memref<!tpu.dma_semaphore, #tpu.memory_space<semaphore_mem>>) src(%dma_wait3A_186 : memref<128x128xf32, #tpu.memory_space<vmem>>) dst(%dma_wait3A_192 : memref<10240x128xf32, #tpu.memory_space<vmem_shared>>)
        } else {
        }
        %add3A_153 = arith.constant 1 : i32
        %add3A_154 = arith.addi %add3A_111, %add3A_153 : i32
        %mul3A_155 = arith.constant 128 : i32
        %mul3A_156 = arith.muli %add3A_154, %mul3A_155 : i32
        %dma_wait3A_157 = arith.constant 0 : i32
        %dma_wait3A_158 = arith.constant 0 : i32
        %dma_wait3A_159 = arith.constant 0 : i32
        %dma_wait3A_160 = tpu.memref_slice %arg8[%dma_wait3A_158, %dma_wait3A_159] : memref<2x128xi32, #tpu.memory_space<vmem>> -> memref<1x128xi32, #tpu.memory_space<vmem>>
        %dma_wait3A_161 = tpu.memref_squeeze %dma_wait3A_160 : memref<1x128xi32, #tpu.memory_space<vmem>> -> memref<128xi32, #tpu.memory_space<vmem>>
        %dma_wait3A_162 = tpu.memref_slice %arg4[%dma_wait3A_157, %add3A, %mul3A_156] : memref<2x32x10240xi32, #tpu.memory_space<hbm>> -> memref<1x1x128xi32, #tpu.memory_space<hbm>>
        %dma_wait3A_163 = tpu.memref_squeeze %dma_wait3A_162 : memref<1x1x128xi32, #tpu.memory_space<hbm>> -> memref<128xi32, #tpu.memory_space<hbm>>
        %dma_wait3A_164 = arith.constant 0 : i32
        %dma_wait3A_165 = tpu.memref_slice %arg8[%dma_wait3A_158, %dma_wait3A_164] : memref<2x128xi32, #tpu.memory_space<vmem>> -> memref<1x128xi32, #tpu.memory_space<vmem>>
        %dma_wait3A_166 = tpu.memref_squeeze %dma_wait3A_165 : memref<1x128xi32, #tpu.memory_space<vmem>> -> memref<128xi32, #tpu.memory_space<vmem>>
        %dma_wait3A_167 = tpu.memref_slice %arg4[%dma_wait3A_157, %add3A, %mul3A_156] : memref<2x32x10240xi32, #tpu.memory_space<hbm>> -> memref<1x1x128xi32, #tpu.memory_space<hbm>>
        %dma_wait3A_168 = tpu.memref_squeeze %dma_wait3A_167 : memref<1x1x128xi32, #tpu.memory_space<hbm>> -> memref<128xi32, #tpu.memory_space<hbm>>
        tpu.wait_dma2 semaphore(%arg12 : memref<!tpu.dma_semaphore, #tpu.memory_space<semaphore_mem>>) src(%dma_wait3A_168 : memref<128xi32, #tpu.memory_space<hbm>>) dst(%dma_wait3A_166 : memref<128xi32, #tpu.memory_space<vmem>>)
        %dma_start3A_169 = arith.constant 0 : i32
        %dma_start3A_170 = arith.constant 0 : i32
        %dma_start3A_171 = arith.constant 0 : i32
        %dma_start3A_172 = arith.constant 0 : i32
        %dma_start3A_173 = tpu.memref_slice %arg7[%dma_start3A_170, %dma_start3A_171, %dma_start3A_172] : memref<2x128x128xf32, #tpu.memory_space<vmem>> -> memref<1x128x128xf32, #tpu.memory_space<vmem>>
        %dma_start3A_174 = tpu.memref_squeeze %dma_start3A_173 : memref<1x128x128xf32, #tpu.memory_space<vmem>> -> memref<128x128xf32, #tpu.memory_space<vmem>>
        %dma_start3A_175 = arith.constant 0 : i32
        %dma_start3A_176 = tpu.memref_slice %arg8[%dma_start3A_169, %dma_start3A_175] : memref<2x128xi32, #tpu.memory_space<vmem>> -> memref<1x128xi32, #tpu.memory_space<vmem>>
        %dma_start3A_177 = tpu.memref_squeeze %dma_start3A_176 : memref<1x128xi32, #tpu.memory_space<vmem>> -> memref<128xi32, #tpu.memory_space<vmem>>
        %dma_start3A_178 = arith.constant 0 : i32
        %dma_start3A_179 = arith.constant 0 : i32
        %dma_start3A_180 = tpu.memref_slice %arg2[%dma_start3A_178, %dma_start3A_179] : memref<10240x128xf32, #tpu.memory_space<hbm>> -> memref<10240x128xf32, #tpu.memory_space<hbm>>
        tpu.enqueue_indirect_dma source(%dma_start3A_180 : memref<10240x128xf32, #tpu.memory_space<hbm>>) target(%dma_start3A_174 : memref<128x128xf32, #tpu.memory_space<vmem>>) offsets(%dma_start3A_177 : memref<128xi32, #tpu.memory_space<vmem>>) semaphore(%arg10 : memref<!tpu.dma_semaphore, #tpu.memory_space<semaphore_mem>>)
      } else {
      }
    }
    %scan3A_42 = arith.constant 40 : i32
    %dma_wait3A = arith.constant 0 : i32
    %dma_wait3A_43 = arith.constant 78 : i32
    %dma_wait3A_44 = arith.constant 0 : i32
    %dma_wait3A_45 = arith.constant 0 : i32
    %dma_wait3A_46 = tpu.memref_slice %arg7[%dma_wait3A, %dma_wait3A_44, %dma_wait3A_45] : memref<2x128x128xf32, #tpu.memory_space<vmem>> -> memref<1x128x128xf32, #tpu.memory_space<vmem>>
    %dma_wait3A_47 = tpu.memref_squeeze %dma_wait3A_46 : memref<1x128x128xf32, #tpu.memory_space<vmem>> -> memref<128x128xf32, #tpu.memory_space<vmem>>
    %dma_wait3A_48 = arith.constant 0 : i32
    %dma_wait3A_49 = tpu.memref_slice %arg9[%dma_wait3A_43, %dma_wait3A_48] : memref<80x128xi32, #tpu.memory_space<vmem>> -> memref<1x128xi32, #tpu.memory_space<vmem>>
    %dma_wait3A_50 = tpu.memref_squeeze %dma_wait3A_49 : memref<1x128xi32, #tpu.memory_space<vmem>> -> memref<128xi32, #tpu.memory_space<vmem>>
    %dma_wait3A_51 = arith.constant 0 : i32
    %dma_wait3A_52 = arith.constant 0 : i32
    %dma_wait3A_53 = tpu.memref_slice %arg6[%dma_wait3A_51, %dma_wait3A_52] : memref<10240x128xf32, #tpu.memory_space<vmem_shared>> -> memref<10240x128xf32, #tpu.memory_space<vmem_shared>>
    tpu.wait_indirect_dma semaphore(%arg14 : memref<!tpu.dma_semaphore, #tpu.memory_space<semaphore_mem>>) src(%dma_wait3A_47 : memref<128x128xf32, #tpu.memory_space<vmem>>) dst(%dma_wait3A_53 : memref<10240x128xf32, #tpu.memory_space<vmem_shared>>)
    %dma_wait3A_54 = arith.constant 1 : i32
    %dma_wait3A_55 = arith.constant 79 : i32
    %dma_wait3A_56 = arith.constant 0 : i32
    %dma_wait3A_57 = arith.constant 0 : i32
    %dma_wait3A_58 = tpu.memref_slice %arg7[%dma_wait3A_54, %dma_wait3A_56, %dma_wait3A_57] : memref<2x128x128xf32, #tpu.memory_space<vmem>> -> memref<1x128x128xf32, #tpu.memory_space<vmem>>
    %dma_wait3A_59 = tpu.memref_squeeze %dma_wait3A_58 : memref<1x128x128xf32, #tpu.memory_space<vmem>> -> memref<128x128xf32, #tpu.memory_space<vmem>>
    %dma_wait3A_60 = arith.constant 0 : i32
    %dma_wait3A_61 = tpu.memref_slice %arg9[%dma_wait3A_55, %dma_wait3A_60] : memref<80x128xi32, #tpu.memory_space<vmem>> -> memref<1x128xi32, #tpu.memory_space<vmem>>
    %dma_wait3A_62 = tpu.memref_squeeze %dma_wait3A_61 : memref<1x128xi32, #tpu.memory_space<vmem>> -> memref<128xi32, #tpu.memory_space<vmem>>
    %dma_wait3A_63 = arith.constant 0 : i32
    %dma_wait3A_64 = arith.constant 0 : i32
    %dma_wait3A_65 = tpu.memref_slice %arg6[%dma_wait3A_63, %dma_wait3A_64] : memref<10240x128xf32, #tpu.memory_space<vmem_shared>> -> memref<10240x128xf32, #tpu.memory_space<vmem_shared>>
    tpu.wait_indirect_dma semaphore(%arg15 : memref<!tpu.dma_semaphore, #tpu.memory_space<semaphore_mem>>) src(%dma_wait3A_59 : memref<128x128xf32, #tpu.memory_space<vmem>>) dst(%dma_wait3A_65 : memref<10240x128xf32, #tpu.memory_space<vmem_shared>>)
    %barrier3A_66 = arith.constant 0 : index
    tpu.barrier barrier_id(%barrier3A_66)
    %mul3A_67 = arith.constant 640 : i32
    %mul3A_68 = arith.muli %arg1, %mul3A_67 : i32
    "tpu.region"() ({
      %run_scoped3A_69 = tpu.sem_alloc : memref<!tpu.dma_semaphore, #tpu.memory_space<semaphore_mem>>
      %dma_start3A_70 = arith.constant 0 : i32
      %dma_start3A_71 = tpu.memref_slice %arg5[%arg0, %mul3A_68, %dma_start3A_70] : memref<2x10240x128xf32, #tpu.memory_space<hbm>> -> memref<1x640x128xf32, #tpu.memory_space<hbm>>
      %dma_start3A_72 = tpu.memref_squeeze %dma_start3A_71 : memref<1x640x128xf32, #tpu.memory_space<hbm>> -> memref<640x128xf32, #tpu.memory_space<hbm>>
      %dma_start3A_73 = arith.constant 0 : i32
      %dma_start3A_74 = tpu.memref_slice %arg6[%mul3A_68, %dma_start3A_73] : memref<10240x128xf32, #tpu.memory_space<vmem_shared>> -> memref<640x128xf32, #tpu.memory_space<vmem_shared>>
      tpu.enqueue_dma source(%dma_start3A_74 : memref<640x128xf32, #tpu.memory_space<vmem_shared>>) target(%dma_start3A_72 : memref<640x128xf32, #tpu.memory_space<hbm>>) target_semaphore(%run_scoped3A_69 : memref<!tpu.dma_semaphore, #tpu.memory_space<semaphore_mem>>)
      %dma_wait3A_75 = arith.constant 0 : i32
      %dma_wait3A_76 = tpu.memref_slice %arg5[%arg0, %mul3A_68, %dma_wait3A_75] : memref<2x10240x128xf32, #tpu.memory_space<hbm>> -> memref<1x640x128xf32, #tpu.memory_space<hbm>>
      %dma_wait3A_77 = tpu.memref_squeeze %dma_wait3A_76 : memref<1x640x128xf32, #tpu.memory_space<hbm>> -> memref<640x128xf32, #tpu.memory_space<hbm>>
      %dma_wait3A_78 = arith.constant 0 : i32
      %dma_wait3A_79 = tpu.memref_slice %arg6[%mul3A_68, %dma_wait3A_78] : memref<10240x128xf32, #tpu.memory_space<vmem_shared>> -> memref<640x128xf32, #tpu.memory_space<vmem_shared>>
      tpu.wait_dma2 semaphore(%run_scoped3A_69 : memref<!tpu.dma_semaphore, #tpu.memory_space<semaphore_mem>>) src(%dma_wait3A_79 : memref<640x128xf32, #tpu.memory_space<vmem_shared>>) dst(%dma_wait3A_77 : memref<640x128xf32, #tpu.memory_space<hbm>>)
      tpu.yield
    }) : () -> ()
    return
  }
}

#map = affine_map<(d0, d1) -> (0, 0)>
#map1 = affine_map<(d0, d1) -> (0, 0, 0, 0)>
#map2 = affine_map<(d0, d1) -> (0, 0, 0)>
module attributes {stable_mosaic.version = 14 : i64} {
  func.func @_agg_body(%arg0: i32, %arg1: i32, %arg2: memref<10240x128xf32, #tpu.memory_space<hbm>>, %arg3: memref<2x32x80x128xi32, #tpu.memory_space<hbm>>, %arg4: memref<2x32x10240xi32, #tpu.memory_space<hbm>>, %arg5: memref<2x10240x128xf32, #tpu.memory_space<hbm>>, %arg6: memref<10240x128xf32, #tpu.memory_space<vmem_shared>>, %arg7: memref<2x128x128xf32, #tpu.memory_space<vmem>>, %arg8: memref<2x128xi32, #tpu.memory_space<vmem>>, %arg9: memref<80x128xi32, #tpu.memory_space<vmem>>, %arg10: memref<!tpu.dma_semaphore, #tpu.memory_space<semaphore_mem>>, %arg11: memref<!tpu.dma_semaphore, #tpu.memory_space<semaphore_mem>>, %arg12: memref<!tpu.dma_semaphore, #tpu.memory_space<semaphore_mem>>, %arg13: memref<!tpu.dma_semaphore, #tpu.memory_space<semaphore_mem>>, %arg14: memref<!tpu.dma_semaphore, #tpu.memory_space<semaphore_mem>>, %arg15: memref<!tpu.dma_semaphore, #tpu.memory_space<semaphore_mem>>) attributes {dimension_semantics = [#tpu.dimension_semantics<core_parallel>, #tpu.dimension_semantics<subcore_parallel>], iteration_bounds = array<i64: 2, 16>, scalar_prefetch = 0 : i64, scratch_operands = 10 : i64, tpu.core_type = #tpu.core_type<sc_vector_subcore>, window_params = [{transform_indices = #map}, {transform_indices = #map1}, {transform_indices = #map2}, {transform_indices = #map2}]} {
    %mul3A = arith.constant 2 : i32
    %mul3A_0 = arith.muli %arg1, %mul3A : i32
    %add3A = arith.addi %mul3A_0, %arg0 : i32
    %broadcast_in_dim3A = arith.constant 0.000000e+00 : f32
    %broadcast_in_dim3A_1 = vector.broadcast %broadcast_in_dim3A : f32 to vector<16xf32>
    %scan3A = arith.constant 0 : i32
    %scan3A_2 = arith.constant 128 : i32
    %scan3A_3 = arith.addi %scan3A, %scan3A_2 : i32
    %scan3A_4 = arith.constant 1 : i32
    scf.for %scan3A_69 = %scan3A to %scan3A_3 step %scan3A_4  : i32 {
      %scan3A_70 = arith.constant 0 : i32
      %scan3A_71 = arith.constant 8 : i32
      %scan3A_72 = arith.addi %scan3A_70, %scan3A_71 : i32
      %scan3A_73 = arith.constant 1 : i32
      scf.for %scan3A_75 = %scan3A_70 to %scan3A_72 step %scan3A_73  : i32 {
        %mul3A_76 = arith.constant 16 : i32
        %mul3A_77 = arith.muli %scan3A_75, %mul3A_76 : i32
        %swap3A = arith.constant 0 : i32
        %swap3A_78 = arith.index_cast %swap3A : i32 to index
        %swap3A_79 = arith.index_cast %scan3A_69 : i32 to index
        %swap3A_80 = arith.index_cast %mul3A_77 : i32 to index
        %swap3A_81 = tpu.vector_load %arg7[%swap3A_78, %swap3A_79, %swap3A_80] {strides = array<i32>} : memref<2x128x128xf32, #tpu.memory_space<vmem>>, vector<16xf32>,
        tpu.vector_store %arg7[%swap3A_78, %swap3A_79, %swap3A_80], %broadcast_in_dim3A_1 {strides = array<i32>} : memref<2x128x128xf32, #tpu.memory_space<vmem>>, vector<16xf32>,
      }
      %scan3A_74 = arith.constant 8 : i32
    }
    %scan3A_5 = arith.constant 128 : i32
    %scan3A_6 = arith.constant 0 : i32
    %scan3A_7 = arith.constant 5 : i32
    %scan3A_8 = arith.addi %scan3A_6, %scan3A_7 : i32
    %scan3A_9 = arith.constant 1 : i32
    scf.for %scan3A_69 = %scan3A_6 to %scan3A_8 step %scan3A_9  : i32 {
      %mul3A_70 = arith.constant 640 : i32
      %mul3A_71 = arith.muli %arg1, %mul3A_70 : i32
      %mul3A_72 = arith.constant 128 : i32
      %mul3A_73 = arith.muli %scan3A_69, %mul3A_72 : i32
      %add3A_74 = arith.addi %mul3A_71, %mul3A_73 : i32
      %run_scoped3A_75 = arith.constant 0 : i32
      "tpu.region"() ({
        %run_scoped3A_76 = tpu.sem_alloc : memref<!tpu.dma_semaphore, #tpu.memory_space<semaphore_mem>>
        %dma_start3A_77 = arith.constant 0 : i32
        %dma_start3A_78 = arith.constant 0 : i32
        %dma_start3A_79 = tpu.memref_slice %arg7[%run_scoped3A_75, %dma_start3A_77, %dma_start3A_78] : memref<2x128x128xf32, #tpu.memory_space<vmem>> -> memref<1x128x128xf32, #tpu.memory_space<vmem>>
        %dma_start3A_80 = tpu.memref_squeeze %dma_start3A_79 : memref<1x128x128xf32, #tpu.memory_space<vmem>> -> memref<128x128xf32, #tpu.memory_space<vmem>>
        %dma_start3A_81 = arith.constant 0 : i32
        %dma_start3A_82 = tpu.memref_slice %arg6[%add3A_74, %dma_start3A_81] : memref<10240x128xf32, #tpu.memory_space<vmem_shared>> -> memref<128x128xf32, #tpu.memory_space<vmem_shared>>
        %dma_start3A_83 = arith.constant 0 : i32
        %dma_start3A_84 = tpu.memref_slice %arg6[%add3A_74, %dma_start3A_83] : memref<10240x128xf32, #tpu.memory_space<vmem_shared>> -> memref<128x128xf32, #tpu.memory_space<vmem_shared>>
        %dma_start3A_85 = arith.constant 0 : i32
        %dma_start3A_86 = arith.constant 0 : i32
        %dma_start3A_87 = tpu.memref_slice %arg7[%run_scoped3A_75, %dma_start3A_85, %dma_start3A_86] : memref<2x128x128xf32, #tpu.memory_space<vmem>> -> memref<1x128x128xf32, #tpu.memory_space<vmem>>
        %dma_start3A_88 = tpu.memref_squeeze %dma_start3A_87 : memref<1x128x128xf32, #tpu.memory_space<vmem>> -> memref<128x128xf32, #tpu.memory_space<vmem>>
        tpu.enqueue_dma source(%dma_start3A_88 : memref<128x128xf32, #tpu.memory_space<vmem>>) target(%dma_start3A_84 : memref<128x128xf32, #tpu.memory_space<vmem_shared>>) target_semaphore(%run_scoped3A_76 : memref<!tpu.dma_semaphore, #tpu.memory_space<semaphore_mem>>)
        %dma_wait3A_89 = arith.constant 0 : i32
        %dma_wait3A_90 = arith.constant 0 : i32
        %dma_wait3A_91 = tpu.memref_slice %arg7[%run_scoped3A_75, %dma_wait3A_89, %dma_wait3A_90] : memref<2x128x128xf32, #tpu.memory_space<vmem>> -> memref<1x128x128xf32, #tpu.memory_space<vmem>>
        %dma_wait3A_92 = tpu.memref_squeeze %dma_wait3A_91 : memref<1x128x128xf32, #tpu.memory_space<vmem>> -> memref<128x128xf32, #tpu.memory_space<vmem>>
        %dma_wait3A_93 = arith.constant 0 : i32
        %dma_wait3A_94 = tpu.memref_slice %arg6[%add3A_74, %dma_wait3A_93] : memref<10240x128xf32, #tpu.memory_space<vmem_shared>> -> memref<128x128xf32, #tpu.memory_space<vmem_shared>>
        %dma_wait3A_95 = arith.constant 0 : i32
        %dma_wait3A_96 = tpu.memref_slice %arg6[%add3A_74, %dma_wait3A_95] : memref<10240x128xf32, #tpu.memory_space<vmem_shared>> -> memref<128x128xf32, #tpu.memory_space<vmem_shared>>
        %dma_wait3A_97 = arith.constant 0 : i32
        %dma_wait3A_98 = arith.constant 0 : i32
        %dma_wait3A_99 = tpu.memref_slice %arg7[%run_scoped3A_75, %dma_wait3A_97, %dma_wait3A_98] : memref<2x128x128xf32, #tpu.memory_space<vmem>> -> memref<1x128x128xf32, #tpu.memory_space<vmem>>
        %dma_wait3A_100 = tpu.memref_squeeze %dma_wait3A_99 : memref<1x128x128xf32, #tpu.memory_space<vmem>> -> memref<128x128xf32, #tpu.memory_space<vmem>>
        tpu.wait_dma2 semaphore(%run_scoped3A_76 : memref<!tpu.dma_semaphore, #tpu.memory_space<semaphore_mem>>) src(%dma_wait3A_100 : memref<128x128xf32, #tpu.memory_space<vmem>>) dst(%dma_wait3A_96 : memref<128x128xf32, #tpu.memory_space<vmem_shared>>)
        tpu.yield
      }) : () -> ()
    }
    %scan3A_10 = arith.constant 5 : i32
    %run_scoped3A = arith.constant 1 : i32
    "tpu.region"() ({
      %run_scoped3A_69 = tpu.sem_alloc : memref<!tpu.dma_semaphore, #tpu.memory_space<semaphore_mem>>
      %dma_start3A_70 = arith.constant 0 : i32
      %dma_start3A_71 = arith.constant 0 : i32
      %dma_start3A_72 = tpu.memref_slice %arg3[%run_scoped3A, %add3A, %dma_start3A_70, %dma_start3A_71] : memref<2x32x80x128xi32, #tpu.memory_space<hbm>> -> memref<1x1x80x128xi32, #tpu.memory_space<hbm>>
      %dma_start3A_73 = tpu.memref_squeeze %dma_start3A_72 : memref<1x1x80x128xi32, #tpu.memory_space<hbm>> -> memref<80x128xi32, #tpu.memory_space<hbm>>
      %dma_start3A_74 = arith.constant 0 : i32
      %dma_start3A_75 = arith.constant 0 : i32
      %dma_start3A_76 = tpu.memref_slice %arg3[%run_scoped3A, %add3A, %dma_start3A_74, %dma_start3A_75] : memref<2x32x80x128xi32, #tpu.memory_space<hbm>> -> memref<1x1x80x128xi32, #tpu.memory_space<hbm>>
      %dma_start3A_77 = tpu.memref_squeeze %dma_start3A_76 : memref<1x1x80x128xi32, #tpu.memory_space<hbm>> -> memref<80x128xi32, #tpu.memory_space<hbm>>
      tpu.enqueue_dma source(%dma_start3A_77 : memref<80x128xi32, #tpu.memory_space<hbm>>) target(%arg9 : memref<80x128xi32, #tpu.memory_space<vmem>>) target_semaphore(%run_scoped3A_69 : memref<!tpu.dma_semaphore, #tpu.memory_space<semaphore_mem>>)
      %dma_wait3A_78 = arith.constant 0 : i32
      %dma_wait3A_79 = arith.constant 0 : i32
      %dma_wait3A_80 = tpu.memref_slice %arg3[%run_scoped3A, %add3A, %dma_wait3A_78, %dma_wait3A_79] : memref<2x32x80x128xi32, #tpu.memory_space<hbm>> -> memref<1x1x80x128xi32, #tpu.memory_space<hbm>>
      %dma_wait3A_81 = tpu.memref_squeeze %dma_wait3A_80 : memref<1x1x80x128xi32, #tpu.memory_space<hbm>> -> memref<80x128xi32, #tpu.memory_space<hbm>>
      %dma_wait3A_82 = arith.constant 0 : i32
      %dma_wait3A_83 = arith.constant 0 : i32
      %dma_wait3A_84 = tpu.memref_slice %arg3[%run_scoped3A, %add3A, %dma_wait3A_82, %dma_wait3A_83] : memref<2x32x80x128xi32, #tpu.memory_space<hbm>> -> memref<1x1x80x128xi32, #tpu.memory_space<hbm>>
      %dma_wait3A_85 = tpu.memref_squeeze %dma_wait3A_84 : memref<1x1x80x128xi32, #tpu.memory_space<hbm>> -> memref<80x128xi32, #tpu.memory_space<hbm>>
      tpu.wait_dma2 semaphore(%run_scoped3A_69 : memref<!tpu.dma_semaphore, #tpu.memory_space<semaphore_mem>>) src(%dma_wait3A_85 : memref<80x128xi32, #tpu.memory_space<hbm>>) dst(%arg9 : memref<80x128xi32, #tpu.memory_space<vmem>>)
      tpu.yield
    }) : () -> ()
    %barrier3A = arith.constant 0 : index
    tpu.barrier barrier_id(%barrier3A)
    %run_scoped3A_11 = arith.constant 0 : i32
    %run_scoped3A_12 = arith.constant 0 : i32
    "tpu.region"() ({
      %run_scoped3A_69 = tpu.sem_alloc : memref<!tpu.dma_semaphore, #tpu.memory_space<semaphore_mem>>
      %dma_start3A_70 = arith.constant 0 : i32
      %dma_start3A_71 = tpu.memref_slice %arg8[%run_scoped3A_12, %dma_start3A_70] : memref<2x128xi32, #tpu.memory_space<vmem>> -> memref<1x128xi32, #tpu.memory_space<vmem>>
      %dma_start3A_72 = tpu.memref_squeeze %dma_start3A_71 : memref<1x128xi32, #tpu.memory_space<vmem>> -> memref<128xi32, #tpu.memory_space<vmem>>
      %dma_start3A_73 = arith.constant 0 : i32
      %dma_start3A_74 = tpu.memref_slice %arg4[%run_scoped3A_11, %add3A, %dma_start3A_73] : memref<2x32x10240xi32, #tpu.memory_space<hbm>> -> memref<1x1x128xi32, #tpu.memory_space<hbm>>
      %dma_start3A_75 = tpu.memref_squeeze %dma_start3A_74 : memref<1x1x128xi32, #tpu.memory_space<hbm>> -> memref<128xi32, #tpu.memory_space<hbm>>
      %dma_start3A_76 = arith.constant 0 : i32
      %dma_start3A_77 = tpu.memref_slice %arg8[%run_scoped3A_12, %dma_start3A_76] : memref<2x128xi32, #tpu.memory_space<vmem>> -> memref<1x128xi32, #tpu.memory_space<vmem>>
      %dma_start3A_78 = tpu.memref_squeeze %dma_start3A_77 : memref<1x128xi32, #tpu.memory_space<vmem>> -> memref<128xi32, #tpu.memory_space<vmem>>
      %dma_start3A_79 = arith.constant 0 : i32
      %dma_start3A_80 = tpu.memref_slice %arg4[%run_scoped3A_11, %add3A, %dma_start3A_79] : memref<2x32x10240xi32, #tpu.memory_space<hbm>> -> memref<1x1x128xi32, #tpu.memory_space<hbm>>
      %dma_start3A_81 = tpu.memref_squeeze %dma_start3A_80 : memref<1x1x128xi32, #tpu.memory_space<hbm>> -> memref<128xi32, #tpu.memory_space<hbm>>
      tpu.enqueue_dma source(%dma_start3A_81 : memref<128xi32, #tpu.memory_space<hbm>>) target(%dma_start3A_78 : memref<128xi32, #tpu.memory_space<vmem>>) target_semaphore(%run_scoped3A_69 : memref<!tpu.dma_semaphore, #tpu.memory_space<semaphore_mem>>)
      %dma_wait3A_82 = arith.constant 0 : i32
      %dma_wait3A_83 = tpu.memref_slice %arg8[%run_scoped3A_12, %dma_wait3A_82] : memref<2x128xi32, #tpu.memory_space<vmem>> -> memref<1x128xi32, #tpu.memory_space<vmem>>
      %dma_wait3A_84 = tpu.memref_squeeze %dma_wait3A_83 : memref<1x128xi32, #tpu.memory_space<vmem>> -> memref<128xi32, #tpu.memory_space<vmem>>
      %dma_wait3A_85 = arith.constant 0 : i32
      %dma_wait3A_86 = tpu.memref_slice %arg4[%run_scoped3A_11, %add3A, %dma_wait3A_85] : memref<2x32x10240xi32, #tpu.memory_space<hbm>> -> memref<1x1x128xi32, #tpu.memory_space<hbm>>
      %dma_wait3A_87 = tpu.memref_squeeze %dma_wait3A_86 : memref<1x1x128xi32, #tpu.memory_space<hbm>> -> memref<128xi32, #tpu.memory_space<hbm>>
      %dma_wait3A_88 = arith.constant 0 : i32
      %dma_wait3A_89 = tpu.memref_slice %arg8[%run_scoped3A_12, %dma_wait3A_88] : memref<2x128xi32, #tpu.memory_space<vmem>> -> memref<1x128xi32, #tpu.memory_space<vmem>>
      %dma_wait3A_90 = tpu.memref_squeeze %dma_wait3A_89 : memref<1x128xi32, #tpu.memory_space<vmem>> -> memref<128xi32, #tpu.memory_space<vmem>>
      %dma_wait3A_91 = arith.constant 0 : i32
      %dma_wait3A_92 = tpu.memref_slice %arg4[%run_scoped3A_11, %add3A, %dma_wait3A_91] : memref<2x32x10240xi32, #tpu.memory_space<hbm>> -> memref<1x1x128xi32, #tpu.memory_space<hbm>>
      %dma_wait3A_93 = tpu.memref_squeeze %dma_wait3A_92 : memref<1x1x128xi32, #tpu.memory_space<hbm>> -> memref<128xi32, #tpu.memory_space<hbm>>
      tpu.wait_dma2 semaphore(%run_scoped3A_69 : memref<!tpu.dma_semaphore, #tpu.memory_space<semaphore_mem>>) src(%dma_wait3A_93 : memref<128xi32, #tpu.memory_space<hbm>>) dst(%dma_wait3A_90 : memref<128xi32, #tpu.memory_space<vmem>>)
      tpu.yield
    }) : () -> ()
    %dma_start3A = arith.constant 0 : i32
    %dma_start3A_13 = arith.constant 0 : i32
    %dma_start3A_14 = arith.constant 0 : i32
    %dma_start3A_15 = arith.constant 0 : i32
    %dma_start3A_16 = tpu.memref_slice %arg7[%dma_start3A_13, %dma_start3A_14, %dma_start3A_15] : memref<2x128x128xf32, #tpu.memory_space<vmem>> -> memref<1x128x128xf32, #tpu.memory_space<vmem>>
    %dma_start3A_17 = tpu.memref_squeeze %dma_start3A_16 : memref<1x128x128xf32, #tpu.memory_space<vmem>> -> memref<128x128xf32, #tpu.memory_space<vmem>>
    %dma_start3A_18 = arith.constant 0 : i32
    %dma_start3A_19 = tpu.memref_slice %arg8[%dma_start3A, %dma_start3A_18] : memref<2x128xi32, #tpu.memory_space<vmem>> -> memref<1x128xi32, #tpu.memory_space<vmem>>
    %dma_start3A_20 = tpu.memref_squeeze %dma_start3A_19 : memref<1x128xi32, #tpu.memory_space<vmem>> -> memref<128xi32, #tpu.memory_space<vmem>>
    %dma_start3A_21 = arith.constant 0 : i32
    %dma_start3A_22 = arith.constant 0 : i32
    %dma_start3A_23 = tpu.memref_slice %arg2[%dma_start3A_21, %dma_start3A_22] : memref<10240x128xf32, #tpu.memory_space<hbm>> -> memref<10240x128xf32, #tpu.memory_space<hbm>>
    tpu.enqueue_indirect_dma source(%dma_start3A_23 : memref<10240x128xf32, #tpu.memory_space<hbm>>) target(%dma_start3A_17 : memref<128x128xf32, #tpu.memory_space<vmem>>) offsets(%dma_start3A_20 : memref<128xi32, #tpu.memory_space<vmem>>) semaphore(%arg10 : memref<!tpu.dma_semaphore, #tpu.memory_space<semaphore_mem>>)
    %dma_start3A_24 = arith.constant 0 : i32
    %dma_start3A_25 = arith.constant 1 : i32
    %dma_start3A_26 = arith.constant 0 : i32
    %dma_start3A_27 = tpu.memref_slice %arg8[%dma_start3A_25, %dma_start3A_26] : memref<2x128xi32, #tpu.memory_space<vmem>> -> memref<1x128xi32, #tpu.memory_space<vmem>>
    %dma_start3A_28 = tpu.memref_squeeze %dma_start3A_27 : memref<1x128xi32, #tpu.memory_space<vmem>> -> memref<128xi32, #tpu.memory_space<vmem>>
    %dma_start3A_29 = arith.constant 128 : i32
    %dma_start3A_30 = tpu.memref_slice %arg4[%dma_start3A_24, %add3A, %dma_start3A_29] : memref<2x32x10240xi32, #tpu.memory_space<hbm>> -> memref<1x1x128xi32, #tpu.memory_space<hbm>>
    %dma_start3A_31 = tpu.memref_squeeze %dma_start3A_30 : memref<1x1x128xi32, #tpu.memory_space<hbm>> -> memref<128xi32, #tpu.memory_space<hbm>>
    %dma_start3A_32 = arith.constant 0 : i32
    %dma_start3A_33 = tpu.memref_slice %arg8[%dma_start3A_25, %dma_start3A_32] : memref<2x128xi32, #tpu.memory_space<vmem>> -> memref<1x128xi32, #tpu.memory_space<vmem>>
    %dma_start3A_34 = tpu.memref_squeeze %dma_start3A_33 : memref<1x128xi32, #tpu.memory_space<vmem>> -> memref<128xi32, #tpu.memory_space<vmem>>
    %dma_start3A_35 = arith.constant 128 : i32
    %dma_start3A_36 = tpu.memref_slice %arg4[%dma_start3A_24, %add3A, %dma_start3A_35] : memref<2x32x10240xi32, #tpu.memory_space<hbm>> -> memref<1x1x128xi32, #tpu.memory_space<hbm>>
    %dma_start3A_37 = tpu.memref_squeeze %dma_start3A_36 : memref<1x1x128xi32, #tpu.memory_space<hbm>> -> memref<128xi32, #tpu.memory_space<hbm>>
    tpu.enqueue_dma source(%dma_start3A_37 : memref<128xi32, #tpu.memory_space<hbm>>) target(%dma_start3A_34 : memref<128xi32, #tpu.memory_space<vmem>>) target_semaphore(%arg13 : memref<!tpu.dma_semaphore, #tpu.memory_space<semaphore_mem>>)
    %scan3A_38 = arith.constant 0 : i32
    %scan3A_39 = arith.constant 40 : i32
    %scan3A_40 = arith.addi %scan3A_38, %scan3A_39 : i32
    %scan3A_41 = arith.constant 1 : i32
    scf.for %scan3A_69 = %scan3A_38 to %scan3A_40 step %scan3A_41  : i32 {
      %mul3A_70 = arith.constant 2 : i32
      %mul3A_71 = arith.muli %scan3A_69, %mul3A_70 : i32
      %add3A_72 = arith.constant 0 : i32
      %add3A_73 = arith.addi %mul3A_71, %add3A_72 : i32
      %dma_wait3A_74 = arith.constant 0 : i32
      %dma_wait3A_75 = arith.constant 0 : i32
      %dma_wait3A_76 = arith.constant 0 : i32
      %dma_wait3A_77 = arith.constant 0 : i32
      %dma_wait3A_78 = tpu.memref_slice %arg7[%dma_wait3A_75, %dma_wait3A_76, %dma_wait3A_77] : memref<2x128x128xf32, #tpu.memory_space<vmem>> -> memref<1x128x128xf32, #tpu.memory_space<vmem>>
      %dma_wait3A_79 = tpu.memref_squeeze %dma_wait3A_78 : memref<1x128x128xf32, #tpu.memory_space<vmem>> -> memref<128x128xf32, #tpu.memory_space<vmem>>
      %dma_wait3A_80 = arith.constant 0 : i32
      %dma_wait3A_81 = tpu.memref_slice %arg8[%dma_wait3A_74, %dma_wait3A_80] : memref<2x128xi32, #tpu.memory_space<vmem>> -> memref<1x128xi32, #tpu.memory_space<vmem>>
      %dma_wait3A_82 = tpu.memref_squeeze %dma_wait3A_81 : memref<1x128xi32, #tpu.memory_space<vmem>> -> memref<128xi32, #tpu.memory_space<vmem>>
      %dma_wait3A_83 = arith.constant 0 : i32
      %dma_wait3A_84 = arith.constant 0 : i32
      %dma_wait3A_85 = tpu.memref_slice %arg2[%dma_wait3A_83, %dma_wait3A_84] : memref<10240x128xf32, #tpu.memory_space<hbm>> -> memref<10240x128xf32, #tpu.memory_space<hbm>>
      tpu.wait_indirect_dma semaphore(%arg10 : memref<!tpu.dma_semaphore, #tpu.memory_space<semaphore_mem>>) src(%dma_wait3A_85 : memref<10240x128xf32, #tpu.memory_space<hbm>>) dst(%dma_wait3A_79 : memref<128x128xf32, #tpu.memory_space<vmem>>)
      %add3A_86 = arith.constant 2 : i32
      %add3A_87 = arith.addi %add3A_73, %add3A_86 : i32
      %lt3A = arith.constant 80 : i32
      %lt3A_88 = arith.cmpi slt, %add3A_87, %lt3A : i32
      %convert_element_type3A = arith.extui %lt3A_88 : i1 to i32
      %cond3A = arith.constant 0 : i32
      %cond3A_89 = arith.cmpi ne, %convert_element_type3A, %cond3A : i32
      scf.if %cond3A_89 {
        %add3A_149 = arith.constant 2 : i32
        %add3A_150 = arith.addi %add3A_73, %add3A_149 : i32
        %mul3A_151 = arith.constant 128 : i32
        %mul3A_152 = arith.muli %add3A_150, %mul3A_151 : i32
        %dma_start3A_153 = arith.constant 0 : i32
        %dma_start3A_154 = arith.constant 0 : i32
        %dma_start3A_155 = arith.constant 0 : i32
        %dma_start3A_156 = tpu.memref_slice %arg8[%dma_start3A_154, %dma_start3A_155] : memref<2x128xi32, #tpu.memory_space<vmem>> -> memref<1x128xi32, #tpu.memory_space<vmem>>
        %dma_start3A_157 = tpu.memref_squeeze %dma_start3A_156 : memref<1x128xi32, #tpu.memory_space<vmem>> -> memref<128xi32, #tpu.memory_space<vmem>>
        %dma_start3A_158 = tpu.memref_slice %arg4[%dma_start3A_153, %add3A, %mul3A_152] : memref<2x32x10240xi32, #tpu.memory_space<hbm>> -> memref<1x1x128xi32, #tpu.memory_space<hbm>>
        %dma_start3A_159 = tpu.memref_squeeze %dma_start3A_158 : memref<1x1x128xi32, #tpu.memory_space<hbm>> -> memref<128xi32, #tpu.memory_space<hbm>>
        %dma_start3A_160 = arith.constant 0 : i32
        %dma_start3A_161 = tpu.memref_slice %arg8[%dma_start3A_154, %dma_start3A_160] : memref<2x128xi32, #tpu.memory_space<vmem>> -> memref<1x128xi32, #tpu.memory_space<vmem>>
        %dma_start3A_162 = tpu.memref_squeeze %dma_start3A_161 : memref<1x128xi32, #tpu.memory_space<vmem>> -> memref<128xi32, #tpu.memory_space<vmem>>
        %dma_start3A_163 = tpu.memref_slice %arg4[%dma_start3A_153, %add3A, %mul3A_152] : memref<2x32x10240xi32, #tpu.memory_space<hbm>> -> memref<1x1x128xi32, #tpu.memory_space<hbm>>
        %dma_start3A_164 = tpu.memref_squeeze %dma_start3A_163 : memref<1x1x128xi32, #tpu.memory_space<hbm>> -> memref<128xi32, #tpu.memory_space<hbm>>
        tpu.enqueue_dma source(%dma_start3A_164 : memref<128xi32, #tpu.memory_space<hbm>>) target(%dma_start3A_162 : memref<128xi32, #tpu.memory_space<vmem>>) target_semaphore(%arg12 : memref<!tpu.dma_semaphore, #tpu.memory_space<semaphore_mem>>)
      } else {
      }
      %dma_start3A_90 = arith.constant 0 : i32
      %dma_start3A_91 = arith.constant 0 : i32
      %dma_start3A_92 = arith.constant 0 : i32
      %dma_start3A_93 = tpu.memref_slice %arg7[%dma_start3A_90, %dma_start3A_91, %dma_start3A_92] : memref<2x128x128xf32, #tpu.memory_space<vmem>> -> memref<1x128x128xf32, #tpu.memory_space<vmem>>
      %dma_start3A_94 = tpu.memref_squeeze %dma_start3A_93 : memref<1x128x128xf32, #tpu.memory_space<vmem>> -> memref<128x128xf32, #tpu.memory_space<vmem>>
      %dma_start3A_95 = arith.constant 0 : i32
      %dma_start3A_96 = tpu.memref_slice %arg9[%add3A_73, %dma_start3A_95] : memref<80x128xi32, #tpu.memory_space<vmem>> -> memref<1x128xi32, #tpu.memory_space<vmem>>
      %dma_start3A_97 = tpu.memref_squeeze %dma_start3A_96 : memref<1x128xi32, #tpu.memory_space<vmem>> -> memref<128xi32, #tpu.memory_space<vmem>>
      %dma_start3A_98 = arith.constant 0 : i32
      %dma_start3A_99 = arith.constant 0 : i32
      %dma_start3A_100 = tpu.memref_slice %arg6[%dma_start3A_98, %dma_start3A_99] : memref<10240x128xf32, #tpu.memory_space<vmem_shared>> -> memref<10240x128xf32, #tpu.memory_space<vmem_shared>>
      tpu.enqueue_indirect_dma source(%dma_start3A_94 : memref<128x128xf32, #tpu.memory_space<vmem>>) target(%dma_start3A_100 : memref<10240x128xf32, #tpu.memory_space<vmem_shared>>) offsets(%dma_start3A_97 : memref<128xi32, #tpu.memory_space<vmem>>) semaphore(%arg14 : memref<!tpu.dma_semaphore, #tpu.memory_space<semaphore_mem>>) {add = true}
      %add3A_101 = arith.constant 1 : i32
      %add3A_102 = arith.addi %add3A_73, %add3A_101 : i32
      %lt3A_103 = arith.constant 80 : i32
      %lt3A_104 = arith.cmpi slt, %add3A_102, %lt3A_103 : i32
      %convert_element_type3A_105 = arith.extui %lt3A_104 : i1 to i32
      %cond3A_106 = arith.constant 0 : i32
      %cond3A_107 = arith.cmpi ne, %convert_element_type3A_105, %cond3A_106 : i32
      scf.if %cond3A_107 {
        %ge3A = arith.constant 1 : i32
        %ge3A_149 = arith.cmpi sge, %add3A_73, %ge3A : i32
        %convert_element_type3A_150 = arith.extui %ge3A_149 : i1 to i32
        %cond3A_151 = arith.constant 0 : i32
        %cond3A_152 = arith.cmpi ne, %convert_element_type3A_150, %cond3A_151 : i32
        scf.if %cond3A_152 {
          %sub3A = arith.constant 1 : i32
          %sub3A_181 = arith.subi %add3A_73, %sub3A : i32
          %dma_wait3A_182 = arith.constant 1 : i32
          %dma_wait3A_183 = arith.constant 0 : i32
          %dma_wait3A_184 = arith.constant 0 : i32
          %dma_wait3A_185 = tpu.memref_slice %arg7[%dma_wait3A_182, %dma_wait3A_183, %dma_wait3A_184] : memref<2x128x128xf32, #tpu.memory_space<vmem>> -> memref<1x128x128xf32, #tpu.memory_space<vmem>>
          %dma_wait3A_186 = tpu.memref_squeeze %dma_wait3A_185 : memref<1x128x128xf32, #tpu.memory_space<vmem>> -> memref<128x128xf32, #tpu.memory_space<vmem>>
          %dma_wait3A_187 = arith.constant 0 : i32
          %dma_wait3A_188 = tpu.memref_slice %arg9[%sub3A_181, %dma_wait3A_187] : memref<80x128xi32, #tpu.memory_space<vmem>> -> memref<1x128xi32, #tpu.memory_space<vmem>>
          %dma_wait3A_189 = tpu.memref_squeeze %dma_wait3A_188 : memref<1x128xi32, #tpu.memory_space<vmem>> -> memref<128xi32, #tpu.memory_space<vmem>>
          %dma_wait3A_190 = arith.constant 0 : i32
          %dma_wait3A_191 = arith.constant 0 : i32
          %dma_wait3A_192 = tpu.memref_slice %arg6[%dma_wait3A_190, %dma_wait3A_191] : memref<10240x128xf32, #tpu.memory_space<vmem_shared>> -> memref<10240x128xf32, #tpu.memory_space<vmem_shared>>
          tpu.wait_indirect_dma semaphore(%arg15 : memref<!tpu.dma_semaphore, #tpu.memory_space<semaphore_mem>>) src(%dma_wait3A_186 : memref<128x128xf32, #tpu.memory_space<vmem>>) dst(%dma_wait3A_192 : memref<10240x128xf32, #tpu.memory_space<vmem_shared>>)
        } else {
        }
        %add3A_153 = arith.constant 1 : i32
        %add3A_154 = arith.addi %add3A_73, %add3A_153 : i32
        %mul3A_155 = arith.constant 128 : i32
        %mul3A_156 = arith.muli %add3A_154, %mul3A_155 : i32
        %dma_wait3A_157 = arith.constant 0 : i32
        %dma_wait3A_158 = arith.constant 1 : i32
        %dma_wait3A_159 = arith.constant 0 : i32
        %dma_wait3A_160 = tpu.memref_slice %arg8[%dma_wait3A_158, %dma_wait3A_159] : memref<2x128xi32, #tpu.memory_space<vmem>> -> memref<1x128xi32, #tpu.memory_space<vmem>>
        %dma_wait3A_161 = tpu.memref_squeeze %dma_wait3A_160 : memref<1x128xi32, #tpu.memory_space<vmem>> -> memref<128xi32, #tpu.memory_space<vmem>>
        %dma_wait3A_162 = tpu.memref_slice %arg4[%dma_wait3A_157, %add3A, %mul3A_156] : memref<2x32x10240xi32, #tpu.memory_space<hbm>> -> memref<1x1x128xi32, #tpu.memory_space<hbm>>
        %dma_wait3A_163 = tpu.memref_squeeze %dma_wait3A_162 : memref<1x1x128xi32, #tpu.memory_space<hbm>> -> memref<128xi32, #tpu.memory_space<hbm>>
        %dma_wait3A_164 = arith.constant 0 : i32
        %dma_wait3A_165 = tpu.memref_slice %arg8[%dma_wait3A_158, %dma_wait3A_164] : memref<2x128xi32, #tpu.memory_space<vmem>> -> memref<1x128xi32, #tpu.memory_space<vmem>>
        %dma_wait3A_166 = tpu.memref_squeeze %dma_wait3A_165 : memref<1x128xi32, #tpu.memory_space<vmem>> -> memref<128xi32, #tpu.memory_space<vmem>>
        %dma_wait3A_167 = tpu.memref_slice %arg4[%dma_wait3A_157, %add3A, %mul3A_156] : memref<2x32x10240xi32, #tpu.memory_space<hbm>> -> memref<1x1x128xi32, #tpu.memory_space<hbm>>
        %dma_wait3A_168 = tpu.memref_squeeze %dma_wait3A_167 : memref<1x1x128xi32, #tpu.memory_space<hbm>> -> memref<128xi32, #tpu.memory_space<hbm>>
        tpu.wait_dma2 semaphore(%arg13 : memref<!tpu.dma_semaphore, #tpu.memory_space<semaphore_mem>>) src(%dma_wait3A_168 : memref<128xi32, #tpu.memory_space<hbm>>) dst(%dma_wait3A_166 : memref<128xi32, #tpu.memory_space<vmem>>)
        %dma_start3A_169 = arith.constant 1 : i32
        %dma_start3A_170 = arith.constant 1 : i32
        %dma_start3A_171 = arith.constant 0 : i32
        %dma_start3A_172 = arith.constant 0 : i32
        %dma_start3A_173 = tpu.memref_slice %arg7[%dma_start3A_170, %dma_start3A_171, %dma_start3A_172] : memref<2x128x128xf32, #tpu.memory_space<vmem>> -> memref<1x128x128xf32, #tpu.memory_space<vmem>>
        %dma_start3A_174 = tpu.memref_squeeze %dma_start3A_173 : memref<1x128x128xf32, #tpu.memory_space<vmem>> -> memref<128x128xf32, #tpu.memory_space<vmem>>
        %dma_start3A_175 = arith.constant 0 : i32
        %dma_start3A_176 = tpu.memref_slice %arg8[%dma_start3A_169, %dma_start3A_175] : memref<2x128xi32, #tpu.memory_space<vmem>> -> memref<1x128xi32, #tpu.memory_space<vmem>>
        %dma_start3A_177 = tpu.memref_squeeze %dma_start3A_176 : memref<1x128xi32, #tpu.memory_space<vmem>> -> memref<128xi32, #tpu.memory_space<vmem>>
        %dma_start3A_178 = arith.constant 0 : i32
        %dma_start3A_179 = arith.constant 0 : i32
        %dma_start3A_180 = tpu.memref_slice %arg2[%dma_start3A_178, %dma_start3A_179] : memref<10240x128xf32, #tpu.memory_space<hbm>> -> memref<10240x128xf32, #tpu.memory_space<hbm>>
        tpu.enqueue_indirect_dma source(%dma_start3A_180 : memref<10240x128xf32, #tpu.memory_space<hbm>>) target(%dma_start3A_174 : memref<128x128xf32, #tpu.memory_space<vmem>>) offsets(%dma_start3A_177 : memref<128xi32, #tpu.memory_space<vmem>>) semaphore(%arg11 : memref<!tpu.dma_semaphore, #tpu.memory_space<semaphore_mem>>)
      } else {
      }
      %mul3A_108 = arith.constant 2 : i32
      %mul3A_109 = arith.muli %scan3A_69, %mul3A_108 : i32
      %add3A_110 = arith.constant 1 : i32
      %add3A_111 = arith.addi %mul3A_109, %add3A_110 : i32
      %dma_wait3A_112 = arith.constant 1 : i32
      %dma_wait3A_113 = arith.constant 1 : i32
      %dma_wait3A_114 = arith.constant 0 : i32
      %dma_wait3A_115 = arith.constant 0 : i32
      %dma_wait3A_116 = tpu.memref_slice %arg7[%dma_wait3A_113, %dma_wait3A_114, %dma_wait3A_115] : memref<2x128x128xf32, #tpu.memory_space<vmem>> -> memref<1x128x128xf32, #tpu.memory_space<vmem>>
      %dma_wait3A_117 = tpu.memref_squeeze %dma_wait3A_116 : memref<1x128x128xf32, #tpu.memory_space<vmem>> -> memref<128x128xf32, #tpu.memory_space<vmem>>
      %dma_wait3A_118 = arith.constant 0 : i32
      %dma_wait3A_119 = tpu.memref_slice %arg8[%dma_wait3A_112, %dma_wait3A_118] : memref<2x128xi32, #tpu.memory_space<vmem>> -> memref<1x128xi32, #tpu.memory_space<vmem>>
      %dma_wait3A_120 = tpu.memref_squeeze %dma_wait3A_119 : memref<1x128xi32, #tpu.memory_space<vmem>> -> memref<128xi32, #tpu.memory_space<vmem>>
      %dma_wait3A_121 = arith.constant 0 : i32
      %dma_wait3A_122 = arith.constant 0 : i32
      %dma_wait3A_123 = tpu.memref_slice %arg2[%dma_wait3A_121, %dma_wait3A_122] : memref<10240x128xf32, #tpu.memory_space<hbm>> -> memref<10240x128xf32, #tpu.memory_space<hbm>>
      tpu.wait_indirect_dma semaphore(%arg11 : memref<!tpu.dma_semaphore, #tpu.memory_space<semaphore_mem>>) src(%dma_wait3A_123 : memref<10240x128xf32, #tpu.memory_space<hbm>>) dst(%dma_wait3A_117 : memref<128x128xf32, #tpu.memory_space<vmem>>)
      %add3A_124 = arith.constant 2 : i32
      %add3A_125 = arith.addi %add3A_111, %add3A_124 : i32
      %lt3A_126 = arith.constant 80 : i32
      %lt3A_127 = arith.cmpi slt, %add3A_125, %lt3A_126 : i32
      %convert_element_type3A_128 = arith.extui %lt3A_127 : i1 to i32
      %cond3A_129 = arith.constant 0 : i32
      %cond3A_130 = arith.cmpi ne, %convert_element_type3A_128, %cond3A_129 : i32
      scf.if %cond3A_130 {
        %add3A_149 = arith.constant 2 : i32
        %add3A_150 = arith.addi %add3A_111, %add3A_149 : i32
        %mul3A_151 = arith.constant 128 : i32
        %mul3A_152 = arith.muli %add3A_150, %mul3A_151 : i32
        %dma_start3A_153 = arith.constant 0 : i32
        %dma_start3A_154 = arith.constant 1 : i32
        %dma_start3A_155 = arith.constant 0 : i32
        %dma_start3A_156 = tpu.memref_slice %arg8[%dma_start3A_154, %dma_start3A_155] : memref<2x128xi32, #tpu.memory_space<vmem>> -> memref<1x128xi32, #tpu.memory_space<vmem>>
        %dma_start3A_157 = tpu.memref_squeeze %dma_start3A_156 : memref<1x128xi32, #tpu.memory_space<vmem>> -> memref<128xi32, #tpu.memory_space<vmem>>
        %dma_start3A_158 = tpu.memref_slice %arg4[%dma_start3A_153, %add3A, %mul3A_152] : memref<2x32x10240xi32, #tpu.memory_space<hbm>> -> memref<1x1x128xi32, #tpu.memory_space<hbm>>
        %dma_start3A_159 = tpu.memref_squeeze %dma_start3A_158 : memref<1x1x128xi32, #tpu.memory_space<hbm>> -> memref<128xi32, #tpu.memory_space<hbm>>
        %dma_start3A_160 = arith.constant 0 : i32
        %dma_start3A_161 = tpu.memref_slice %arg8[%dma_start3A_154, %dma_start3A_160] : memref<2x128xi32, #tpu.memory_space<vmem>> -> memref<1x128xi32, #tpu.memory_space<vmem>>
        %dma_start3A_162 = tpu.memref_squeeze %dma_start3A_161 : memref<1x128xi32, #tpu.memory_space<vmem>> -> memref<128xi32, #tpu.memory_space<vmem>>
        %dma_start3A_163 = tpu.memref_slice %arg4[%dma_start3A_153, %add3A, %mul3A_152] : memref<2x32x10240xi32, #tpu.memory_space<hbm>> -> memref<1x1x128xi32, #tpu.memory_space<hbm>>
        %dma_start3A_164 = tpu.memref_squeeze %dma_start3A_163 : memref<1x1x128xi32, #tpu.memory_space<hbm>> -> memref<128xi32, #tpu.memory_space<hbm>>
        tpu.enqueue_dma source(%dma_start3A_164 : memref<128xi32, #tpu.memory_space<hbm>>) target(%dma_start3A_162 : memref<128xi32, #tpu.memory_space<vmem>>) target_semaphore(%arg13 : memref<!tpu.dma_semaphore, #tpu.memory_space<semaphore_mem>>)
      } else {
      }
      %dma_start3A_131 = arith.constant 1 : i32
      %dma_start3A_132 = arith.constant 0 : i32
      %dma_start3A_133 = arith.constant 0 : i32
      %dma_start3A_134 = tpu.memref_slice %arg7[%dma_start3A_131, %dma_start3A_132, %dma_start3A_133] : memref<2x128x128xf32, #tpu.memory_space<vmem>> -> memref<1x128x128xf32, #tpu.memory_space<vmem>>
      %dma_start3A_135 = tpu.memref_squeeze %dma_start3A_134 : memref<1x128x128xf32, #tpu.memory_space<vmem>> -> memref<128x128xf32, #tpu.memory_space<vmem>>
      %dma_start3A_136 = arith.constant 0 : i32
      %dma_start3A_137 = tpu.memref_slice %arg9[%add3A_111, %dma_start3A_136] : memref<80x128xi32, #tpu.memory_space<vmem>> -> memref<1x128xi32, #tpu.memory_space<vmem>>
      %dma_start3A_138 = tpu.memref_squeeze %dma_start3A_137 : memref<1x128xi32, #tpu.memory_space<vmem>> -> memref<128xi32, #tpu.memory_space<vmem>>
      %dma_start3A_139 = arith.constant 0 : i32
      %dma_start3A_140 = arith.constant 0 : i32
      %dma_start3A_141 = tpu.memref_slice %arg6[%dma_start3A_139, %dma_start3A_140] : memref<10240x128xf32, #tpu.memory_space<vmem_shared>> -> memref<10240x128xf32, #tpu.memory_space<vmem_shared>>
      tpu.enqueue_indirect_dma source(%dma_start3A_135 : memref<128x128xf32, #tpu.memory_space<vmem>>) target(%dma_start3A_141 : memref<10240x128xf32, #tpu.memory_space<vmem_shared>>) offsets(%dma_start3A_138 : memref<128xi32, #tpu.memory_space<vmem>>) semaphore(%arg15 : memref<!tpu.dma_semaphore, #tpu.memory_space<semaphore_mem>>) {add = true}
      %add3A_142 = arith.constant 1 : i32
      %add3A_143 = arith.addi %add3A_111, %add3A_142 : i32
      %lt3A_144 = arith.constant 80 : i32
      %lt3A_145 = arith.cmpi slt, %add3A_143, %lt3A_144 : i32
      %convert_element_type3A_146 = arith.extui %lt3A_145 : i1 to i32
      %cond3A_147 = arith.constant 0 : i32
      %cond3A_148 = arith.cmpi ne, %convert_element_type3A_146, %cond3A_147 : i32
      scf.if %cond3A_148 {
        %ge3A = arith.constant 1 : i32
        %ge3A_149 = arith.cmpi sge, %add3A_111, %ge3A : i32
        %convert_element_type3A_150 = arith.extui %ge3A_149 : i1 to i32
        %cond3A_151 = arith.constant 0 : i32
        %cond3A_152 = arith.cmpi ne, %convert_element_type3A_150, %cond3A_151 : i32
        scf.if %cond3A_152 {
          %sub3A = arith.constant 1 : i32
          %sub3A_181 = arith.subi %add3A_111, %sub3A : i32
          %dma_wait3A_182 = arith.constant 0 : i32
          %dma_wait3A_183 = arith.constant 0 : i32
          %dma_wait3A_184 = arith.constant 0 : i32
          %dma_wait3A_185 = tpu.memref_slice %arg7[%dma_wait3A_182, %dma_wait3A_183, %dma_wait3A_184] : memref<2x128x128xf32, #tpu.memory_space<vmem>> -> memref<1x128x128xf32, #tpu.memory_space<vmem>>
          %dma_wait3A_186 = tpu.memref_squeeze %dma_wait3A_185 : memref<1x128x128xf32, #tpu.memory_space<vmem>> -> memref<128x128xf32, #tpu.memory_space<vmem>>
          %dma_wait3A_187 = arith.constant 0 : i32
          %dma_wait3A_188 = tpu.memref_slice %arg9[%sub3A_181, %dma_wait3A_187] : memref<80x128xi32, #tpu.memory_space<vmem>> -> memref<1x128xi32, #tpu.memory_space<vmem>>
          %dma_wait3A_189 = tpu.memref_squeeze %dma_wait3A_188 : memref<1x128xi32, #tpu.memory_space<vmem>> -> memref<128xi32, #tpu.memory_space<vmem>>
          %dma_wait3A_190 = arith.constant 0 : i32
          %dma_wait3A_191 = arith.constant 0 : i32
          %dma_wait3A_192 = tpu.memref_slice %arg6[%dma_wait3A_190, %dma_wait3A_191] : memref<10240x128xf32, #tpu.memory_space<vmem_shared>> -> memref<10240x128xf32, #tpu.memory_space<vmem_shared>>
          tpu.wait_indirect_dma semaphore(%arg14 : memref<!tpu.dma_semaphore, #tpu.memory_space<semaphore_mem>>) src(%dma_wait3A_186 : memref<128x128xf32, #tpu.memory_space<vmem>>) dst(%dma_wait3A_192 : memref<10240x128xf32, #tpu.memory_space<vmem_shared>>)
        } else {
        }
        %add3A_153 = arith.constant 1 : i32
        %add3A_154 = arith.addi %add3A_111, %add3A_153 : i32
        %mul3A_155 = arith.constant 128 : i32
        %mul3A_156 = arith.muli %add3A_154, %mul3A_155 : i32
        %dma_wait3A_157 = arith.constant 0 : i32
        %dma_wait3A_158 = arith.constant 0 : i32
        %dma_wait3A_159 = arith.constant 0 : i32
        %dma_wait3A_160 = tpu.memref_slice %arg8[%dma_wait3A_158, %dma_wait3A_159] : memref<2x128xi32, #tpu.memory_space<vmem>> -> memref<1x128xi32, #tpu.memory_space<vmem>>
        %dma_wait3A_161 = tpu.memref_squeeze %dma_wait3A_160 : memref<1x128xi32, #tpu.memory_space<vmem>> -> memref<128xi32, #tpu.memory_space<vmem>>
        %dma_wait3A_162 = tpu.memref_slice %arg4[%dma_wait3A_157, %add3A, %mul3A_156] : memref<2x32x10240xi32, #tpu.memory_space<hbm>> -> memref<1x1x128xi32, #tpu.memory_space<hbm>>
        %dma_wait3A_163 = tpu.memref_squeeze %dma_wait3A_162 : memref<1x1x128xi32, #tpu.memory_space<hbm>> -> memref<128xi32, #tpu.memory_space<hbm>>
        %dma_wait3A_164 = arith.constant 0 : i32
        %dma_wait3A_165 = tpu.memref_slice %arg8[%dma_wait3A_158, %dma_wait3A_164] : memref<2x128xi32, #tpu.memory_space<vmem>> -> memref<1x128xi32, #tpu.memory_space<vmem>>
        %dma_wait3A_166 = tpu.memref_squeeze %dma_wait3A_165 : memref<1x128xi32, #tpu.memory_space<vmem>> -> memref<128xi32, #tpu.memory_space<vmem>>
        %dma_wait3A_167 = tpu.memref_slice %arg4[%dma_wait3A_157, %add3A, %mul3A_156] : memref<2x32x10240xi32, #tpu.memory_space<hbm>> -> memref<1x1x128xi32, #tpu.memory_space<hbm>>
        %dma_wait3A_168 = tpu.memref_squeeze %dma_wait3A_167 : memref<1x1x128xi32, #tpu.memory_space<hbm>> -> memref<128xi32, #tpu.memory_space<hbm>>
        tpu.wait_dma2 semaphore(%arg12 : memref<!tpu.dma_semaphore, #tpu.memory_space<semaphore_mem>>) src(%dma_wait3A_168 : memref<128xi32, #tpu.memory_space<hbm>>) dst(%dma_wait3A_166 : memref<128xi32, #tpu.memory_space<vmem>>)
        %dma_start3A_169 = arith.constant 0 : i32
        %dma_start3A_170 = arith.constant 0 : i32
        %dma_start3A_171 = arith.constant 0 : i32
        %dma_start3A_172 = arith.constant 0 : i32
        %dma_start3A_173 = tpu.memref_slice %arg7[%dma_start3A_170, %dma_start3A_171, %dma_start3A_172] : memref<2x128x128xf32, #tpu.memory_space<vmem>> -> memref<1x128x128xf32, #tpu.memory_space<vmem>>
        %dma_start3A_174 = tpu.memref_squeeze %dma_start3A_173 : memref<1x128x128xf32, #tpu.memory_space<vmem>> -> memref<128x128xf32, #tpu.memory_space<vmem>>
        %dma_start3A_175 = arith.constant 0 : i32
        %dma_start3A_176 = tpu.memref_slice %arg8[%dma_start3A_169, %dma_start3A_175] : memref<2x128xi32, #tpu.memory_space<vmem>> -> memref<1x128xi32, #tpu.memory_space<vmem>>
        %dma_start3A_177 = tpu.memref_squeeze %dma_start3A_176 : memref<1x128xi32, #tpu.memory_space<vmem>> -> memref<128xi32, #tpu.memory_space<vmem>>
        %dma_start3A_178 = arith.constant 0 : i32
        %dma_start3A_179 = arith.constant 0 : i32
        %dma_start3A_180 = tpu.memref_slice %arg2[%dma_start3A_178, %dma_start3A_179] : memref<10240x128xf32, #tpu.memory_space<hbm>> -> memref<10240x128xf32, #tpu.memory_space<hbm>>
        tpu.enqueue_indirect_dma source(%dma_start3A_180 : memref<10240x128xf32, #tpu.memory_space<hbm>>) target(%dma_start3A_174 : memref<128x128xf32, #tpu.memory_space<vmem>>) offsets(%dma_start3A_177 : memref<128xi32, #tpu.memory_space<vmem>>) semaphore(%arg10 : memref<!tpu.dma_semaphore, #tpu.memory_space<semaphore_mem>>)
      } else {
      }
    }
    %scan3A_42 = arith.constant 40 : i32
    %dma_wait3A = arith.constant 0 : i32
    %dma_wait3A_43 = arith.constant 78 : i32
    %dma_wait3A_44 = arith.constant 0 : i32
    %dma_wait3A_45 = arith.constant 0 : i32
    %dma_wait3A_46 = tpu.memref_slice %arg7[%dma_wait3A, %dma_wait3A_44, %dma_wait3A_45] : memref<2x128x128xf32, #tpu.memory_space<vmem>> -> memref<1x128x128xf32, #tpu.memory_space<vmem>>
    %dma_wait3A_47 = tpu.memref_squeeze %dma_wait3A_46 : memref<1x128x128xf32, #tpu.memory_space<vmem>> -> memref<128x128xf32, #tpu.memory_space<vmem>>
    %dma_wait3A_48 = arith.constant 0 : i32
    %dma_wait3A_49 = tpu.memref_slice %arg9[%dma_wait3A_43, %dma_wait3A_48] : memref<80x128xi32, #tpu.memory_space<vmem>> -> memref<1x128xi32, #tpu.memory_space<vmem>>
    %dma_wait3A_50 = tpu.memref_squeeze %dma_wait3A_49 : memref<1x128xi32, #tpu.memory_space<vmem>> -> memref<128xi32, #tpu.memory_space<vmem>>
    %dma_wait3A_51 = arith.constant 0 : i32
    %dma_wait3A_52 = arith.constant 0 : i32
    %dma_wait3A_53 = tpu.memref_slice %arg6[%dma_wait3A_51, %dma_wait3A_52] : memref<10240x128xf32, #tpu.memory_space<vmem_shared>> -> memref<10240x128xf32, #tpu.memory_space<vmem_shared>>
    tpu.wait_indirect_dma semaphore(%arg14 : memref<!tpu.dma_semaphore, #tpu.memory_space<semaphore_mem>>) src(%dma_wait3A_47 : memref<128x128xf32, #tpu.memory_space<vmem>>) dst(%dma_wait3A_53 : memref<10240x128xf32, #tpu.memory_space<vmem_shared>>)
    %dma_wait3A_54 = arith.constant 1 : i32
    %dma_wait3A_55 = arith.constant 79 : i32
    %dma_wait3A_56 = arith.constant 0 : i32
    %dma_wait3A_57 = arith.constant 0 : i32
    %dma_wait3A_58 = tpu.memref_slice %arg7[%dma_wait3A_54, %dma_wait3A_56, %dma_wait3A_57] : memref<2x128x128xf32, #tpu.memory_space<vmem>> -> memref<1x128x128xf32, #tpu.memory_space<vmem>>
    %dma_wait3A_59 = tpu.memref_squeeze %dma_wait3A_58 : memref<1x128x128xf32, #tpu.memory_space<vmem>> -> memref<128x128xf32, #tpu.memory_space<vmem>>
    %dma_wait3A_60 = arith.constant 0 : i32
    %dma_wait3A_61 = tpu.memref_slice %arg9[%dma_wait3A_55, %dma_wait3A_60] : memref<80x128xi32, #tpu.memory_space<vmem>> -> memref<1x128xi32, #tpu.memory_space<vmem>>
    %dma_wait3A_62 = tpu.memref_squeeze %dma_wait3A_61 : memref<1x128xi32, #tpu.memory_space<vmem>> -> memref<128xi32, #tpu.memory_space<vmem>>
    %dma_wait3A_63 = arith.constant 0 : i32
    %dma_wait3A_64 = arith.constant 0 : i32
    %dma_wait3A_65 = tpu.memref_slice %arg6[%dma_wait3A_63, %dma_wait3A_64] : memref<10240x128xf32, #tpu.memory_space<vmem_shared>> -> memref<10240x128xf32, #tpu.memory_space<vmem_shared>>
    tpu.wait_indirect_dma semaphore(%arg15 : memref<!tpu.dma_semaphore, #tpu.memory_space<semaphore_mem>>) src(%dma_wait3A_59 : memref<128x128xf32, #tpu.memory_space<vmem>>) dst(%dma_wait3A_65 : memref<10240x128xf32, #tpu.memory_space<vmem_shared>>)
    %barrier3A_66 = arith.constant 0 : index
    tpu.barrier barrier_id(%barrier3A_66)
    %mul3A_67 = arith.constant 640 : i32
    %mul3A_68 = arith.muli %arg1, %mul3A_67 : i32
    "tpu.region"() ({
      %run_scoped3A_69 = tpu.sem_alloc : memref<!tpu.dma_semaphore, #tpu.memory_space<semaphore_mem>>
      %dma_start3A_70 = arith.constant 0 : i32
      %dma_start3A_71 = tpu.memref_slice %arg5[%arg0, %mul3A_68, %dma_start3A_70] : memref<2x10240x128xf32, #tpu.memory_space<hbm>> -> memref<1x640x128xf32, #tpu.memory_space<hbm>>
      %dma_start3A_72 = tpu.memref_squeeze %dma_start3A_71 : memref<1x640x128xf32, #tpu.memory_space<hbm>> -> memref<640x128xf32, #tpu.memory_space<hbm>>
      %dma_start3A_73 = arith.constant 0 : i32
      %dma_start3A_74 = tpu.memref_slice %arg6[%mul3A_68, %dma_start3A_73] : memref<10240x128xf32, #tpu.memory_space<vmem_shared>> -> memref<640x128xf32, #tpu.memory_space<vmem_shared>>
      tpu.enqueue_dma source(%dma_start3A_74 : memref<640x128xf32, #tpu.memory_space<vmem_shared>>) target(%dma_start3A_72 : memref<640x128xf32, #tpu.memory_space<hbm>>) target_semaphore(%run_scoped3A_69 : memref<!tpu.dma_semaphore, #tpu.memory_space<semaphore_mem>>)
      %dma_wait3A_75 = arith.constant 0 : i32
      %dma_wait3A_76 = tpu.memref_slice %arg5[%arg0, %mul3A_68, %dma_wait3A_75] : memref<2x10240x128xf32, #tpu.memory_space<hbm>> -> memref<1x640x128xf32, #tpu.memory_space<hbm>>
      %dma_wait3A_77 = tpu.memref_squeeze %dma_wait3A_76 : memref<1x640x128xf32, #tpu.memory_space<hbm>> -> memref<640x128xf32, #tpu.memory_space<hbm>>
      %dma_wait3A_78 = arith.constant 0 : i32
      %dma_wait3A_79 = tpu.memref_slice %arg6[%mul3A_68, %dma_wait3A_78] : memref<10240x128xf32, #tpu.memory_space<vmem_shared>> -> memref<640x128xf32, #tpu.memory_space<vmem_shared>>
      tpu.wait_dma2 semaphore(%run_scoped3A_69 : memref<!tpu.dma_semaphore, #tpu.memory_space<semaphore_mem>>) src(%dma_wait3A_79 : memref<640x128xf32, #tpu.memory_space<vmem_shared>>) dst(%dma_wait3A_77 : memref<640x128xf32, #tpu.memory_space<hbm>>)
      tpu.yield
    }) : () -> ()
    return
  }
}

module attributes {stable_mosaic.version = 14 : i64} {
  func.func @_prep_body(%arg0: memref<2x320000xi32, #tpu.memory_space<vmem>>, %arg1: memref<2x327680xi32, #tpu.memory_space<vmem>>) attributes {dimension_semantics = [], scalar_prefetch = 0 : i64, scratch_operands = 0 : i64, tpu.core_type = #tpu.core_type<tc>} {
    %get3A = arith.constant 0 : index
    %get3A_0 = arith.constant 0 : index
    %get3A_1 = vector.load %arg0[%get3A, %get3A_0] : memref<2x320000xi32, #tpu.memory_space<vmem>>, vector<2x320000xi32>
    %swap3A = arith.constant 0 : index
    %swap3A_2 = arith.constant 0 : index
    %swap3A_3 = vector.load %arg1[%swap3A, %swap3A_2] : memref<2x327680xi32, #tpu.memory_space<vmem>>, vector<2x320000xi32>
    tpu.vector_store %arg1[%swap3A, %swap3A_2], %get3A_1 {strides = array<i32>} : memref<2x327680xi32, #tpu.memory_space<vmem>>, vector<2x320000xi32>,
    %iota3A = tpu.iota {dimensions = array<i32: 1>} : vector<1x7680xi32>
    %jit3A = arith.constant 480 : i32
    %eq3A = arith.constant 0 : i32
    %eq3A_4 = arith.cmpi eq, %jit3A, %eq3A : i32
    %jit3A_5 = arith.constant 1 : i32
    %select_n3A = arith.select %eq3A_4, %jit3A_5, %jit3A : i32
    %rem3A = vector.broadcast %select_n3A : i32 to vector<1x7680xi32>
    %rem3A_6 = arith.remsi %iota3A, %rem3A : vector<1x7680xi32>
    %ne3A = arith.constant 0 : i32
    %ne3A_7 = vector.broadcast %ne3A : i32 to vector<1x7680xi32>
    %ne3A_8 = arith.cmpi ne, %rem3A_6, %ne3A_7 : vector<1x7680xi32>
    %lt3A = arith.constant 0 : i32
    %lt3A_9 = vector.broadcast %lt3A : i32 to vector<1x7680xi32>
    %lt3A_10 = arith.cmpi slt, %rem3A_6, %lt3A_9 : vector<1x7680xi32>
    %lt3A_11 = arith.constant 0 : i32
    %lt3A_12 = arith.cmpi slt, %select_n3A, %lt3A_11 : i32
    %ne3A_13 = vector.broadcast %lt3A_12 : i1 to vector<1x7680xi1>
    %ne3A_14 = vector.broadcast %ne3A_13 : vector<1x7680xi1> to vector<1x7680xi1>
    %ne3A_15 = arith.xori %lt3A_10, %ne3A_14 : vector<1x7680xi1>
    %and3A = arith.andi %ne3A_15, %ne3A_8 : vector<1x7680xi1>
    %add3A = vector.broadcast %select_n3A : i32 to vector<1x7680xi32>
    %add3A_16 = arith.addi %rem3A_6, %add3A : vector<1x7680xi32>
    %select_n3A_17 = arith.select %and3A, %add3A_16, %rem3A_6 : vector<1x7680xi1>, vector<1x7680xi32>
    %swap3A_18 = arith.constant 0 : index
    %swap3A_19 = arith.constant 320000 : index
    %swap3A_20 = vector.load %arg1[%swap3A_18, %swap3A_19] : memref<2x327680xi32, #tpu.memory_space<vmem>>, vector<1x7680xi32>
    tpu.vector_store %arg1[%swap3A_18, %swap3A_19], %select_n3A_17 {strides = array<i32>} : memref<2x327680xi32, #tpu.memory_space<vmem>>, vector<1x7680xi32>,
    %jit3A_21 = arith.constant 240 : i32
    %eq3A_22 = arith.constant 0 : i32
    %eq3A_23 = arith.cmpi eq, %jit3A_21, %eq3A_22 : i32
    %jit3A_24 = arith.constant 1 : i32
    %select_n3A_25 = arith.select %eq3A_23, %jit3A_24, %jit3A_21 : i32
    %rem3A_26 = vector.broadcast %select_n3A_25 : i32 to vector<1x7680xi32>
    %rem3A_27 = arith.remsi %iota3A, %rem3A_26 : vector<1x7680xi32>
    %ne3A_28 = arith.constant 0 : i32
    %ne3A_29 = vector.broadcast %ne3A_28 : i32 to vector<1x7680xi32>
    %ne3A_30 = arith.cmpi ne, %rem3A_27, %ne3A_29 : vector<1x7680xi32>
    %lt3A_31 = arith.constant 0 : i32
    %lt3A_32 = vector.broadcast %lt3A_31 : i32 to vector<1x7680xi32>
    %lt3A_33 = arith.cmpi slt, %rem3A_27, %lt3A_32 : vector<1x7680xi32>
    %lt3A_34 = arith.constant 0 : i32
    %lt3A_35 = arith.cmpi slt, %select_n3A_25, %lt3A_34 : i32
    %ne3A_36 = vector.broadcast %lt3A_35 : i1 to vector<1x7680xi1>
    %ne3A_37 = vector.broadcast %ne3A_36 : vector<1x7680xi1> to vector<1x7680xi1>
    %ne3A_38 = arith.xori %lt3A_33, %ne3A_37 : vector<1x7680xi1>
    %and3A_39 = arith.andi %ne3A_38, %ne3A_30 : vector<1x7680xi1>
    %add3A_40 = vector.broadcast %select_n3A_25 : i32 to vector<1x7680xi32>
    %add3A_41 = arith.addi %rem3A_27, %add3A_40 : vector<1x7680xi32>
    %select_n3A_42 = arith.select %and3A_39, %add3A_41, %rem3A_27 : vector<1x7680xi1>, vector<1x7680xi32>
    %add3A_43 = arith.constant 10000 : i32
    %add3A_44 = vector.broadcast %add3A_43 : i32 to vector<1x7680xi32>
    %add3A_45 = arith.addi %add3A_44, %select_n3A_42 : vector<1x7680xi32>
    %swap3A_46 = arith.constant 1 : index
    %swap3A_47 = arith.constant 320000 : index
    %swap3A_48 = vector.load %arg1[%swap3A_46, %swap3A_47] : memref<2x327680xi32, #tpu.memory_space<vmem>>, vector<1x7680xi32>
    tpu.vector_store %arg1[%swap3A_46, %swap3A_47], %add3A_45 {strides = array<i32>} : memref<2x327680xi32, #tpu.memory_space<vmem>>, vector<1x7680xi32>,
    return
  }
}

module attributes {stable_mosaic.version = 14 : i64} {
  func.func @_enc_body(%arg0: i32, %arg1: memref<2048x128xf32, #tpu.memory_space<vmem>>, %arg2: memref<128x128xf32, #tpu.memory_space<vmem>>, %arg3: memref<128x128xf32, #tpu.memory_space<vmem>>, %arg4: memref<1x128xf32, #tpu.memory_space<vmem>>, %arg5: memref<2x2048xf32, #tpu.memory_space<vmem>>, %arg6: memref<2048x128xf32, #tpu.memory_space<vmem>>, %arg7: memref<2048x128xf32, #tpu.memory_space<vmem>>) attributes {dimension_semantics = [#tpu.dimension_semantics<arbitrary>], iteration_bounds = array<i64: 5>, scalar_prefetch = 0 : i64, scratch_operands = 0 : i64, tpu.core_type = #tpu.core_type<tc>, window_params = [{transform_indices = @transform_0, window_bounds = array<i64: 2048, 128>}, {pipeline_mode = #tpu.pipeline_mode<synchronous>, transform_indices = @transform_1, window_bounds = array<i64: 128, 128>}, {pipeline_mode = #tpu.pipeline_mode<synchronous>, transform_indices = @transform_2, window_bounds = array<i64: 128, 128>}, {pipeline_mode = #tpu.pipeline_mode<synchronous>, transform_indices = @transform_3, window_bounds = array<i64: 1, 128>}, {transform_indices = @transform_4, window_bounds = array<i64: 2, 2048>}, {transform_indices = @transform_5, window_bounds = array<i64: 2048, 128>}, {transform_indices = @transform_6, window_bounds = array<i64: 2048, 128>}]} {
    %get3A = arith.constant 0 : index
    %get3A_0 = arith.constant 0 : index
    %get3A_1 = vector.load %arg1[%get3A, %get3A_0] : memref<2048x128xf32, #tpu.memory_space<vmem>>, vector<2048x128xf32>
    %get3A_2 = arith.constant 0 : index
    %get3A_3 = arith.constant 0 : index
    %get3A_4 = vector.load %arg5[%get3A_2, %get3A_3] : memref<2x2048xf32, #tpu.memory_space<vmem>>, vector<1x2048xf32>
    %get3A_5 = vector.shape_cast %get3A_4 : vector<1x2048xf32> to vector<2048xf32>
    %get3A_6 = arith.constant 1 : index
    %get3A_7 = arith.constant 0 : index
    %get3A_8 = vector.load %arg5[%get3A_6, %get3A_7] : memref<2x2048xf32, #tpu.memory_space<vmem>>, vector<1x2048xf32>
    %get3A_9 = vector.shape_cast %get3A_8 : vector<1x2048xf32> to vector<2048xf32>
    %add3A = arith.addf %get3A_5, %get3A_9 : vector<2048xf32>
    %add3A_10 = arith.constant 1.000000e+00 : f32
    %add3A_11 = vector.broadcast %add3A_10 : f32 to vector<2048xf32>
    %add3A_12 = arith.addf %add3A, %add3A_11 : vector<2048xf32>
    %rsqrt3A = math.rsqrt %add3A_12 : vector<2048xf32>
    %get3A_13 = arith.constant 0 : index
    %get3A_14 = arith.constant 0 : index
    %get3A_15 = vector.load %arg2[%get3A_13, %get3A_14] : memref<128x128xf32, #tpu.memory_space<vmem>>, vector<128x128xf32>
    %dot_general3A = arith.constant dense<0.000000e+00> : vector<2048x128xf32>
    %dot_general3A_16 = tpu.matmul %get3A_1, %get3A_15, %dot_general3A {dimension_numbers = #tpu.dot_dimension_numbers<[1], [0], [0], [1], [0, 0, 1, 1], [], []>, transpose_lhs_hint = false} : vector<2048x128xf32>, vector<128x128xf32>, vector<2048x128xf32> -> vector<2048x128xf32>
    %broadcast_in_dim3A = vector.shape_cast %rsqrt3A : vector<2048xf32> to vector<2048x1xf32>
    %mul3A = vector.broadcast %broadcast_in_dim3A : vector<2048x1xf32> to vector<2048x128xf32>
    %mul3A_17 = arith.mulf %dot_general3A_16, %mul3A : vector<2048x128xf32>
    %swap3A = arith.constant 0 : index
    %swap3A_18 = arith.constant 0 : index
    %swap3A_19 = vector.load %arg6[%swap3A, %swap3A_18] : memref<2048x128xf32, #tpu.memory_space<vmem>>, vector<2048x128xf32>
    tpu.vector_store %arg6[%swap3A, %swap3A_18], %mul3A_17 {strides = array<i32>} : memref<2048x128xf32, #tpu.memory_space<vmem>>, vector<2048x128xf32>,
    %get3A_20 = arith.constant 0 : index
    %get3A_21 = arith.constant 0 : index
    %get3A_22 = vector.load %arg3[%get3A_20, %get3A_21] : memref<128x128xf32, #tpu.memory_space<vmem>>, vector<128x128xf32>
    %dot_general3A_23 = arith.constant dense<0.000000e+00> : vector<2048x128xf32>
    %dot_general3A_24 = tpu.matmul %get3A_1, %get3A_22, %dot_general3A_23 {dimension_numbers = #tpu.dot_dimension_numbers<[1], [0], [0], [1], [0, 0, 1, 1], [], []>, transpose_lhs_hint = false} : vector<2048x128xf32>, vector<128x128xf32>, vector<2048x128xf32> -> vector<2048x128xf32>
    %get3A_25 = arith.constant 0 : index
    %get3A_26 = arith.constant 0 : index
    %get3A_27 = vector.load %arg4[%get3A_25, %get3A_26] : memref<1x128xf32, #tpu.memory_space<vmem>>, vector<1x128xf32>
    %add3A_28 = vector.broadcast %get3A_27 : vector<1x128xf32> to vector<2048x128xf32>
    %add3A_29 = arith.addf %dot_general3A_24, %add3A_28 : vector<2048x128xf32>
    %max3A = arith.constant 0.000000e+00 : f32
    %max3A_30 = vector.broadcast %max3A : f32 to vector<2048x128xf32>
    %max3A_31 = arith.maximumf %add3A_29, %max3A_30 : vector<2048x128xf32>
    %swap3A_32 = arith.constant 0 : index
    %swap3A_33 = arith.constant 0 : index
    %swap3A_34 = vector.load %arg7[%swap3A_32, %swap3A_33] : memref<2048x128xf32, #tpu.memory_space<vmem>>, vector<2048x128xf32>
    tpu.vector_store %arg7[%swap3A_32, %swap3A_33], %max3A_31 {strides = array<i32>} : memref<2048x128xf32, #tpu.memory_space<vmem>>, vector<2048x128xf32>,
    return
  }
  func.func @transform_0(%arg0: i32) -> (i32, i32) {
    %c0_i32 = arith.constant 0 : i32
    %c0_i32_0 = arith.constant 0 : i32
    return %arg0, %c0_i32 : i32, i32
  }
  func.func @transform_1(%arg0: i32) -> (i32, i32) {
    %c0_i32 = arith.constant 0 : i32
    %c0_i32_0 = arith.constant 0 : i32
    %c0_i32_1 = arith.constant 0 : i32
    return %c0_i32, %c0_i32_0 : i32, i32
  }
  func.func @transform_2(%arg0: i32) -> (i32, i32) {
    %c0_i32 = arith.constant 0 : i32
    %c0_i32_0 = arith.constant 0 : i32
    %c0_i32_1 = arith.constant 0 : i32
    return %c0_i32, %c0_i32_0 : i32, i32
  }
  func.func @transform_3(%arg0: i32) -> (i32, i32) {
    %c0_i32 = arith.constant 0 : i32
    %c0_i32_0 = arith.constant 0 : i32
    %c0_i32_1 = arith.constant 0 : i32
    return %c0_i32, %c0_i32_0 : i32, i32
  }
  func.func @transform_4(%arg0: i32) -> (i32, i32) {
    %c0_i32 = arith.constant 0 : i32
    %c0_i32_0 = arith.constant 0 : i32
    return %c0_i32, %arg0 : i32, i32
  }
  func.func @transform_5(%arg0: i32) -> (i32, i32) {
    %c0_i32 = arith.constant 0 : i32
    %c0_i32_0 = arith.constant 0 : i32
    return %arg0, %c0_i32 : i32, i32
  }
  func.func @transform_6(%arg0: i32) -> (i32, i32) {
    %c0_i32 = arith.constant 0 : i32
    %c0_i32_0 = arith.constant 0 : i32
    return %arg0, %c0_i32 : i32, i32
  }
}

module attributes {stable_mosaic.version = 14 : i64} {
  func.func @_mid_body(%arg0: i32, %arg1: memref<2x2048x128xf32, #tpu.memory_space<vmem>>, %arg2: memref<2048x128xf32, #tpu.memory_space<vmem>>, %arg3: memref<2048x128xf32, #tpu.memory_space<vmem>>, %arg4: memref<1x128xf32, #tpu.memory_space<vmem>>, %arg5: memref<128x128xf32, #tpu.memory_space<vmem>>, %arg6: memref<2x2048xf32, #tpu.memory_space<vmem>>, %arg7: memref<2048x128xf32, #tpu.memory_space<vmem>>, %arg8: memref<2048x128xf32, #tpu.memory_space<vmem>>) attributes {dimension_semantics = [#tpu.dimension_semantics<arbitrary>], iteration_bounds = array<i64: 5>, scalar_prefetch = 0 : i64, scratch_operands = 0 : i64, tpu.core_type = #tpu.core_type<tc>, window_params = [{transform_indices = @transform_0, window_bounds = array<i64: 2, 2048, 128>}, {transform_indices = @transform_1, window_bounds = array<i64: 2048, 128>}, {transform_indices = @transform_2, window_bounds = array<i64: 2048, 128>}, {pipeline_mode = #tpu.pipeline_mode<synchronous>, transform_indices = @transform_3, window_bounds = array<i64: 1, 128>}, {pipeline_mode = #tpu.pipeline_mode<synchronous>, transform_indices = @transform_4, window_bounds = array<i64: 128, 128>}, {transform_indices = @transform_5, window_bounds = array<i64: 2, 2048>}, {transform_indices = @transform_6, window_bounds = array<i64: 2048, 128>}, {transform_indices = @transform_7, window_bounds = array<i64: 2048, 128>}]} {
    %get3A = arith.constant 0 : index
    %get3A_0 = arith.constant 0 : index
    %get3A_1 = vector.load %arg6[%get3A, %get3A_0] : memref<2x2048xf32, #tpu.memory_space<vmem>>, vector<1x2048xf32>
    %get3A_2 = vector.shape_cast %get3A_1 : vector<1x2048xf32> to vector<2048xf32>
    %get3A_3 = arith.constant 1 : index
    %get3A_4 = arith.constant 0 : index
    %get3A_5 = vector.load %arg6[%get3A_3, %get3A_4] : memref<2x2048xf32, #tpu.memory_space<vmem>>, vector<1x2048xf32>
    %get3A_6 = vector.shape_cast %get3A_5 : vector<1x2048xf32> to vector<2048xf32>
    %add3A = arith.addf %get3A_2, %get3A_6 : vector<2048xf32>
    %add3A_7 = arith.constant 1.000000e+00 : f32
    %add3A_8 = vector.broadcast %add3A_7 : f32 to vector<2048xf32>
    %add3A_9 = arith.addf %add3A, %add3A_8 : vector<2048xf32>
    %rsqrt3A = math.rsqrt %add3A_9 : vector<2048xf32>
    %get3A_10 = arith.constant 0 : index
    %get3A_11 = arith.constant 0 : index
    %get3A_12 = arith.constant 0 : index
    %get3A_13 = vector.load %arg1[%get3A_10, %get3A_11, %get3A_12] : memref<2x2048x128xf32, #tpu.memory_space<vmem>>, vector<1x2048x128xf32>
    %get3A_14 = vector.shape_cast %get3A_13 : vector<1x2048x128xf32> to vector<2048x128xf32>
    %get3A_15 = arith.constant 1 : index
    %get3A_16 = arith.constant 0 : index
    %get3A_17 = arith.constant 0 : index
    %get3A_18 = vector.load %arg1[%get3A_15, %get3A_16, %get3A_17] : memref<2x2048x128xf32, #tpu.memory_space<vmem>>, vector<1x2048x128xf32>
    %get3A_19 = vector.shape_cast %get3A_18 : vector<1x2048x128xf32> to vector<2048x128xf32>
    %add3A_20 = arith.addf %get3A_14, %get3A_19 : vector<2048x128xf32>
    %get3A_21 = arith.constant 0 : index
    %get3A_22 = arith.constant 0 : index
    %get3A_23 = vector.load %arg2[%get3A_21, %get3A_22] : memref<2048x128xf32, #tpu.memory_space<vmem>>, vector<2048x128xf32>
    %add3A_24 = arith.addf %add3A_20, %get3A_23 : vector<2048x128xf32>
    %broadcast_in_dim3A = vector.shape_cast %rsqrt3A : vector<2048xf32> to vector<2048x1xf32>
    %mul3A = vector.broadcast %broadcast_in_dim3A : vector<2048x1xf32> to vector<2048x128xf32>
    %mul3A_25 = arith.mulf %add3A_24, %mul3A : vector<2048x128xf32>
    %get3A_26 = arith.constant 0 : index
    %get3A_27 = arith.constant 0 : index
    %get3A_28 = vector.load %arg4[%get3A_26, %get3A_27] : memref<1x128xf32, #tpu.memory_space<vmem>>, vector<1x128xf32>
    %add3A_29 = vector.broadcast %get3A_28 : vector<1x128xf32> to vector<2048x128xf32>
    %add3A_30 = arith.addf %mul3A_25, %add3A_29 : vector<2048x128xf32>
    %max3A = arith.constant 0.000000e+00 : f32
    %max3A_31 = vector.broadcast %max3A : f32 to vector<2048x128xf32>
    %max3A_32 = arith.maximumf %add3A_30, %max3A_31 : vector<2048x128xf32>
    %get3A_33 = arith.constant 0 : index
    %get3A_34 = arith.constant 0 : index
    %get3A_35 = vector.load %arg3[%get3A_33, %get3A_34] : memref<2048x128xf32, #tpu.memory_space<vmem>>, vector<2048x128xf32>
    %add3A_36 = arith.addf %max3A_32, %get3A_35 : vector<2048x128xf32>
    %swap3A = arith.constant 0 : index
    %swap3A_37 = arith.constant 0 : index
    %swap3A_38 = vector.load %arg7[%swap3A, %swap3A_37] : memref<2048x128xf32, #tpu.memory_space<vmem>>, vector<2048x128xf32>
    tpu.vector_store %arg7[%swap3A, %swap3A_37], %add3A_36 {strides = array<i32>} : memref<2048x128xf32, #tpu.memory_space<vmem>>, vector<2048x128xf32>,
    %get3A_39 = arith.constant 0 : index
    %get3A_40 = arith.constant 0 : index
    %get3A_41 = vector.load %arg5[%get3A_39, %get3A_40] : memref<128x128xf32, #tpu.memory_space<vmem>>, vector<128x128xf32>
    %dot_general3A = arith.constant dense<0.000000e+00> : vector<2048x128xf32>
    %dot_general3A_42 = tpu.matmul %add3A_36, %get3A_41, %dot_general3A {dimension_numbers = #tpu.dot_dimension_numbers<[1], [0], [0], [1], [0, 0, 1, 1], [], []>, transpose_lhs_hint = false} : vector<2048x128xf32>, vector<128x128xf32>, vector<2048x128xf32> -> vector<2048x128xf32>
    %broadcast_in_dim3A_43 = vector.shape_cast %rsqrt3A : vector<2048xf32> to vector<2048x1xf32>
    %mul3A_44 = vector.broadcast %broadcast_in_dim3A_43 : vector<2048x1xf32> to vector<2048x128xf32>
    %mul3A_45 = arith.mulf %dot_general3A_42, %mul3A_44 : vector<2048x128xf32>
    %swap3A_46 = arith.constant 0 : index
    %swap3A_47 = arith.constant 0 : index
    %swap3A_48 = vector.load %arg8[%swap3A_46, %swap3A_47] : memref<2048x128xf32, #tpu.memory_space<vmem>>, vector<2048x128xf32>
    tpu.vector_store %arg8[%swap3A_46, %swap3A_47], %mul3A_45 {strides = array<i32>} : memref<2048x128xf32, #tpu.memory_space<vmem>>, vector<2048x128xf32>,
    return
  }
  func.func @transform_0(%arg0: i32) -> (i32, i32, i32) {
    %c0_i32 = arith.constant 0 : i32
    %c0_i32_0 = arith.constant 0 : i32
    %c0_i32_1 = arith.constant 0 : i32
    return %c0_i32, %arg0, %c0_i32_0 : i32, i32, i32
  }
  func.func @transform_1(%arg0: i32) -> (i32, i32) {
    %c0_i32 = arith.constant 0 : i32
    %c0_i32_0 = arith.constant 0 : i32
    return %arg0, %c0_i32 : i32, i32
  }
  func.func @transform_2(%arg0: i32) -> (i32, i32) {
    %c0_i32 = arith.constant 0 : i32
    %c0_i32_0 = arith.constant 0 : i32
    return %arg0, %c0_i32 : i32, i32
  }
  func.func @transform_3(%arg0: i32) -> (i32, i32) {
    %c0_i32 = arith.constant 0 : i32
    %c0_i32_0 = arith.constant 0 : i32
    %c0_i32_1 = arith.constant 0 : i32
    return %c0_i32, %c0_i32_0 : i32, i32
  }
  func.func @transform_4(%arg0: i32) -> (i32, i32) {
    %c0_i32 = arith.constant 0 : i32
    %c0_i32_0 = arith.constant 0 : i32
    %c0_i32_1 = arith.constant 0 : i32
    return %c0_i32, %c0_i32_0 : i32, i32
  }
  func.func @transform_5(%arg0: i32) -> (i32, i32) {
    %c0_i32 = arith.constant 0 : i32
    %c0_i32_0 = arith.constant 0 : i32
    return %c0_i32, %arg0 : i32, i32
  }
  func.func @transform_6(%arg0: i32) -> (i32, i32) {
    %c0_i32 = arith.constant 0 : i32
    %c0_i32_0 = arith.constant 0 : i32
    return %arg0, %c0_i32 : i32, i32
  }
  func.func @transform_7(%arg0: i32) -> (i32, i32) {
    %c0_i32 = arith.constant 0 : i32
    %c0_i32_0 = arith.constant 0 : i32
    return %arg0, %c0_i32 : i32, i32
  }
}

module attributes {stable_mosaic.version = 14 : i64} {
  func.func @_head_body(%arg0: i32, %arg1: memref<2x2048x128xf32, #tpu.memory_space<vmem>>, %arg2: memref<2048x128xf32, #tpu.memory_space<vmem>>, %arg3: memref<2048x128xf32, #tpu.memory_space<vmem>>, %arg4: memref<1x128xf32, #tpu.memory_space<vmem>>, %arg5: memref<2x2048xf32, #tpu.memory_space<vmem>>, %arg6: memref<128x1xf32, #tpu.memory_space<vmem>>, %arg7: memref<1x1xf32, #tpu.memory_space<vmem>>, %arg8: memref<1x1xf32, #tpu.memory_space<vmem>>, %arg9: memref<1x128xf32, #tpu.memory_space<vmem>>) attributes {dimension_semantics = [#tpu.dimension_semantics<arbitrary>], iteration_bounds = array<i64: 5>, scalar_prefetch = 0 : i64, scratch_operands = 1 : i64, tpu.core_type = #tpu.core_type<tc>, window_params = [{transform_indices = @transform_0, window_bounds = array<i64: 2, 2048, 128>}, {transform_indices = @transform_1, window_bounds = array<i64: 2048, 128>}, {transform_indices = @transform_2, window_bounds = array<i64: 2048, 128>}, {pipeline_mode = #tpu.pipeline_mode<synchronous>, transform_indices = @transform_3, window_bounds = array<i64: 1, 128>}, {transform_indices = @transform_4, window_bounds = array<i64: 2, 2048>}, {pipeline_mode = #tpu.pipeline_mode<synchronous>, transform_indices = @transform_5, window_bounds = array<i64: 128, 1>}, {pipeline_mode = #tpu.pipeline_mode<synchronous>, transform_indices = @transform_6, window_bounds = array<i64: 1, 1>}, {pipeline_mode = #tpu.pipeline_mode<synchronous>, transform_indices = @transform_7, window_bounds = array<i64: 1, 1>}]} {
    %eq3A = arith.constant 0 : i32
    %eq3A_0 = arith.cmpi eq, %arg0, %eq3A : i32
    %convert_element_type3A = arith.extui %eq3A_0 : i1 to i32
    %cond3A = arith.constant 0 : i32
    %cond3A_1 = arith.cmpi ne, %convert_element_type3A, %cond3A : i32
    scf.if %cond3A_1 {
      %broadcast_in_dim3A_61 = arith.constant 0.000000e+00 : f32
      %broadcast_in_dim3A_62 = vector.broadcast %broadcast_in_dim3A_61 : f32 to vector<1x128xf32>
      %swap3A_63 = arith.constant 0 : index
      %swap3A_64 = arith.constant 0 : index
      %swap3A_65 = vector.load %arg9[%swap3A_63, %swap3A_64] : memref<1x128xf32, #tpu.memory_space<vmem>>, vector<1x128xf32>
      tpu.vector_store %arg9[%swap3A_63, %swap3A_64], %broadcast_in_dim3A_62 {strides = array<i32>} : memref<1x128xf32, #tpu.memory_space<vmem>>, vector<1x128xf32>,
    } else {
    }
    %get3A = arith.constant 0 : index
    %get3A_2 = arith.constant 0 : index
    %get3A_3 = vector.load %arg5[%get3A, %get3A_2] : memref<2x2048xf32, #tpu.memory_space<vmem>>, vector<1x2048xf32>
    %get3A_4 = vector.shape_cast %get3A_3 : vector<1x2048xf32> to vector<2048xf32>
    %get3A_5 = arith.constant 1 : index
    %get3A_6 = arith.constant 0 : index
    %get3A_7 = vector.load %arg5[%get3A_5, %get3A_6] : memref<2x2048xf32, #tpu.memory_space<vmem>>, vector<1x2048xf32>
    %get3A_8 = vector.shape_cast %get3A_7 : vector<1x2048xf32> to vector<2048xf32>
    %add3A = arith.addf %get3A_4, %get3A_8 : vector<2048xf32>
    %add3A_9 = arith.constant 1.000000e+00 : f32
    %add3A_10 = vector.broadcast %add3A_9 : f32 to vector<2048xf32>
    %add3A_11 = arith.addf %add3A, %add3A_10 : vector<2048xf32>
    %rsqrt3A = math.rsqrt %add3A_11 : vector<2048xf32>
    %get3A_12 = arith.constant 0 : index
    %get3A_13 = arith.constant 0 : index
    %get3A_14 = arith.constant 0 : index
    %get3A_15 = vector.load %arg1[%get3A_12, %get3A_13, %get3A_14] : memref<2x2048x128xf32, #tpu.memory_space<vmem>>, vector<1x2048x128xf32>
    %get3A_16 = vector.shape_cast %get3A_15 : vector<1x2048x128xf32> to vector<2048x128xf32>
    %get3A_17 = arith.constant 1 : index
    %get3A_18 = arith.constant 0 : index
    %get3A_19 = arith.constant 0 : index
    %get3A_20 = vector.load %arg1[%get3A_17, %get3A_18, %get3A_19] : memref<2x2048x128xf32, #tpu.memory_space<vmem>>, vector<1x2048x128xf32>
    %get3A_21 = vector.shape_cast %get3A_20 : vector<1x2048x128xf32> to vector<2048x128xf32>
    %add3A_22 = arith.addf %get3A_16, %get3A_21 : vector<2048x128xf32>
    %get3A_23 = arith.constant 0 : index
    %get3A_24 = arith.constant 0 : index
    %get3A_25 = vector.load %arg2[%get3A_23, %get3A_24] : memref<2048x128xf32, #tpu.memory_space<vmem>>, vector<2048x128xf32>
    %add3A_26 = arith.addf %add3A_22, %get3A_25 : vector<2048x128xf32>
    %broadcast_in_dim3A = vector.shape_cast %rsqrt3A : vector<2048xf32> to vector<2048x1xf32>
    %mul3A = vector.broadcast %broadcast_in_dim3A : vector<2048x1xf32> to vector<2048x128xf32>
    %mul3A_27 = arith.mulf %add3A_26, %mul3A : vector<2048x128xf32>
    %get3A_28 = arith.constant 0 : index
    %get3A_29 = arith.constant 0 : index
    %get3A_30 = vector.load %arg4[%get3A_28, %get3A_29] : memref<1x128xf32, #tpu.memory_space<vmem>>, vector<1x128xf32>
    %add3A_31 = vector.broadcast %get3A_30 : vector<1x128xf32> to vector<2048x128xf32>
    %add3A_32 = arith.addf %mul3A_27, %add3A_31 : vector<2048x128xf32>
    %max3A = arith.constant 0.000000e+00 : f32
    %max3A_33 = vector.broadcast %max3A : f32 to vector<2048x128xf32>
    %max3A_34 = arith.maximumf %add3A_32, %max3A_33 : vector<2048x128xf32>
    %get3A_35 = arith.constant 0 : index
    %get3A_36 = arith.constant 0 : index
    %get3A_37 = vector.load %arg3[%get3A_35, %get3A_36] : memref<2048x128xf32, #tpu.memory_space<vmem>>, vector<2048x128xf32>
    %add3A_38 = arith.addf %max3A_34, %get3A_37 : vector<2048x128xf32>
    %iota3A = tpu.iota {dimensions = array<i32: 0>} : vector<2048x1xi32>
    %mul3A_39 = arith.constant 2048 : i32
    %mul3A_40 = arith.muli %arg0, %mul3A_39 : i32
    %add3A_41 = vector.broadcast %mul3A_40 : i32 to vector<2048x1xi32>
    %add3A_42 = arith.addi %iota3A, %add3A_41 : vector<2048x1xi32>
    %lt3A = arith.constant 10000 : i32
    %lt3A_43 = vector.broadcast %lt3A : i32 to vector<2048x1xi32>
    %lt3A_44 = arith.cmpi slt, %add3A_42, %lt3A_43 : vector<2048x1xi32>
    %jit3A = arith.constant 0.000000e+00 : f32
    %broadcast_in_dim3A_45 = vector.shape_cast %lt3A_44 : vector<2048x1xi1> to vector<2048x1xi1>
    %broadcast_in_dim3A_46 = vector.broadcast %broadcast_in_dim3A_45 : vector<2048x1xi1> to vector<2048x128xi1>
    %broadcast_in_dim3A_47 = vector.broadcast %jit3A : f32 to vector<2048x128xf32>
    %select_n3A = arith.select %broadcast_in_dim3A_46, %add3A_38, %broadcast_in_dim3A_47 : vector<2048x128xi1>, vector<2048x128xf32>
    %get3A_48 = arith.constant 0 : index
    %get3A_49 = arith.constant 0 : index
    %get3A_50 = vector.load %arg9[%get3A_48, %get3A_49] : memref<1x128xf32, #tpu.memory_space<vmem>>, vector<1x128xf32>
    %reduce_sum3A = arith.constant dense<0.000000e+00> : vector<128xf32>
    %reduce_sum3A_51 = vector.multi_reduction <add>, %select_n3A, %reduce_sum3A [0] : vector<2048x128xf32> to vector<128xf32>
    %broadcast_in_dim3A_52 = vector.shape_cast %reduce_sum3A_51 : vector<128xf32> to vector<1x128xf32>
    %add3A_53 = arith.addf %get3A_50, %broadcast_in_dim3A_52 : vector<1x128xf32>
    %swap3A = arith.constant 0 : index
    %swap3A_54 = arith.constant 0 : index
    %swap3A_55 = vector.load %arg9[%swap3A, %swap3A_54] : memref<1x128xf32, #tpu.memory_space<vmem>>, vector<1x128xf32>
    tpu.vector_store %arg9[%swap3A, %swap3A_54], %add3A_53 {strides = array<i32>} : memref<1x128xf32, #tpu.memory_space<vmem>>, vector<1x128xf32>,
    %eq3A_56 = arith.constant 4 : i32
    %eq3A_57 = arith.cmpi eq, %arg0, %eq3A_56 : i32
    %convert_element_type3A_58 = arith.extui %eq3A_57 : i1 to i32
    %cond3A_59 = arith.constant 0 : i32
    %cond3A_60 = arith.cmpi ne, %convert_element_type3A_58, %cond3A_59 : i32
    scf.if %cond3A_60 {
      %get3A_61 = arith.constant 0 : index
      %get3A_62 = arith.constant 0 : index
      %get3A_63 = vector.load %arg9[%get3A_61, %get3A_62] : memref<1x128xf32, #tpu.memory_space<vmem>>, vector<1x128xf32>
      %div3A = arith.constant 1.000000e+04 : f32
      %div3A_64 = vector.broadcast %div3A : f32 to vector<1x128xf32>
      %div3A_65 = arith.divf %get3A_63, %div3A_64 : vector<1x128xf32>
      %get3A_66 = arith.constant 0 : index
      %get3A_67 = arith.constant 0 : index
      %get3A_68 = vector.load %arg6[%get3A_66, %get3A_67] : memref<128x1xf32, #tpu.memory_space<vmem>>, vector<128x1xf32>
      %dot_general3A = arith.constant dense<0.000000e+00> : vector<1x1xf32>
      %dot_general3A_69 = tpu.matmul %div3A_65, %get3A_68, %dot_general3A {dimension_numbers = #tpu.dot_dimension_numbers<[1], [0], [0], [1], [0, 0, 1, 1], [], []>, transpose_lhs_hint = false} : vector<1x128xf32>, vector<128x1xf32>, vector<1x1xf32> -> vector<1x1xf32>
      %get3A_70 = arith.constant 0 : index
      %get3A_71 = arith.constant 0 : index
      %get3A_72 = vector.load %arg7[%get3A_70, %get3A_71] : memref<1x1xf32, #tpu.memory_space<vmem>>, vector<1x1xf32>
      %add3A_73 = arith.addf %dot_general3A_69, %get3A_72 : vector<1x1xf32>
      %logistic3A = arith.negf %add3A_73 : vector<1x1xf32>
      %logistic3A_74 = math.exp %logistic3A : vector<1x1xf32>
      %logistic3A_75 = arith.constant 1.000000e+00 : f32
      %logistic3A_76 = vector.broadcast %logistic3A_75 : f32 to vector<1x1xf32>
      %logistic3A_77 = arith.addf %logistic3A_76, %logistic3A_74 : vector<1x1xf32>
      %logistic3A_78 = arith.divf %logistic3A_76, %logistic3A_77 : vector<1x1xf32>
      %swap3A_79 = arith.constant 0 : index
      %swap3A_80 = arith.constant 0 : index
      %swap3A_81 = vector.load %arg8[%swap3A_79, %swap3A_80] : memref<1x1xf32, #tpu.memory_space<vmem>>, vector<1x1xf32>
      tpu.vector_store %arg8[%swap3A_79, %swap3A_80], %logistic3A_78 {strides = array<i32>} : memref<1x1xf32, #tpu.memory_space<vmem>>, vector<1x1xf32>,
    } else {
    }
    return
  }
  func.func @transform_0(%arg0: i32) -> (i32, i32, i32) {
    %c0_i32 = arith.constant 0 : i32
    %c0_i32_0 = arith.constant 0 : i32
    %c0_i32_1 = arith.constant 0 : i32
    return %c0_i32, %arg0, %c0_i32_0 : i32, i32, i32
  }
  func.func @transform_1(%arg0: i32) -> (i32, i32) {
    %c0_i32 = arith.constant 0 : i32
    %c0_i32_0 = arith.constant 0 : i32
    return %arg0, %c0_i32 : i32, i32
  }
  func.func @transform_2(%arg0: i32) -> (i32, i32) {
    %c0_i32 = arith.constant 0 : i32
    %c0_i32_0 = arith.constant 0 : i32
    return %arg0, %c0_i32 : i32, i32
  }
  func.func @transform_3(%arg0: i32) -> (i32, i32) {
    %c0_i32 = arith.constant 0 : i32
    %c0_i32_0 = arith.constant 0 : i32
    %c0_i32_1 = arith.constant 0 : i32
    return %c0_i32, %c0_i32_0 : i32, i32
  }
  func.func @transform_4(%arg0: i32) -> (i32, i32) {
    %c0_i32 = arith.constant 0 : i32
    %c0_i32_0 = arith.constant 0 : i32
    return %c0_i32, %arg0 : i32, i32
  }
  func.func @transform_5(%arg0: i32) -> (i32, i32) {
    %c0_i32 = arith.constant 0 : i32
    %c0_i32_0 = arith.constant 0 : i32
    %c0_i32_1 = arith.constant 0 : i32
    return %c0_i32, %c0_i32_0 : i32, i32
  }
  func.func @transform_6(%arg0: i32) -> (i32, i32) {
    %c0_i32 = arith.constant 0 : i32
    %c0_i32_0 = arith.constant 0 : i32
    %c0_i32_1 = arith.constant 0 : i32
    return %c0_i32, %c0_i32_0 : i32, i32
  }
  func.func @transform_7(%arg0: i32) -> (i32, i32) {
    %c0_i32 = arith.constant 0 : i32
    %c0_i32_0 = arith.constant 0 : i32
    %c0_i32_1 = arith.constant 0 : i32
    return %c0_i32, %c0_i32_0 : i32, i32
  }
}

</mosaic_0001>

<sc_bundles>
// kernel: kernel.12.cloned.1.call-start
scs
__scs_entry_jumppad:
0x0: {  	(pc) =	sbr.rel $0x88, $3  }
0x1: {  	(tag) =	ssettag $0x0;
	lr =	simm.s32 $0x1  }
0x2: {  	[smem:$0x3F97] =	sst lr;
	_ =	strace $0xD0000000  }
0x3: {  	_ = 	snop  }
0x4: {  	_ = 	snop  }
0x5: {  	_ = 	snop  }
0x6: {  	_ = 	snop  }
0x7: {  	_ = 	snop  }
__scs_overlays_trampoline_lowered:
0x8: {  	[smem:$0x3FA6] =	sst s0  }
0x9: {  	[smem:$0x3FA7] =	sst s1  }
0xa: {  	[smem:$0x3FA8] =	sst s2  }
0xb: {  	[smem:$0x3FA9] =	sst s3  }
0xc: {  	[smem:$0x3FAA] =	sst s4  }
0xd: {  	[smem:$0x3FAB] =	sst s5  }
0xe: {  	[smem:$0x3FAC] =	sst s6  }
0xf: {  	[smem:$0x3FAD] =	sst s7  }
0x10: {  	[smem:$0x3FAE] =	sst s8  }
0x11: {  	[smem:$0x3FAF] =	sst s9;
	s0 =	simm.s32 @!p0 $0x0  }
0x12: {  	s1 =	sld [smem:$0x3F95];
	s0 =	simm.s32 @p0 $0x1  }
0x13: {  	[smem:$0x3FB0] =	sst s0;
	s0 =	simm.s32 @!p1 $0x0  }
0x14: {  	s2 =	sld [smem:$0x3F94];
	s0 =	simm.s32 @p1 $0x1  }
0x15: {  	[smem:$0x3FB1] =	sst s0;
	s0 =	simm.s32 @!p2 $0x0  }
0x16: {  	s3 =	sld [smem:$0x3FDB];
	s0 =	simm.s32 @p2 $0x1  }
0x17: {  	s4 =	simm.s32 $0x1BF5;
	[smem:$0x3FB3] =	sst s0  }
0x18: {  	s0 =	sld [smem:$0x3F96];
	_ =	swait.ge [sflag:s4], $0x0  }
0x19: {  	s7 =	sld [smem:$0x3F97]  }
0x1a: {  	s8 =	sadd.s32 $0xFFFFE003, lr  }
0x1b: {  	s9 =	sadd.s32 $0xFFFFFEF7, lr;
	s5 =	simm.s32 $0xFFFFFFFF;
	p2 =	slt.u32 s8, $0xFFFFF086  }
0x1c: {  	p1 =	slt.u32 s9, $0xF7A;
	s5 =	simm.s32 @!p2 $0x0  }
0x1d: {  	s5 =	simm.s32 @p1 $0x1;
	p0 =	seq.s32 s7, s2  }
0x1e: {  	s7 =	smul.u32 @!p0 $0xF7A, s2;
	p2 =	seq.s32 @!p0 s5, $0x0  }
0x1f: {  	s9 =	smul.u32 $0xF7A, s1;
	s8 =	simm.s32 @!p0 $0x1BF5;
	p2 =	por !p2, p0  }
0x20: {  	[sflag:s8] =	ssyncset.s32 @!p0 $0xFFFFF086;
	s6 =	sadd.s32 @!p0 s3, s7;
	s7 =	simm.s32 @!p0 $0x108  }
0x21: {  	s3 =	sadd.s32 s3, s9;
	s6 =	sadd.s32 @!p0 $0x88, s6;
	s7 =	simm.s32 @p2 $0x1082  }
0x22: {  	[simem:s7], [sflag:s8] =	dma.local @!p0 [hbm:s6], $0xF7A  }
0x23: {  	s9 =	sor.u32 $0xD0000000, s2;
	s6 =	simm.s32 $0x108;
	_ =	swait.ge @!p0 [sflag:s8], $0x0  }
0x24: {  	s3 =	sadd.s32 $0x88, s3;
	s6 =	simm.s32 @!p1 $0x1082;
	[sflag:s4] =	ssyncset.s32 $0xFFFFF086  }
0x25: {  	[simem:s6], [sflag:s4] =	dma.local [hbm:s3], $0xF7A  }
0x26: {  	[smem:$0x3F97] =	sst s1;
	(tag) =	ssettag s2;
	_ =	strace s9  }
0x27: {  	s1 =	sld [smem:$0x3FA7]  }
0x28: {  	s2 =	sld [smem:$0x3FA8]  }
0x29: {  	s4 =	sld [smem:$0x3FAA]  }
0x2a: {  	p0 =	seq.s32 s5, $0x0;
	s5 =	sld [smem:$0x3FAB]  }
0x2b: {  	s6 =	sld [smem:$0x3FAC]  }
0x2c: {  	s7 =	sld [smem:$0x3FAD]  }
0x2d: {  	s3 =	simm.s32 $0x108;
	s8 =	sld [smem:$0x3FAE]  }
0x2e: {  	s3 =	simm.s32 @!p0 $0x1082;
	s9 =	sld [smem:$0x3FAF]  }
0x2f: {  	lr =	sadd.s32 s0, s3;
	s0 =	sld [smem:$0x3FA6]  }
0x30: {  	s3 =	sld [smem:$0x3FA9]  }
0x31: {  	[smem:$0x3FB2] =	sst s10  }
0x32: {  	s10 =	sld [smem:$0x3FB0];
	_ =	sdelay $0x3  }
0x33: {  	p0 =	seq.s32 s10, $0x1;
	s10 =	sld [smem:$0x3FB2];
	_ =	sdelay $0x3  }
0x34: {  	[smem:$0x3FB2] =	sst s10  }
0x35: {  	s10 =	sld [smem:$0x3FB1];
	_ =	sdelay $0x3  }
0x36: {  	p1 =	seq.s32 s10, $0x1;
	s10 =	sld [smem:$0x3FB2];
	_ =	sdelay $0x3  }
0x37: {  	[smem:$0x3FB2] =	sst s10  }
0x38: {  	s10 =	sld [smem:$0x3FB3]  }
0x39: {  	_ = 	snop;
	(pc) =	sbr.ind lr, $3  }
0x3a: {  	_ = 	snop  }
0x3b: {  	_ = 	snop  }
0x3c: {  	p2 =	seq.s32 s10, $0x1;
	s10 =	sld [smem:$0x3FB2]  }
0x3d: {  	_ =	shalt  }
0x3e: {  	_ =	shalt  }
0x3f: {  	_ =	shalt  }
0x40: {  	_ =	shalt  }
0x41: {  	_ =	shalt  }
0x42: {  	_ =	shalt  }
0x43: {  	_ =	shalt  }
0x44: {  	_ =	shalt  }
0x45: {  	_ =	shalt  }
0x46: {  	_ =	shalt  }
0x47: {  	_ =	shalt  }
0x48: {  	_ =	shalt  }
0x49: {  	_ =	shalt  }
0x4a: {  	_ =	shalt  }
0x4b: {  	_ =	shalt  }
0x4c: {  	_ =	shalt  }
0x4d: {  	_ =	shalt  }
0x4e: {  	_ =	shalt  }
0x4f: {  	_ =	shalt  }
0x50: {  	_ =	shalt  }
0x51: {  	_ =	shalt  }
0x52: {  	_ =	shalt  }
0x53: {  	_ =	shalt  }
0x54: {  	_ =	shalt  }
0x55: {  	_ =	shalt  }
0x56: {  	_ =	shalt  }
0x57: {  	_ =	shalt  }
0x58: {  	_ =	shalt  }
0x59: {  	_ =	shalt  }
0x5a: {  	_ =	shalt  }
0x5b: {  	_ =	shalt  }
0x5c: {  	_ =	shalt  }
0x5d: {  	_ =	shalt  }
0x5e: {  	_ =	shalt  }
0x5f: {  	_ =	shalt  }
0x60: {  	_ =	shalt  }
0x61: {  	_ =	shalt  }
0x62: {  	_ =	shalt  }
0x63: {  	_ =	shalt  }
0x64: {  	_ =	shalt  }
0x65: {  	_ =	shalt  }
0x66: {  	_ =	shalt  }
0x67: {  	_ =	shalt  }
0x68: {  	_ =	shalt  }
0x69: {  	_ =	shalt  }
0x6a: {  	_ =	shalt  }
0x6b: {  	_ =	shalt  }
0x6c: {  	_ =	shalt  }
0x6d: {  	_ =	shalt  }
0x6e: {  	_ =	shalt  }
0x6f: {  	_ =	shalt  }
0x70: {  	_ =	shalt  }
0x71: {  	_ =	shalt  }
0x72: {  	_ =	shalt  }
0x73: {  	_ =	shalt  }
0x74: {  	_ =	shalt  }
0x75: {  	_ =	shalt  }
0x76: {  	_ =	shalt  }
0x77: {  	_ =	shalt  }
0x78: {  	_ =	shalt  }
0x79: {  	_ =	shalt  }
0x7a: {  	_ =	shalt  }
0x7b: {  	_ =	shalt  }
0x7c: {  	_ =	shalt  }
0x7d: {  	_ =	shalt  }
0x7e: {  	_ =	shalt  }
0x7f: {  	_ =	shalt  }
0x80: {  	_ =	shalt  }
0x81: {  	_ =	shalt  }
0x82: {  	_ =	shalt  }
0x83: {  	_ =	shalt  }
0x84: {  	_ =	shalt  }
0x85: {  	_ =	shalt  }
0x86: {  	_ =	shalt  }
0x87: {  	_ =	shalt  }
.Lfunc_end0:
.L_simem_size_0:
called_computation.1_lowered:
.L_overlay_start_0:
0x88: {  	s2 =	sld [smem:$0x3FD9]  }
0x89: {  	s3 =	sld [smem:$0x3FFE];
	_ =	sdelay $0x1  }
0x8a: {  	s1 =	srdreg.scid  }
0x8b: {  	s0 =	sand.u32 $0x1, s1  }
0x8c: {  	s16 =	sshll.u32 s0, $0xA;
	s2 =	sadd.s32 s3, s2  }
0x8d: {  	s2 =	sadd.s32 s2, s16  }
0x8e: {  	[smem:$0x3FBE] =	sst s2  }
0x8f: {  	_ = 	snop  }
0x90: {  	(tm) =	ssettm $0x1  }
0x91: {  	s17 =	sld [smem:$0x3FFB];
	_ =	sdelay $0x3  }
0x92: {  	_ =	strace s17  }
0x93: {  	s2 =	sld [smem:$0x3FFC];
	_ =	sdelay $0x3  }
0x94: {  	_ =	strace s2  }
0x95: {  	s2 =	sld [smem:$0x3FFD];
	_ =	sdelay $0x3  }
0x96: {  	_ =	strace s2  }
0x97: {  	_ =	strace $0x8FFFFFFF  }
0x98: {  	s18 =	sld [smem:$0x3FDB];
	_ =	sdelay $0x1  }
0x99: {  	s19 =	simm.s32 $_scs_section_size  }
0x9a: {  	s4 =	simm.s32 $_size__tile_overlayer_lowered;
	s5 =	simm.s32 $_tile_overlayer_lowered  }
0x9b: {  	s22 =	simm.s32 $0x1BFF;
	s21 =	sshll.u32 s5, $0x1;
	s2 =	sadd.s32 s19, s18  }
0x9c: {  	s6 =	simm.s32 $0x0;
	s20 =	sshll.u32 s4, $0x1;
	s4 =	sadd.s32 s21, s2  }
0x9d: {  	[timem:s6], [sflag:s22] =	dma.local [hbm:s4], s20  }
0x9e: {  	_ =	swait.ge [sflag:s22], s20  }
0x9f: {  	s3 =	ssub.s32 $0x0, s20;
	[sflag:s22] =	ssyncset.done $0x0  }
0xa0: {  	[sflag:s22] =	ssyncadd.s32 s3;
	_ =	sdelay $0x1  }
0xa1: {  	s23 =	simm.s32 $0x1B8B  }
0xa2: {  	_ =	swait.ge [sflag:s23], $0x1  }
0xa3: {  	[sflag:s23] =	ssyncset.done $0x0  }
0xa4: {  	s25 =	simm.s32 $0x1B8E;
	s24 =	sld [smem:$0x3FFE];
	[sflag:s23] =	ssyncadd.s32 $0xFFFFFFFF  }
0xa5: {  	s26 =	simm.s32 $execute0_lowered;
	[smem:$0x3FD2] =	sst s25  }
0xa6: {  	s4 =	sshll.u32 s26, $0x1;
	_ =	strace $0x80000049;
	[dreg:$0x1] =	wrdreg $0xFFFFFFFF  }
0xa7: {  	s28 =	simm.s32 $_size_execute0_lowered;
	s2 =	sadd.s32 s2, s4;
	[dreg:$0x0] =	wrdreg $0x0  }
0xa8: {  	s4 =	sshll.u32 s28, $0x1;
	[dreg:$0x2] =	wrdreg s2  }
0xa9: {  	[dreg:$0x3] =	wrdreg s4  }
0xaa: {  	[dreg:$0x4] =	wrdreg $0xC0  }
0xab: {  	_ =	task [dreg:s6], $0x5FFFF  }
0xac: {  	[dreg:$0x1] =	wrdreg $0xFFFFFFFF  }
0xad: {  	[dreg:$0x0] =	wrdreg $0x60  }
0xae: {  	[dreg:$0x2] =	wrdreg s24  }
0xaf: {  	[dreg:$0x3] =	wrdreg $0x0  }
0xb0: {  	[dreg:$0x4] =	wrdreg $0x9  }
0xb1: {  	_ =	task.clear_ibuf [dreg:s6], $0x5FFFF;
	_ =	strace $0x90000049  }
0xb2: {  	s29 =	simm.s32 $0x9;
	_ =	strace $0x8000004B  }
0xb3: {  	_ =	swait.ge [sflag:s29], $0x1  }
0xb4: {  	[sflag:s29] =	ssyncadd.s32 $0xFFFFFFFF  }
0xb5: {  	_ =	strace $0x9000004B  }
0xb6: {  	_ =	sfence  }
0xb7: {  	s30 =	sld [smem:$0x0];
	_ =	sdelay $0x2  }
0xb8: {  	s31 =	sshll.u32 s1, $0xD;
	s1 =	sshrl.u32 s1, $0x2  }
0xb9: {  	s3 =	sand.u32 $0x4000, s31;
	s1 =	sadd.s32 s1, s30  }
0xba: {  	s0 =	sor.u32 s3, s0;
	s1 =	sshll.u32 s1, $0x11  }
0xbb: {  	s0 =	sor.u32 s1, s0  }
0xbc: {  	s0 =	sadd.s32 $0x8F2B, s0  }
0xbd: {  	[sflag:s0] =	ssyncadd.remote.s32 $0x1  }
0xbe: {  	_ =	sfence.sel $0xFFFF  }
0xbf: {  	[dreg:$0x0] =	wrdreg $0xFFFFFFFF;
	(pc) =	sbr.abs _section_cstart, $3  }
0xc0: {  	[dreg:$0x1] =	wrdreg $0xFFFFFFFF  }
0xc1: {  	_ =	task.clear_ibuf [dreg:s6], $0x2FFFF;
	_ =	strace $0x9FFFFFFF  }
0xc2: {  	(tm) =	ssettm $0x7FFFFFFF  }
0xc3: {  	_ =	shalt  }
tec
execute0_lowered:
.L_overlay_start_1:
0x0: {  	(tag) =	ssettag $0x1  }
0x1: {  	s0 =	rddreg [dreg:$0x0]  }
0x2: {  	s1 =	rddreg [dreg:$0x1];
	s2 =	srdreg.scid  }
0x3: {  	s3 =	simm.s32 $0x0;
	s12 =	stileid.u32;
	s28 =	simm.s32 $0x18000  }
0x4: {  	s29 =	simm.s32 $0x2;
	s31 =	simm.s32 $0x5;
	s30 =	simm.s32 $0x0  }
0x5: {  	s2 =	sand.u32 $0x1, s2;
	[smem:$0x7FF] =	sst s3;
	s6 =	smul.u32 $0x14000, s12  }
0x6: {  	s4 =	sadd.s32 $0x2BE00, s0;
	s16 =	sshll.u32 s12, $0x1;
	s8 =	sadd.s32 $0x17E00, s0  }
0x7: {  	s7 =	sshrl.u32 s12, $0x2;
	s11 =	smul.u32 $0x50000, s12;
	s24 =	sshll.u32 s12, $0x8  }
0x8: {  	s5 =	smul.u32 $0x140000, s2;
	_ =	strace $0x8000004A;
	s10 =	ssub.s32 $0x2, s2  }
0x9: {  	s15 =	smul.u32 $0x14000, s7;
	s18 =	sshrl.u32 s10, $0x1;
	s19 =	sshrl.u32 s11, $0x2  }
0xa: {  	s5 =	sadd.s32 s6, s5;
	s6 =	sor.u32 s2, s16;
	s10 =	ssub.s32 s10, s18  }
0xb: {  	s2 =	sshll.u32 s2, $0x7;
	s5 =	sshrl.u32 s5, $0x3;
	s17 =	smul.u32 $0x2800, s6  }
0xc: {  	s6 =	sshll.u32 s6, $0x7;
	s25 =	smax.u32 s10, $0x1;
	s2 =	sor.u32 s2, s24  }
0xd: {  	s24 =	simm.s32 $0x1C080;
	s9 =	sadd.s32 s5, s0;
	s6 =	sand.u32 $0x380, s6  }
0xe: {  	[dreg:$0x7] =	wrdreg s25;
	s2 =	sand.u32 $0x380, s2;
	s25 =	simm.s32 $0x1  }
0xf: {  	s5 =	sshrl.u32 s17, $0x3;
	s6 =	sor.u32 s15, s6;
	s23 =	sadd.s32 $0x53E00, s9  }
0x10: {  	s2 =	sor.u32 s2, s15;
	s0 =	sadd.s32 s0, s5;
	s20 =	sshrl.u32 s6, $0x3  }
0x11: {  	s5 =	sadd.s32 s19, s1;
	s22 =	sor.u32 $0x800, s6;
	s6 =	sor.u32 $0xC00, s6  }
0x12: {  	[dreg:$0x6] =	wrdreg s23;
	s26 =	sor.u32 $0x1400, s2;
	s2 =	sor.u32 $0x1000, s2  }
0x13: {  	s19 =	simm.s32 $0x14000;
	s23 =	simm.s32 $0x80;
	s0 =	sadd.s32 $0xD400, s0  }
0x14: {  	s21 =	sadd.s32 s8, s20;
	s11 =	sadd.s32 $0x4000, s5;
	s12 =	sadd.s32 $0x8000, s5  }
0x15: {  	s13 =	sadd.s32 $0xC000, s5;
	s14 =	sadd.s32 $0x10000, s5;
	s6 =	sshrl.u32 s6, $0x3  }
0x16: {  	s2 =	sshrl.u32 s2, $0x3;
	s20 =	simm.s32 $0x7;
	[dreg:$0x3] =	wrdreg s0  }
.Ltmp0:
0x17: {  	[dreg:$0x4] =	wrdreg s21;
	s0 =	sadd.s32 $0x80, s21;
	(pc) =	sbr.rel .LBB2_1-.Ltmp0, $4  }
0x18: {  	s16 =	sadd.s32 s8, s6;
	s18 =	sadd.s32 s2, s8;
	s21 =	simm.s32 $0x1C100  }
0x19: {  	s2 =	simm.s32 $0x6;
	[dreg:$0x5] =	wrdreg s0;
	s0 =	sshrl.u32 s22, $0x3  }
0x1a: {  	s22 =	simm.s32 $0x1C000;
	s15 =	sadd.s32 s8, s0;
	s0 =	sshrl.u32 s26, $0x3  }
0x1b: {  	v0 =	vimm.f32 $0.0e+00;
	s26 =	simm.s32 $0x4;
	s17 =	sadd.s32 s0, s8;
	s0 =	simm.s32 $0x3  }
.LBB2_6:
0x1c: {  	[spmem:s1] =	stream.indirect.scatter.add.f32 [tilespmem:s28], [sflag:$0x6], $0x80, s9, s23, $0xb8;
	[tilespmem:$0x1E900] =	vst v63  }
0x1d: {  	_ =	swait.ge [sflag:s31], $0x4000  }
0x1e: {  	[sflag:s31] =	ssyncset.done $0x0  }
0x1f: {  	[sflag:s31] =	ssyncadd.s32 $0xFFFFC000  }
0x20: {  	_ =	swait.ge [sflag:s2], $0x4000  }
0x21: {  	[sflag:s2] =	ssyncset.done $0x0  }
0x22: {  	s6 =	stileid.u32;
	[sflag:s2] =	ssyncadd.s32 $0xFFFFC000  }
0x23: {  	s6 =	sshll.u32 s6, $0x6;
	[bflag:$0x0] =	sbarrier.arrive $0xFFFF  }
0x24: {  	s7 =	sshrl.u32 s5, $0x3;
	s6 =	sor.u32 $0x1C07, s6;
	s8 =	rddreg [dreg:$0x6]  }
0x25: {  	[hbm:s8], [sflag:s6] =	dma.local [spmem:s7], $0x2800  }
0x26: {  	_ =	swait.ge [sflag:s20], $0x2800  }
0x27: {  	s30 =	sadd.s32 $0x1, s30;
	s10 =	rddreg [dreg:$0x7]  }
0x28: {  	p0 =	sne.s32 s30, s10  }
.Ltmp1:
0x29: {  	_ = 	snop;
	(pc) =	sbr.rel @!p0 .LBB2_7-.Ltmp1, $3  }
0x2a: {  	_ =	sdelay $0x1  }
0x2b: {  	[sflag:s20] =	ssyncset.done $0x0  }
0x2c: {  	[sflag:s20] =	ssyncadd.s32 $0xFFFFD800  }
.LBB2_1:
0x2d: {  	s6 =	simm.s32 $0x0;
	s8 =	simm.s32 $0x200  }
.LBB2_2:
0x2e: {  	p0 =	sne.s32 s8, $0xFE00;
	[tilespmem:s6+$0x14070] =	vst v0  }
0x2f: {  	[tilespmem:s6+$0x14000] =	vst v0  }
0x30: {  	[tilespmem:s6+$0x14010] =	vst v0  }
.Ltmp2:
0x31: {  	[tilespmem:s6+$0x14020] =	vst v0;
	(pc) =	sbr.rel @p0 .LBB2_2-.Ltmp2, $4  }
0x32: {  	[tilespmem:s6+$0x14030] =	vst v0  }
0x33: {  	[tilespmem:s6+$0x14040] =	vst v0  }
0x34: {  	[tilespmem:s6+$0x14050] =	vst v0  }
0x35: {  	[tilespmem:s6+$0x14060] =	vst v0;
	s6 =	sshra.s32 s8, $0x2;
	s8 =	sadd.s32 $0x200, s8  }
0x36: {  	[tilespmem:s6+$0x14070] =	vst v0  }
0x37: {  	[tilespmem:s6+$0x14000] =	vst v0  }
0x38: {  	[tilespmem:s6+$0x14010] =	vst v0  }
0x39: {  	[tilespmem:s6+$0x14020] =	vst v0  }
0x3a: {  	[tilespmem:s6+$0x14030] =	vst v0  }
0x3b: {  	[tilespmem:s6+$0x14040] =	vst v0  }
0x3c: {  	[tilespmem:s6+$0x14050] =	vst v0  }
0x3d: {  	[tilespmem:s6+$0x14060] =	vst v0  }
0x3e: {  	[spmem:s5] =	stream.linear.scatter [tilespmem:s19], [sflag:$0x7], $0x4000, $0x38;
	[tilespmem:$0x1E900] =	vst v63  }
0x3f: {  	_ =	swait.ge [sflag:s20], $0x4000  }
0x40: {  	[sflag:s20] =	ssyncset.done $0x0  }
0x41: {  	[sflag:s20] =	ssyncadd.s32 $0xFFFFC000  }
0x42: {  	[spmem:s11] =	stream.linear.scatter [tilespmem:s19], [sflag:$0x7], $0x4000, $0x38;
	[tilespmem:$0x1E900] =	vst v63  }
0x43: {  	_ =	swait.ge [sflag:s20], $0x4000  }
0x44: {  	[sflag:s20] =	ssyncset.done $0x0  }
0x45: {  	[sflag:s20] =	ssyncadd.s32 $0xFFFFC000  }
0x46: {  	[spmem:s12] =	stream.linear.scatter [tilespmem:s19], [sflag:$0x7], $0x4000, $0x38;
	[tilespmem:$0x1E900] =	vst v63  }
0x47: {  	_ =	swait.ge [sflag:s20], $0x4000  }
0x48: {  	[sflag:s20] =	ssyncset.done $0x0  }
0x49: {  	[sflag:s20] =	ssyncadd.s32 $0xFFFFC000  }
0x4a: {  	[spmem:s13] =	stream.linear.scatter [tilespmem:s19], [sflag:$0x7], $0x4000, $0x38;
	[tilespmem:$0x1E900] =	vst v63  }
0x4b: {  	_ =	swait.ge [sflag:s20], $0x4000  }
0x4c: {  	[sflag:s20] =	ssyncset.done $0x0  }
0x4d: {  	[sflag:s20] =	ssyncadd.s32 $0xFFFFC000  }
0x4e: {  	[spmem:s14] =	stream.linear.scatter [tilespmem:s19], [sflag:$0x7], $0x4000, $0x38;
	[tilespmem:$0x1E900] =	vst v63  }
0x4f: {  	_ =	swait.ge [sflag:s20], $0x4000  }
0x50: {  	[sflag:s20] =	ssyncset.done $0x0  }
0x51: {  	s6 =	simm.s32 $0x0;
	s7 =	rddreg [dreg:$0x3];
	[sflag:s20] =	ssyncadd.s32 $0xFFFFC000  }
0x52: {  	[tilespmem:s21], [sflag:$0x7] =	stream.linear.gather [hbm4b:s7+s6], $0x2800, $0x38;
	[tilespmem:$0x1E900] =	vst v63  }
0x53: {  	_ =	swait.ge [sflag:s20], $0x2800  }
0x54: {  	[sflag:s20] =	ssyncset.done $0x0  }
0x55: {  	[sflag:s20] =	ssyncadd.s32 $0xFFFFD800  }
0x56: {  	[bflag:$0x0] =	sbarrier.arrive $0xFFFF  }
0x57: {  	s8 =	rddreg [dreg:$0x4]  }
0x58: {  	[tilespmem:s22], [sflag:$0x7] =	stream.linear.gather [hbm4b:s8+s6], $0x80, $0x38;
	[tilespmem:$0x1E900] =	vst v63  }
0x59: {  	_ =	swait.ge [sflag:s20], $0x80  }
0x5a: {  	[sflag:s20] =	ssyncset.done $0x0  }
0x5b: {  	[sflag:s20] =	ssyncadd.s32 $0xFFFFFF80  }
0x5c: {  	[tilespmem:s19], [sflag:$0x1] =	stream.indirect.gather [hbm4b:s4+s23], $0x80, s22, s23, $0xb8;
	[tilespmem:$0x1E900] =	vst v63  }
0x5d: {  	s9 =	rddreg [dreg:$0x5]  }
0x5e: {  	[tilespmem:s24], [sflag:$0x4] =	stream.linear.gather [hbm4b:s9+s6], $0x80, $0x38;
	[tilespmem:$0x1E900] =	vst v63  }
0x5f: {  	_ =	swait.ge [sflag:s25], $0x4000  }
0x60: {  	[sflag:s25] =	ssyncset.done $0x0  }
0x61: {  	[sflag:s25] =	ssyncadd.s32 $0xFFFFC000  }
0x62: {  	[tilespmem:s22], [sflag:$0x3] =	stream.linear.gather [hbm4b:s15+s6], $0x80, $0x38;
	[tilespmem:$0x1E900] =	vst v63  }
0x63: {  	_ = 	snop  }
0x64: {  	[spmem:s1] =	stream.indirect.scatter.add.f32 [tilespmem:s19], [sflag:$0x5], $0x80, s21, s23, $0xb8;
	[tilespmem:$0x1E900] =	vst v63  }
0x65: {  	_ =	swait.ge [sflag:s26], $0x80  }
0x66: {  	[sflag:s26] =	ssyncset.done $0x0  }
0x67: {  	[sflag:s26] =	ssyncadd.s32 $0xFFFFFF80  }
0x68: {  	[tilespmem:s28], [sflag:$0x2] =	stream.indirect.gather [hbm4b:s4+s23], $0x80, s24, s23, $0xb8;
	[tilespmem:$0x1E900] =	vst v63  }
0x69: {  	_ =	swait.ge [sflag:s29], $0x4000  }
0x6a: {  	[sflag:s29] =	ssyncset.done $0x0  }
0x6b: {  	[sflag:s29] =	ssyncadd.s32 $0xFFFFC000  }
0x6c: {  	[tilespmem:s24], [sflag:$0x4] =	stream.linear.gather [hbm4b:s16+s6], $0x80, $0x38;
	[tilespmem:$0x1E900] =	vst v63  }
0x6d: {  	s10 =	simm.s32 $0x1C180  }
0x6e: {  	[spmem:s1] =	stream.indirect.scatter.add.f32 [tilespmem:s28], [sflag:$0x6], $0x80, s10, s23, $0xb8;
	[tilespmem:$0x1E900] =	vst v63  }
0x6f: {  	_ =	swait.ge [sflag:s31], $0x4000  }
0x70: {  	[sflag:s31] =	ssyncset.done $0x0  }
0x71: {  	[sflag:s31] =	ssyncadd.s32 $0xFFFFC000  }
0x72: {  	_ =	swait.ge [sflag:s0], $0x80  }
0x73: {  	[sflag:s0] =	ssyncset.done $0x0  }
0x74: {  	s8 =	simm.s32 $0x1C200;
	[sflag:s0] =	ssyncadd.s32 $0xFFFFFF80  }
0x75: {  	[tilespmem:s19], [sflag:$0x1] =	stream.indirect.gather [hbm4b:s4+s23], $0x80, s22, s23, $0xb8;
	[tilespmem:$0x1E900] =	vst v63  }
.LBB2_4:
0x76: {  	_ =	swait.ge [sflag:s25], $0x4000;
	p0 =	seq.s32 s6, $0x2600  }
0x77: {  	[sflag:s25] =	ssyncset.done $0x0;
	s9 =	sadd.s32 @!p0 s6, s18  }
0x78: {  	s7 =	simm.s32 @!p0 $0x0;
	s10 =	simm.s32 @!p0 $0x1C000;
	[sflag:s25] =	ssyncadd.s32 $0xFFFFC000  }
0x79: {  	[tilespmem:s10], [sflag:$0x3] =	stream.linear.gather @!p0 [hbm4b:s9+s7], $0x80, $0x38;
	[tilespmem:$0x1E900] =	vst v63  }
0x7a: {  	s7 =	smov.u32 s8  }
0x7b: {  	s7 =	simm.s32 @p0 $0x1E800  }
0x7c: {  	[spmem:s1] =	stream.indirect.scatter.add.f32 [tilespmem:s19], [sflag:$0x5], $0x80, s7, s23, $0xb8;
	[tilespmem:$0x1E900] =	vst v63  }
0x7d: {  	_ =	swait.ge [sflag:s2], $0x4000  }
0x7e: {  	[sflag:s2] =	ssyncset.done $0x0  }
0x7f: {  	[sflag:s2] =	ssyncadd.s32 $0xFFFFC000  }
0x80: {  	_ =	swait.ge [sflag:s26], $0x80  }
0x81: {  	[sflag:s26] =	ssyncset.done $0x0  }
.Ltmp3:
0x82: {  	[sflag:s26] =	ssyncadd.s32 $0xFFFFFF80;
	(pc) =	sbr.rel @p0 .LBB2_6-.Ltmp3, $4  }
0x83: {  	[tilespmem:s28], [sflag:$0x2] =	stream.indirect.gather [hbm4b:s4+s23], $0x80, s24, s23, $0xb8;
	[tilespmem:$0x1E900] =	vst v63  }
0x84: {  	_ =	swait.ge [sflag:s29], $0x4000  }
0x85: {  	[sflag:s29] =	ssyncset.done $0x0  }
0x86: {  	s9 =	sadd.s32 $0x80, s7;
	[sflag:s29] =	ssyncadd.s32 $0xFFFFC000  }
0x87: {  	s7 =	sadd.s32 s6, s17  }
0x88: {  	[tilespmem:s24], [sflag:$0x4] =	stream.linear.gather [hbm4b:s7+s3], $0x80, $0x38;
	[tilespmem:$0x1E900] =	vst v63  }
0x89: {  	_ = 	snop  }
0x8a: {  	[spmem:s1] =	stream.indirect.scatter.add.f32 [tilespmem:s28], [sflag:$0x6], $0x80, s9, s23, $0xb8;
	[tilespmem:$0x1E900] =	vst v63  }
0x8b: {  	_ =	swait.ge [sflag:s31], $0x4000  }
0x8c: {  	[sflag:s31] =	ssyncset.done $0x0  }
.Ltmp4:
0x8d: {  	[sflag:s31] =	ssyncadd.s32 $0xFFFFC000;
	(pc) =	sbr.rel .LBB2_4-.Ltmp4, $4  }
0x8e: {  	_ =	swait.ge [sflag:s0], $0x80  }
0x8f: {  	[sflag:s0] =	ssyncset.done $0x0  }
0x90: {  	s6 =	sadd.s32 $0x100, s6;
	s8 =	sadd.s32 $0x100, s8;
	[sflag:s0] =	ssyncadd.s32 $0xFFFFFF80  }
0x91: {  	[tilespmem:s19], [sflag:$0x1] =	stream.indirect.gather [hbm4b:s4+s23], $0x80, s22, s23, $0xb8;
	[tilespmem:$0x1E900] =	vst v63  }
.LBB2_7:
0x92: {  	_ =	sfence.sel $0x180000  }
0x93: {  	[bflag:$0x0] =	sbarrier.arrive $0xFFFF  }
0x94: {  	_ =	strace $0x9000004A  }
0x95: {  	s0 =	stileid.u32;
	[bflag:$0x2] =	sbarrier.arrive $0xFFFF  }
0x96: {  	p0 =	sne.s32 s0, $0x0;
	s0 =	rddreg [dreg:$0x2]  }
0x97: {  	s0 =	sadd.s32 @!p0 $0x100000, s0  }
0x98: {  	[sflag:s0] =	ssyncadd.tile.s32 @!p0 $0x1;
	_ =	shalt  }
.Lfunc_end2:
_tile_overlayer_lowered:
.L_overlay_start_2:
0x99: {  	(tag) =	ssettag $0x2  }
0x9a: {  	s0 =	rddreg [dreg:$0x0];
	s2 =	stileid.u32  }
0x9b: {  	s1 =	rddreg [dreg:$0x1];
	p0 =	sne.s32 s2, $0x0  }
0x9c: {  	s3 =	rddreg [dreg:$0x2];
	[bflag:$0x3] =	sbarrier.arrive $0xFFFF;
	s2 =	simm.s32 @!p0 $0x1C07  }
0x9d: {  	[timem:s3], [sflag:s2] =	dma.local @!p0 [hbm:s0], s1  }
0x9e: {  	s0 =	simm.s32 @!p0 $0x7  }
0x9f: {  	_ =	swait.ge @!p0 [sflag:s0], s1  }
0xa0: {  	s1 =	ssub.s32 @!p0 $0x0, s1;
	[sflag:s0] =	ssyncset.done @!p0 $0x0  }
0xa1: {  	[sflag:s0] =	ssyncadd.s32 @!p0 s1  }
0xa2: {  	[bflag:$0x3] =	sbarrier.arrive $0xFFFF  }
0xa3: {  	_ =	shalt  }

// kernel: kernel.15.cloned.1.call-start
scs
__scs_entry_jumppad:
0x0: {  	(pc) =	sbr.rel $0x88, $3  }
0x1: {  	(tag) =	ssettag $0x0;
	lr =	simm.s32 $0x1  }
0x2: {  	[smem:$0x3F97] =	sst lr;
	_ =	strace $0xD0000000  }
0x3: {  	_ = 	snop  }
0x4: {  	_ = 	snop  }
0x5: {  	_ = 	snop  }
0x6: {  	_ = 	snop  }
0x7: {  	_ = 	snop  }
__scs_overlays_trampoline_lowered:
0x8: {  	[smem:$0x3FA6] =	sst s0  }
0x9: {  	[smem:$0x3FA7] =	sst s1  }
0xa: {  	[smem:$0x3FA8] =	sst s2  }
0xb: {  	[smem:$0x3FA9] =	sst s3  }
0xc: {  	[smem:$0x3FAA] =	sst s4  }
0xd: {  	[smem:$0x3FAB] =	sst s5  }
0xe: {  	[smem:$0x3FAC] =	sst s6  }
0xf: {  	[smem:$0x3FAD] =	sst s7  }
0x10: {  	[smem:$0x3FAE] =	sst s8  }
0x11: {  	[smem:$0x3FAF] =	sst s9;
	s0 =	simm.s32 @!p0 $0x0  }
0x12: {  	s1 =	sld [smem:$0x3F95];
	s0 =	simm.s32 @p0 $0x1  }
0x13: {  	[smem:$0x3FB0] =	sst s0;
	s0 =	simm.s32 @!p1 $0x0  }
0x14: {  	s2 =	sld [smem:$0x3F94];
	s0 =	simm.s32 @p1 $0x1  }
0x15: {  	[smem:$0x3FB1] =	sst s0;
	s0 =	simm.s32 @!p2 $0x0  }
0x16: {  	s3 =	sld [smem:$0x3FDB];
	s0 =	simm.s32 @p2 $0x1  }
0x17: {  	s4 =	simm.s32 $0x1BF5;
	[smem:$0x3FB3] =	sst s0  }
0x18: {  	s0 =	sld [smem:$0x3F96];
	_ =	swait.ge [sflag:s4], $0x0  }
0x19: {  	s7 =	sld [smem:$0x3F97]  }
0x1a: {  	s8 =	sadd.s32 $0xFFFFE003, lr  }
0x1b: {  	s9 =	sadd.s32 $0xFFFFFEF7, lr;
	s5 =	simm.s32 $0xFFFFFFFF;
	p2 =	slt.u32 s8, $0xFFFFF086  }
0x1c: {  	p1 =	slt.u32 s9, $0xF7A;
	s5 =	simm.s32 @!p2 $0x0  }
0x1d: {  	s5 =	simm.s32 @p1 $0x1;
	p0 =	seq.s32 s7, s2  }
0x1e: {  	s7 =	smul.u32 @!p0 $0xF7A, s2;
	p2 =	seq.s32 @!p0 s5, $0x0  }
0x1f: {  	s9 =	smul.u32 $0xF7A, s1;
	s8 =	simm.s32 @!p0 $0x1BF5;
	p2 =	por !p2, p0  }
0x20: {  	[sflag:s8] =	ssyncset.s32 @!p0 $0xFFFFF086;
	s6 =	sadd.s32 @!p0 s3, s7;
	s7 =	simm.s32 @!p0 $0x108  }
0x21: {  	s3 =	sadd.s32 s3, s9;
	s6 =	sadd.s32 @!p0 $0x88, s6;
	s7 =	simm.s32 @p2 $0x1082  }
0x22: {  	[simem:s7], [sflag:s8] =	dma.local @!p0 [hbm:s6], $0xF7A  }
0x23: {  	s9 =	sor.u32 $0xD0000000, s2;
	s6 =	simm.s32 $0x108;
	_ =	swait.ge @!p0 [sflag:s8], $0x0  }
0x24: {  	s3 =	sadd.s32 $0x88, s3;
	s6 =	simm.s32 @!p1 $0x1082;
	[sflag:s4] =	ssyncset.s32 $0xFFFFF086  }
0x25: {  	[simem:s6], [sflag:s4] =	dma.local [hbm:s3], $0xF7A  }
0x26: {  	[smem:$0x3F97] =	sst s1;
	(tag) =	ssettag s2;
	_ =	strace s9  }
0x27: {  	s1 =	sld [smem:$0x3FA7]  }
0x28: {  	s2 =	sld [smem:$0x3FA8]  }
0x29: {  	s4 =	sld [smem:$0x3FAA]  }
0x2a: {  	p0 =	seq.s32 s5, $0x0;
	s5 =	sld [smem:$0x3FAB]  }
0x2b: {  	s6 =	sld [smem:$0x3FAC]  }
0x2c: {  	s7 =	sld [smem:$0x3FAD]  }
0x2d: {  	s3 =	simm.s32 $0x108;
	s8 =	sld [smem:$0x3FAE]  }
0x2e: {  	s3 =	simm.s32 @!p0 $0x1082;
	s9 =	sld [smem:$0x3FAF]  }
0x2f: {  	lr =	sadd.s32 s0, s3;
	s0 =	sld [smem:$0x3FA6]  }
0x30: {  	s3 =	sld [smem:$0x3FA9]  }
0x31: {  	[smem:$0x3FB2] =	sst s10  }
0x32: {  	s10 =	sld [smem:$0x3FB0];
	_ =	sdelay $0x3  }
0x33: {  	p0 =	seq.s32 s10, $0x1;
	s10 =	sld [smem:$0x3FB2];
	_ =	sdelay $0x3  }
0x34: {  	[smem:$0x3FB2] =	sst s10  }
0x35: {  	s10 =	sld [smem:$0x3FB1];
	_ =	sdelay $0x3  }
0x36: {  	p1 =	seq.s32 s10, $0x1;
	s10 =	sld [smem:$0x3FB2];
	_ =	sdelay $0x3  }
0x37: {  	[smem:$0x3FB2] =	sst s10  }
0x38: {  	s10 =	sld [smem:$0x3FB3]  }
0x39: {  	_ = 	snop;
	(pc) =	sbr.ind lr, $3  }
0x3a: {  	_ = 	snop  }
0x3b: {  	_ = 	snop  }
0x3c: {  	p2 =	seq.s32 s10, $0x1;
	s10 =	sld [smem:$0x3FB2]  }
0x3d: {  	_ =	shalt  }
0x3e: {  	_ =	shalt  }
0x3f: {  	_ =	shalt  }
0x40: {  	_ =	shalt  }
0x41: {  	_ =	shalt  }
0x42: {  	_ =	shalt  }
0x43: {  	_ =	shalt  }
0x44: {  	_ =	shalt  }
0x45: {  	_ =	shalt  }
0x46: {  	_ =	shalt  }
0x47: {  	_ =	shalt  }
0x48: {  	_ =	shalt  }
0x49: {  	_ =	shalt  }
0x4a: {  	_ =	shalt  }
0x4b: {  	_ =	shalt  }
0x4c: {  	_ =	shalt  }
0x4d: {  	_ =	shalt  }
0x4e: {  	_ =	shalt  }
0x4f: {  	_ =	shalt  }
0x50: {  	_ =	shalt  }
0x51: {  	_ =	shalt  }
0x52: {  	_ =	shalt  }
0x53: {  	_ =	shalt  }
0x54: {  	_ =	shalt  }
0x55: {  	_ =	shalt  }
0x56: {  	_ =	shalt  }
0x57: {  	_ =	shalt  }
0x58: {  	_ =	shalt  }
0x59: {  	_ =	shalt  }
0x5a: {  	_ =	shalt  }
0x5b: {  	_ =	shalt  }
0x5c: {  	_ =	shalt  }
0x5d: {  	_ =	shalt  }
0x5e: {  	_ =	shalt  }
0x5f: {  	_ =	shalt  }
0x60: {  	_ =	shalt  }
0x61: {  	_ =	shalt  }
0x62: {  	_ =	shalt  }
0x63: {  	_ =	shalt  }
0x64: {  	_ =	shalt  }
0x65: {  	_ =	shalt  }
0x66: {  	_ =	shalt  }
0x67: {  	_ =	shalt  }
0x68: {  	_ =	shalt  }
0x69: {  	_ =	shalt  }
0x6a: {  	_ =	shalt  }
0x6b: {  	_ =	shalt  }
0x6c: {  	_ =	shalt  }
0x6d: {  	_ =	shalt  }
0x6e: {  	_ =	shalt  }
0x6f: {  	_ =	shalt  }
0x70: {  	_ =	shalt  }
0x71: {  	_ =	shalt  }
0x72: {  	_ =	shalt  }
0x73: {  	_ =	shalt  }
0x74: {  	_ =	shalt  }
0x75: {  	_ =	shalt  }
0x76: {  	_ =	shalt  }
0x77: {  	_ =	shalt  }
0x78: {  	_ =	shalt  }
0x79: {  	_ =	shalt  }
0x7a: {  	_ =	shalt  }
0x7b: {  	_ =	shalt  }
0x7c: {  	_ =	shalt  }
0x7d: {  	_ =	shalt  }
0x7e: {  	_ =	shalt  }
0x7f: {  	_ =	shalt  }
0x80: {  	_ =	shalt  }
0x81: {  	_ =	shalt  }
0x82: {  	_ =	shalt  }
0x83: {  	_ =	shalt  }
0x84: {  	_ =	shalt  }
0x85: {  	_ =	shalt  }
0x86: {  	_ =	shalt  }
0x87: {  	_ =	shalt  }
.Lfunc_end0:
.L_simem_size_0:
called_computation.2_lowered:
.L_overlay_start_0:
0x88: {  	s2 =	sld [smem:$0x3FD9]  }
0x89: {  	s3 =	sld [smem:$0x3FFE];
	_ =	sdelay $0x1  }
0x8a: {  	s1 =	srdreg.scid  }
0x8b: {  	s0 =	sand.u32 $0x1, s1  }
0x8c: {  	s16 =	sshll.u32 s0, $0xA;
	s2 =	sadd.s32 s3, s2  }
0x8d: {  	s2 =	sadd.s32 s2, s16  }
0x8e: {  	[smem:$0x3FBE] =	sst s2  }
0x8f: {  	_ = 	snop  }
0x90: {  	(tm) =	ssettm $0x1  }
0x91: {  	s17 =	sld [smem:$0x3FFB];
	_ =	sdelay $0x3  }
0x92: {  	_ =	strace s17  }
0x93: {  	s2 =	sld [smem:$0x3FFC];
	_ =	sdelay $0x3  }
0x94: {  	_ =	strace s2  }
0x95: {  	s2 =	sld [smem:$0x3FFD];
	_ =	sdelay $0x3  }
0x96: {  	_ =	strace s2  }
0x97: {  	_ =	strace $0x8FFFFFFF  }
0x98: {  	s18 =	sld [smem:$0x3FDB];
	_ =	sdelay $0x1  }
0x99: {  	s19 =	simm.s32 $_scs_section_size  }
0x9a: {  	s4 =	simm.s32 $_size__tile_overlayer_lowered;
	s5 =	simm.s32 $_tile_overlayer_lowered  }
0x9b: {  	s22 =	simm.s32 $0x1BFF;
	s21 =	sshll.u32 s5, $0x1;
	s2 =	sadd.s32 s19, s18  }
0x9c: {  	s6 =	simm.s32 $0x0;
	s20 =	sshll.u32 s4, $0x1;
	s4 =	sadd.s32 s21, s2  }
0x9d: {  	[timem:s6], [sflag:s22] =	dma.local [hbm:s4], s20  }
0x9e: {  	_ =	swait.ge [sflag:s22], s20  }
0x9f: {  	s3 =	ssub.s32 $0x0, s20;
	[sflag:s22] =	ssyncset.done $0x0  }
0xa0: {  	[sflag:s22] =	ssyncadd.s32 s3;
	_ =	sdelay $0x1  }
0xa1: {  	s23 =	simm.s32 $0x1B8B  }
0xa2: {  	_ =	swait.ge [sflag:s23], $0x1  }
0xa3: {  	[sflag:s23] =	ssyncset.done $0x0  }
0xa4: {  	s25 =	simm.s32 $0x1B8E;
	s24 =	sld [smem:$0x3FFE];
	[sflag:s23] =	ssyncadd.s32 $0xFFFFFFFF  }
0xa5: {  	s26 =	simm.s32 $execute0_lowered;
	[smem:$0x3FD2] =	sst s25  }
0xa6: {  	s4 =	sshll.u32 s26, $0x1;
	_ =	strace $0x8000004C;
	[dreg:$0x1] =	wrdreg $0xFFFFFFFF  }
0xa7: {  	s28 =	simm.s32 $_size_execute0_lowered;
	s2 =	sadd.s32 s2, s4;
	[dreg:$0x0] =	wrdreg $0x0  }
0xa8: {  	s4 =	sshll.u32 s28, $0x1;
	[dreg:$0x2] =	wrdreg s2  }
0xa9: {  	[dreg:$0x3] =	wrdreg s4  }
0xaa: {  	[dreg:$0x4] =	wrdreg $0xC0  }
0xab: {  	_ =	task [dreg:s6], $0x5FFFF  }
0xac: {  	[dreg:$0x1] =	wrdreg $0xFFFFFFFF  }
0xad: {  	[dreg:$0x0] =	wrdreg $0x60  }
0xae: {  	[dreg:$0x2] =	wrdreg s24  }
0xaf: {  	[dreg:$0x3] =	wrdreg $0x0  }
0xb0: {  	[dreg:$0x4] =	wrdreg $0x9  }
0xb1: {  	_ =	task.clear_ibuf [dreg:s6], $0x5FFFF;
	_ =	strace $0x9000004C  }
0xb2: {  	s29 =	simm.s32 $0x9;
	_ =	strace $0x8000004E  }
0xb3: {  	_ =	swait.ge [sflag:s29], $0x1  }
0xb4: {  	[sflag:s29] =	ssyncadd.s32 $0xFFFFFFFF  }
0xb5: {  	_ =	strace $0x9000004E  }
0xb6: {  	_ =	sfence  }
0xb7: {  	s30 =	sld [smem:$0x0];
	_ =	sdelay $0x2  }
0xb8: {  	s31 =	sshll.u32 s1, $0xD;
	s1 =	sshrl.u32 s1, $0x2  }
0xb9: {  	s3 =	sand.u32 $0x4000, s31;
	s1 =	sadd.s32 s1, s30  }
0xba: {  	s0 =	sor.u32 s3, s0;
	s1 =	sshll.u32 s1, $0x11  }
0xbb: {  	s0 =	sor.u32 s1, s0  }
0xbc: {  	s0 =	sadd.s32 $0x8F2B, s0  }
0xbd: {  	[sflag:s0] =	ssyncadd.remote.s32 $0x1  }
0xbe: {  	_ =	sfence.sel $0xFFFF  }
0xbf: {  	[dreg:$0x0] =	wrdreg $0xFFFFFFFF;
	(pc) =	sbr.abs _section_cstart, $3  }
0xc0: {  	[dreg:$0x1] =	wrdreg $0xFFFFFFFF  }
0xc1: {  	_ =	task.clear_ibuf [dreg:s6], $0x2FFFF;
	_ =	strace $0x9FFFFFFF  }
0xc2: {  	(tm) =	ssettm $0x7FFFFFFF  }
0xc3: {  	_ =	shalt  }
tec
execute0_lowered:
.L_overlay_start_1:
0x0: {  	(tag) =	ssettag $0x1  }
0x1: {  	s0 =	rddreg [dreg:$0x0]  }
0x2: {  	s1 =	rddreg [dreg:$0x1];
	s2 =	srdreg.scid  }
0x3: {  	s3 =	simm.s32 $0x0;
	s12 =	stileid.u32;
	s28 =	simm.s32 $0x18000  }
0x4: {  	s29 =	simm.s32 $0x2;
	s31 =	simm.s32 $0x5;
	s30 =	simm.s32 $0x0  }
0x5: {  	s2 =	sand.u32 $0x1, s2;
	[smem:$0x7FF] =	sst s3;
	s6 =	smul.u32 $0x14000, s12  }
0x6: {  	s4 =	sadd.s32 $0x2BE00, s0;
	s16 =	sshll.u32 s12, $0x1;
	s8 =	sadd.s32 $0x17E00, s0  }
0x7: {  	s7 =	sshrl.u32 s12, $0x2;
	s11 =	smul.u32 $0x50000, s12;
	s24 =	sshll.u32 s12, $0x8  }
0x8: {  	s5 =	smul.u32 $0x140000, s2;
	_ =	strace $0x8000004D;
	s10 =	ssub.s32 $0x2, s2  }
0x9: {  	s15 =	smul.u32 $0x14000, s7;
	s18 =	sshrl.u32 s10, $0x1;
	s19 =	sshrl.u32 s11, $0x2  }
0xa: {  	s5 =	sadd.s32 s6, s5;
	s6 =	sor.u32 s2, s16;
	s10 =	ssub.s32 s10, s18  }
0xb: {  	s2 =	sshll.u32 s2, $0x7;
	s5 =	sshrl.u32 s5, $0x3;
	s17 =	smul.u32 $0x2800, s6  }
0xc: {  	s6 =	sshll.u32 s6, $0x7;
	s25 =	smax.u32 s10, $0x1;
	s2 =	sor.u32 s2, s24  }
0xd: {  	s24 =	simm.s32 $0x1C080;
	s9 =	sadd.s32 s5, s0;
	s6 =	sand.u32 $0x380, s6  }
0xe: {  	[dreg:$0x7] =	wrdreg s25;
	s2 =	sand.u32 $0x380, s2;
	s25 =	simm.s32 $0x1  }
0xf: {  	s5 =	sshrl.u32 s17, $0x3;
	s6 =	sor.u32 s15, s6;
	s23 =	sadd.s32 $0x53E00, s9  }
0x10: {  	s2 =	sor.u32 s2, s15;
	s0 =	sadd.s32 s0, s5;
	s20 =	sshrl.u32 s6, $0x3  }
0x11: {  	s5 =	sadd.s32 s19, s1;
	s22 =	sor.u32 $0x800, s6;
	s6 =	sor.u32 $0xC00, s6  }
0x12: {  	[dreg:$0x6] =	wrdreg s23;
	s26 =	sor.u32 $0x1400, s2;
	s2 =	sor.u32 $0x1000, s2  }
0x13: {  	s19 =	simm.s32 $0x14000;
	s23 =	simm.s32 $0x80;
	s0 =	sadd.s32 $0xD400, s0  }
0x14: {  	s21 =	sadd.s32 s8, s20;
	s11 =	sadd.s32 $0x4000, s5;
	s12 =	sadd.s32 $0x8000, s5  }
0x15: {  	s13 =	sadd.s32 $0xC000, s5;
	s14 =	sadd.s32 $0x10000, s5;
	s6 =	sshrl.u32 s6, $0x3  }
0x16: {  	s2 =	sshrl.u32 s2, $0x3;
	s20 =	simm.s32 $0x7;
	[dreg:$0x3] =	wrdreg s0  }
.Ltmp0:
0x17: {  	[dreg:$0x4] =	wrdreg s21;
	s0 =	sadd.s32 $0x80, s21;
	(pc) =	sbr.rel .LBB2_1-.Ltmp0, $4  }
0x18: {  	s16 =	sadd.s32 s8, s6;
	s18 =	sadd.s32 s2, s8;
	s21 =	simm.s32 $0x1C100  }
0x19: {  	s2 =	simm.s32 $0x6;
	[dreg:$0x5] =	wrdreg s0;
	s0 =	sshrl.u32 s22, $0x3  }
0x1a: {  	s22 =	simm.s32 $0x1C000;
	s15 =	sadd.s32 s8, s0;
	s0 =	sshrl.u32 s26, $0x3  }
0x1b: {  	v0 =	vimm.f32 $0.0e+00;
	s26 =	simm.s32 $0x4;
	s17 =	sadd.s32 s0, s8;
	s0 =	simm.s32 $0x3  }
.LBB2_6:
0x1c: {  	[spmem:s1] =	stream.indirect.scatter.add.f32 [tilespmem:s28], [sflag:$0x6], $0x80, s9, s23, $0xb8;
	[tilespmem:$0x1E900] =	vst v63  }
0x1d: {  	_ =	swait.ge [sflag:s31], $0x4000  }
0x1e: {  	[sflag:s31] =	ssyncset.done $0x0  }
0x1f: {  	[sflag:s31] =	ssyncadd.s32 $0xFFFFC000  }
0x20: {  	_ =	swait.ge [sflag:s2], $0x4000  }
0x21: {  	[sflag:s2] =	ssyncset.done $0x0  }
0x22: {  	s6 =	stileid.u32;
	[sflag:s2] =	ssyncadd.s32 $0xFFFFC000  }
0x23: {  	s6 =	sshll.u32 s6, $0x6;
	[bflag:$0x0] =	sbarrier.arrive $0xFFFF  }
0x24: {  	s7 =	sshrl.u32 s5, $0x3;
	s6 =	sor.u32 $0x1C07, s6;
	s8 =	rddreg [dreg:$0x6]  }
0x25: {  	[hbm:s8], [sflag:s6] =	dma.local [spmem:s7], $0x2800  }
0x26: {  	_ =	swait.ge [sflag:s20], $0x2800  }
0x27: {  	s30 =	sadd.s32 $0x1, s30;
	s10 =	rddreg [dreg:$0x7]  }
0x28: {  	p0 =	sne.s32 s30, s10  }
.Ltmp1:
0x29: {  	_ = 	snop;
	(pc) =	sbr.rel @!p0 .LBB2_7-.Ltmp1, $3  }
0x2a: {  	_ =	sdelay $0x1  }
0x2b: {  	[sflag:s20] =	ssyncset.done $0x0  }
0x2c: {  	[sflag:s20] =	ssyncadd.s32 $0xFFFFD800  }
.LBB2_1:
0x2d: {  	s6 =	simm.s32 $0x0;
	s8 =	simm.s32 $0x200  }
.LBB2_2:
0x2e: {  	p0 =	sne.s32 s8, $0xFE00;
	[tilespmem:s6+$0x14070] =	vst v0  }
0x2f: {  	[tilespmem:s6+$0x14000] =	vst v0  }
0x30: {  	[tilespmem:s6+$0x14010] =	vst v0  }
.Ltmp2:
0x31: {  	[tilespmem:s6+$0x14020] =	vst v0;
	(pc) =	sbr.rel @p0 .LBB2_2-.Ltmp2, $4  }
0x32: {  	[tilespmem:s6+$0x14030] =	vst v0  }
0x33: {  	[tilespmem:s6+$0x14040] =	vst v0  }
0x34: {  	[tilespmem:s6+$0x14050] =	vst v0  }
0x35: {  	[tilespmem:s6+$0x14060] =	vst v0;
	s6 =	sshra.s32 s8, $0x2;
	s8 =	sadd.s32 $0x200, s8  }
0x36: {  	[tilespmem:s6+$0x14070] =	vst v0  }
0x37: {  	[tilespmem:s6+$0x14000] =	vst v0  }
0x38: {  	[tilespmem:s6+$0x14010] =	vst v0  }
0x39: {  	[tilespmem:s6+$0x14020] =	vst v0  }
0x3a: {  	[tilespmem:s6+$0x14030] =	vst v0  }
0x3b: {  	[tilespmem:s6+$0x14040] =	vst v0  }
0x3c: {  	[tilespmem:s6+$0x14050] =	vst v0  }
0x3d: {  	[tilespmem:s6+$0x14060] =	vst v0  }
0x3e: {  	[spmem:s5] =	stream.linear.scatter [tilespmem:s19], [sflag:$0x7], $0x4000, $0x38;
	[tilespmem:$0x1E900] =	vst v63  }
0x3f: {  	_ =	swait.ge [sflag:s20], $0x4000  }
0x40: {  	[sflag:s20] =	ssyncset.done $0x0  }
0x41: {  	[sflag:s20] =	ssyncadd.s32 $0xFFFFC000  }
0x42: {  	[spmem:s11] =	stream.linear.scatter [tilespmem:s19], [sflag:$0x7], $0x4000, $0x38;
	[tilespmem:$0x1E900] =	vst v63  }
0x43: {  	_ =	swait.ge [sflag:s20], $0x4000  }
0x44: {  	[sflag:s20] =	ssyncset.done $0x0  }
0x45: {  	[sflag:s20] =	ssyncadd.s32 $0xFFFFC000  }
0x46: {  	[spmem:s12] =	stream.linear.scatter [tilespmem:s19], [sflag:$0x7], $0x4000, $0x38;
	[tilespmem:$0x1E900] =	vst v63  }
0x47: {  	_ =	swait.ge [sflag:s20], $0x4000  }
0x48: {  	[sflag:s20] =	ssyncset.done $0x0  }
0x49: {  	[sflag:s20] =	ssyncadd.s32 $0xFFFFC000  }
0x4a: {  	[spmem:s13] =	stream.linear.scatter [tilespmem:s19], [sflag:$0x7], $0x4000, $0x38;
	[tilespmem:$0x1E900] =	vst v63  }
0x4b: {  	_ =	swait.ge [sflag:s20], $0x4000  }
0x4c: {  	[sflag:s20] =	ssyncset.done $0x0  }
0x4d: {  	[sflag:s20] =	ssyncadd.s32 $0xFFFFC000  }
0x4e: {  	[spmem:s14] =	stream.linear.scatter [tilespmem:s19], [sflag:$0x7], $0x4000, $0x38;
	[tilespmem:$0x1E900] =	vst v63  }
0x4f: {  	_ =	swait.ge [sflag:s20], $0x4000  }
0x50: {  	[sflag:s20] =	ssyncset.done $0x0  }
0x51: {  	s6 =	simm.s32 $0x0;
	s7 =	rddreg [dreg:$0x3];
	[sflag:s20] =	ssyncadd.s32 $0xFFFFC000  }
0x52: {  	[tilespmem:s21], [sflag:$0x7] =	stream.linear.gather [hbm4b:s7+s6], $0x2800, $0x38;
	[tilespmem:$0x1E900] =	vst v63  }
0x53: {  	_ =	swait.ge [sflag:s20], $0x2800  }
0x54: {  	[sflag:s20] =	ssyncset.done $0x0  }
0x55: {  	[sflag:s20] =	ssyncadd.s32 $0xFFFFD800  }
0x56: {  	[bflag:$0x0] =	sbarrier.arrive $0xFFFF  }
0x57: {  	s8 =	rddreg [dreg:$0x4]  }
0x58: {  	[tilespmem:s22], [sflag:$0x7] =	stream.linear.gather [hbm4b:s8+s6], $0x80, $0x38;
	[tilespmem:$0x1E900] =	vst v63  }
0x59: {  	_ =	swait.ge [sflag:s20], $0x80  }
0x5a: {  	[sflag:s20] =	ssyncset.done $0x0  }
0x5b: {  	[sflag:s20] =	ssyncadd.s32 $0xFFFFFF80  }
0x5c: {  	[tilespmem:s19], [sflag:$0x1] =	stream.indirect.gather [hbm4b:s4+s23], $0x80, s22, s23, $0xb8;
	[tilespmem:$0x1E900] =	vst v63  }
0x5d: {  	s9 =	rddreg [dreg:$0x5]  }
0x5e: {  	[tilespmem:s24], [sflag:$0x4] =	stream.linear.gather [hbm4b:s9+s6], $0x80, $0x38;
	[tilespmem:$0x1E900] =	vst v63  }
0x5f: {  	_ =	swait.ge [sflag:s25], $0x4000  }
0x60: {  	[sflag:s25] =	ssyncset.done $0x0  }
0x61: {  	[sflag:s25] =	ssyncadd.s32 $0xFFFFC000  }
0x62: {  	[tilespmem:s22], [sflag:$0x3] =	stream.linear.gather [hbm4b:s15+s6], $0x80, $0x38;
	[tilespmem:$0x1E900] =	vst v63  }
0x63: {  	_ = 	snop  }
0x64: {  	[spmem:s1] =	stream.indirect.scatter.add.f32 [tilespmem:s19], [sflag:$0x5], $0x80, s21, s23, $0xb8;
	[tilespmem:$0x1E900] =	vst v63  }
0x65: {  	_ =	swait.ge [sflag:s26], $0x80  }
0x66: {  	[sflag:s26] =	ssyncset.done $0x0  }
0x67: {  	[sflag:s26] =	ssyncadd.s32 $0xFFFFFF80  }
0x68: {  	[tilespmem:s28], [sflag:$0x2] =	stream.indirect.gather [hbm4b:s4+s23], $0x80, s24, s23, $0xb8;
	[tilespmem:$0x1E900] =	vst v63  }
0x69: {  	_ =	swait.ge [sflag:s29], $0x4000  }
0x6a: {  	[sflag:s29] =	ssyncset.done $0x0  }
0x6b: {  	[sflag:s29] =	ssyncadd.s32 $0xFFFFC000  }
0x6c: {  	[tilespmem:s24], [sflag:$0x4] =	stream.linear.gather [hbm4b:s16+s6], $0x80, $0x38;
	[tilespmem:$0x1E900] =	vst v63  }
0x6d: {  	s10 =	simm.s32 $0x1C180  }
0x6e: {  	[spmem:s1] =	stream.indirect.scatter.add.f32 [tilespmem:s28], [sflag:$0x6], $0x80, s10, s23, $0xb8;
	[tilespmem:$0x1E900] =	vst v63  }
0x6f: {  	_ =	swait.ge [sflag:s31], $0x4000  }
0x70: {  	[sflag:s31] =	ssyncset.done $0x0  }
0x71: {  	[sflag:s31] =	ssyncadd.s32 $0xFFFFC000  }
0x72: {  	_ =	swait.ge [sflag:s0], $0x80  }
0x73: {  	[sflag:s0] =	ssyncset.done $0x0  }
0x74: {  	s8 =	simm.s32 $0x1C200;
	[sflag:s0] =	ssyncadd.s32 $0xFFFFFF80  }
0x75: {  	[tilespmem:s19], [sflag:$0x1] =	stream.indirect.gather [hbm4b:s4+s23], $0x80, s22, s23, $0xb8;
	[tilespmem:$0x1E900] =	vst v63  }
.LBB2_4:
0x76: {  	_ =	swait.ge [sflag:s25], $0x4000;
	p0 =	seq.s32 s6, $0x2600  }
0x77: {  	[sflag:s25] =	ssyncset.done $0x0;
	s9 =	sadd.s32 @!p0 s6, s18  }
0x78: {  	s7 =	simm.s32 @!p0 $0x0;
	s10 =	simm.s32 @!p0 $0x1C000;
	[sflag:s25] =	ssyncadd.s32 $0xFFFFC000  }
0x79: {  	[tilespmem:s10], [sflag:$0x3] =	stream.linear.gather @!p0 [hbm4b:s9+s7], $0x80, $0x38;
	[tilespmem:$0x1E900] =	vst v63  }
0x7a: {  	s7 =	smov.u32 s8  }
0x7b: {  	s7 =	simm.s32 @p0 $0x1E800  }
0x7c: {  	[spmem:s1] =	stream.indirect.scatter.add.f32 [tilespmem:s19], [sflag:$0x5], $0x80, s7, s23, $0xb8;
	[tilespmem:$0x1E900] =	vst v63  }
0x7d: {  	_ =	swait.ge [sflag:s2], $0x4000  }
0x7e: {  	[sflag:s2] =	ssyncset.done $0x0  }
0x7f: {  	[sflag:s2] =	ssyncadd.s32 $0xFFFFC000  }
0x80: {  	_ =	swait.ge [sflag:s26], $0x80  }
0x81: {  	[sflag:s26] =	ssyncset.done $0x0  }
.Ltmp3:
0x82: {  	[sflag:s26] =	ssyncadd.s32 $0xFFFFFF80;
	(pc) =	sbr.rel @p0 .LBB2_6-.Ltmp3, $4  }
0x83: {  	[tilespmem:s28], [sflag:$0x2] =	stream.indirect.gather [hbm4b:s4+s23], $0x80, s24, s23, $0xb8;
	[tilespmem:$0x1E900] =	vst v63  }
0x84: {  	_ =	swait.ge [sflag:s29], $0x4000  }
0x85: {  	[sflag:s29] =	ssyncset.done $0x0  }
0x86: {  	s9 =	sadd.s32 $0x80, s7;
	[sflag:s29] =	ssyncadd.s32 $0xFFFFC000  }
0x87: {  	s7 =	sadd.s32 s6, s17  }
0x88: {  	[tilespmem:s24], [sflag:$0x4] =	stream.linear.gather [hbm4b:s7+s3], $0x80, $0x38;
	[tilespmem:$0x1E900] =	vst v63  }
0x89: {  	_ = 	snop  }
0x8a: {  	[spmem:s1] =	stream.indirect.scatter.add.f32 [tilespmem:s28], [sflag:$0x6], $0x80, s9, s23, $0xb8;
	[tilespmem:$0x1E900] =	vst v63  }
0x8b: {  	_ =	swait.ge [sflag:s31], $0x4000  }
0x8c: {  	[sflag:s31] =	ssyncset.done $0x0  }
.Ltmp4:
0x8d: {  	[sflag:s31] =	ssyncadd.s32 $0xFFFFC000;
	(pc) =	sbr.rel .LBB2_4-.Ltmp4, $4  }
0x8e: {  	_ =	swait.ge [sflag:s0], $0x80  }
0x8f: {  	[sflag:s0] =	ssyncset.done $0x0  }
0x90: {  	s6 =	sadd.s32 $0x100, s6;
	s8 =	sadd.s32 $0x100, s8;
	[sflag:s0] =	ssyncadd.s32 $0xFFFFFF80  }
0x91: {  	[tilespmem:s19], [sflag:$0x1] =	stream.indirect.gather [hbm4b:s4+s23], $0x80, s22, s23, $0xb8;
	[tilespmem:$0x1E900] =	vst v63  }
.LBB2_7:
0x92: {  	_ =	sfence.sel $0x180000  }
0x93: {  	[bflag:$0x0] =	sbarrier.arrive $0xFFFF  }
0x94: {  	_ =	strace $0x9000004D  }
0x95: {  	s0 =	stileid.u32;
	[bflag:$0x2] =	sbarrier.arrive $0xFFFF  }
0x96: {  	p0 =	sne.s32 s0, $0x0;
	s0 =	rddreg [dreg:$0x2]  }
0x97: {  	s0 =	sadd.s32 @!p0 $0x100000, s0  }
0x98: {  	[sflag:s0] =	ssyncadd.tile.s32 @!p0 $0x1;
	_ =	shalt  }
.Lfunc_end2:
_tile_overlayer_lowered:
.L_overlay_start_2:
0x99: {  	(tag) =	ssettag $0x2  }
0x9a: {  	s0 =	rddreg [dreg:$0x0];
	s2 =	stileid.u32  }
0x9b: {  	s1 =	rddreg [dreg:$0x1];
	p0 =	sne.s32 s2, $0x0  }
0x9c: {  	s3 =	rddreg [dreg:$0x2];
	[bflag:$0x3] =	sbarrier.arrive $0xFFFF;
	s2 =	simm.s32 @!p0 $0x1C07  }
0x9d: {  	[timem:s3], [sflag:s2] =	dma.local @!p0 [hbm:s0], s1  }
0x9e: {  	s0 =	simm.s32 @!p0 $0x7  }
0x9f: {  	_ =	swait.ge @!p0 [sflag:s0], s1  }
0xa0: {  	s1 =	ssub.s32 @!p0 $0x0, s1;
	[sflag:s0] =	ssyncset.done @!p0 $0x0  }
0xa1: {  	[sflag:s0] =	ssyncadd.s32 @!p0 s1  }
0xa2: {  	[bflag:$0x3] =	sbarrier.arrive $0xFFFF  }
0xa3: {  	_ =	shalt  }

// kernel: kernel.9.cloned.1.call-start
scs
__scs_entry_jumppad:
0x0: {  	(pc) =	sbr.rel $0x88, $3  }
0x1: {  	(tag) =	ssettag $0x0;
	lr =	simm.s32 $0x1  }
0x2: {  	[smem:$0x3F97] =	sst lr;
	_ =	strace $0xD0000000  }
0x3: {  	_ = 	snop  }
0x4: {  	_ = 	snop  }
0x5: {  	_ = 	snop  }
0x6: {  	_ = 	snop  }
0x7: {  	_ = 	snop  }
__scs_overlays_trampoline_lowered:
0x8: {  	[smem:$0x3FA6] =	sst s0  }
0x9: {  	[smem:$0x3FA7] =	sst s1  }
0xa: {  	[smem:$0x3FA8] =	sst s2  }
0xb: {  	[smem:$0x3FA9] =	sst s3  }
0xc: {  	[smem:$0x3FAA] =	sst s4  }
0xd: {  	[smem:$0x3FAB] =	sst s5  }
0xe: {  	[smem:$0x3FAC] =	sst s6  }
0xf: {  	[smem:$0x3FAD] =	sst s7  }
0x10: {  	[smem:$0x3FAE] =	sst s8  }
0x11: {  	[smem:$0x3FAF] =	sst s9;
	s0 =	simm.s32 @!p0 $0x0  }
0x12: {  	s1 =	sld [smem:$0x3F95];
	s0 =	simm.s32 @p0 $0x1  }
0x13: {  	[smem:$0x3FB0] =	sst s0;
	s0 =	simm.s32 @!p1 $0x0  }
0x14: {  	s2 =	sld [smem:$0x3F94];
	s0 =	simm.s32 @p1 $0x1  }
0x15: {  	[smem:$0x3FB1] =	sst s0;
	s0 =	simm.s32 @!p2 $0x0  }
0x16: {  	s3 =	sld [smem:$0x3FDB];
	s0 =	simm.s32 @p2 $0x1  }
0x17: {  	s4 =	simm.s32 $0x1BF5;
	[smem:$0x3FB3] =	sst s0  }
0x18: {  	s0 =	sld [smem:$0x3F96];
	_ =	swait.ge [sflag:s4], $0x0  }
0x19: {  	s7 =	sld [smem:$0x3F97]  }
0x1a: {  	s8 =	sadd.s32 $0xFFFFE003, lr  }
0x1b: {  	s9 =	sadd.s32 $0xFFFFFEF7, lr;
	s5 =	simm.s32 $0xFFFFFFFF;
	p2 =	slt.u32 s8, $0xFFFFF086  }
0x1c: {  	p1 =	slt.u32 s9, $0xF7A;
	s5 =	simm.s32 @!p2 $0x0  }
0x1d: {  	s5 =	simm.s32 @p1 $0x1;
	p0 =	seq.s32 s7, s2  }
0x1e: {  	s7 =	smul.u32 @!p0 $0xF7A, s2;
	p2 =	seq.s32 @!p0 s5, $0x0  }
0x1f: {  	s9 =	smul.u32 $0xF7A, s1;
	s8 =	simm.s32 @!p0 $0x1BF5;
	p2 =	por !p2, p0  }
0x20: {  	[sflag:s8] =	ssyncset.s32 @!p0 $0xFFFFF086;
	s6 =	sadd.s32 @!p0 s3, s7;
	s7 =	simm.s32 @!p0 $0x108  }
0x21: {  	s3 =	sadd.s32 s3, s9;
	s6 =	sadd.s32 @!p0 $0x88, s6;
	s7 =	simm.s32 @p2 $0x1082  }
0x22: {  	[simem:s7], [sflag:s8] =	dma.local @!p0 [hbm:s6], $0xF7A  }
0x23: {  	s9 =	sor.u32 $0xD0000000, s2;
	s6 =	simm.s32 $0x108;
	_ =	swait.ge @!p0 [sflag:s8], $0x0  }
0x24: {  	s3 =	sadd.s32 $0x88, s3;
	s6 =	simm.s32 @!p1 $0x1082;
	[sflag:s4] =	ssyncset.s32 $0xFFFFF086  }
0x25: {  	[simem:s6], [sflag:s4] =	dma.local [hbm:s3], $0xF7A  }
0x26: {  	[smem:$0x3F97] =	sst s1;
	(tag) =	ssettag s2;
	_ =	strace s9  }
0x27: {  	s1 =	sld [smem:$0x3FA7]  }
0x28: {  	s2 =	sld [smem:$0x3FA8]  }
0x29: {  	s4 =	sld [smem:$0x3FAA]  }
0x2a: {  	p0 =	seq.s32 s5, $0x0;
	s5 =	sld [smem:$0x3FAB]  }
0x2b: {  	s6 =	sld [smem:$0x3FAC]  }
0x2c: {  	s7 =	sld [smem:$0x3FAD]  }
0x2d: {  	s3 =	simm.s32 $0x108;
	s8 =	sld [smem:$0x3FAE]  }
0x2e: {  	s3 =	simm.s32 @!p0 $0x1082;
	s9 =	sld [smem:$0x3FAF]  }
0x2f: {  	lr =	sadd.s32 s0, s3;
	s0 =	sld [smem:$0x3FA6]  }
0x30: {  	s3 =	sld [smem:$0x3FA9]  }
0x31: {  	[smem:$0x3FB2] =	sst s10  }
0x32: {  	s10 =	sld [smem:$0x3FB0];
	_ =	sdelay $0x3  }
0x33: {  	p0 =	seq.s32 s10, $0x1;
	s10 =	sld [smem:$0x3FB2];
	_ =	sdelay $0x3  }
0x34: {  	[smem:$0x3FB2] =	sst s10  }
0x35: {  	s10 =	sld [smem:$0x3FB1];
	_ =	sdelay $0x3  }
0x36: {  	p1 =	seq.s32 s10, $0x1;
	s10 =	sld [smem:$0x3FB2];
	_ =	sdelay $0x3  }
0x37: {  	[smem:$0x3FB2] =	sst s10  }
0x38: {  	s10 =	sld [smem:$0x3FB3]  }
0x39: {  	_ = 	snop;
	(pc) =	sbr.ind lr, $3  }
0x3a: {  	_ = 	snop  }
0x3b: {  	_ = 	snop  }
0x3c: {  	p2 =	seq.s32 s10, $0x1;
	s10 =	sld [smem:$0x3FB2]  }
0x3d: {  	_ =	shalt  }
0x3e: {  	_ =	shalt  }
0x3f: {  	_ =	shalt  }
0x40: {  	_ =	shalt  }
0x41: {  	_ =	shalt  }
0x42: {  	_ =	shalt  }
0x43: {  	_ =	shalt  }
0x44: {  	_ =	shalt  }
0x45: {  	_ =	shalt  }
0x46: {  	_ =	shalt  }
0x47: {  	_ =	shalt  }
0x48: {  	_ =	shalt  }
0x49: {  	_ =	shalt  }
0x4a: {  	_ =	shalt  }
0x4b: {  	_ =	shalt  }
0x4c: {  	_ =	shalt  }
0x4d: {  	_ =	shalt  }
0x4e: {  	_ =	shalt  }
0x4f: {  	_ =	shalt  }
0x50: {  	_ =	shalt  }
0x51: {  	_ =	shalt  }
0x52: {  	_ =	shalt  }
0x53: {  	_ =	shalt  }
0x54: {  	_ =	shalt  }
0x55: {  	_ =	shalt  }
0x56: {  	_ =	shalt  }
0x57: {  	_ =	shalt  }
0x58: {  	_ =	shalt  }
0x59: {  	_ =	shalt  }
0x5a: {  	_ =	shalt  }
0x5b: {  	_ =	shalt  }
0x5c: {  	_ =	shalt  }
0x5d: {  	_ =	shalt  }
0x5e: {  	_ =	shalt  }
0x5f: {  	_ =	shalt  }
0x60: {  	_ =	shalt  }
0x61: {  	_ =	shalt  }
0x62: {  	_ =	shalt  }
0x63: {  	_ =	shalt  }
0x64: {  	_ =	shalt  }
0x65: {  	_ =	shalt  }
0x66: {  	_ =	shalt  }
0x67: {  	_ =	shalt  }
0x68: {  	_ =	shalt  }
0x69: {  	_ =	shalt  }
0x6a: {  	_ =	shalt  }
0x6b: {  	_ =	shalt  }
0x6c: {  	_ =	shalt  }
0x6d: {  	_ =	shalt  }
0x6e: {  	_ =	shalt  }
0x6f: {  	_ =	shalt  }
0x70: {  	_ =	shalt  }
0x71: {  	_ =	shalt  }
0x72: {  	_ =	shalt  }
0x73: {  	_ =	shalt  }
0x74: {  	_ =	shalt  }
0x75: {  	_ =	shalt  }
0x76: {  	_ =	shalt  }
0x77: {  	_ =	shalt  }
0x78: {  	_ =	shalt  }
0x79: {  	_ =	shalt  }
0x7a: {  	_ =	shalt  }
0x7b: {  	_ =	shalt  }
0x7c: {  	_ =	shalt  }
0x7d: {  	_ =	shalt  }
0x7e: {  	_ =	shalt  }
0x7f: {  	_ =	shalt  }
0x80: {  	_ =	shalt  }
0x81: {  	_ =	shalt  }
0x82: {  	_ =	shalt  }
0x83: {  	_ =	shalt  }
0x84: {  	_ =	shalt  }
0x85: {  	_ =	shalt  }
0x86: {  	_ =	shalt  }
0x87: {  	_ =	shalt  }
.Lfunc_end0:
.L_simem_size_0:
called_computation_lowered:
.L_overlay_start_0:
0x88: {  	s2 =	sld [smem:$0x3FD9]  }
0x89: {  	s3 =	sld [smem:$0x3FFE];
	_ =	sdelay $0x1  }
0x8a: {  	s1 =	srdreg.scid  }
0x8b: {  	s0 =	sand.u32 $0x1, s1  }
0x8c: {  	s16 =	sshll.u32 s0, $0xA;
	s2 =	sadd.s32 s3, s2  }
0x8d: {  	s2 =	sadd.s32 s2, s16  }
0x8e: {  	[smem:$0x3FBE] =	sst s2  }
0x8f: {  	_ = 	snop  }
0x90: {  	(tm) =	ssettm $0x1  }
0x91: {  	s17 =	sld [smem:$0x3FFB];
	_ =	sdelay $0x3  }
0x92: {  	_ =	strace s17  }
0x93: {  	s2 =	sld [smem:$0x3FFC];
	_ =	sdelay $0x3  }
0x94: {  	_ =	strace s2  }
0x95: {  	s2 =	sld [smem:$0x3FFD];
	_ =	sdelay $0x3  }
0x96: {  	_ =	strace s2  }
0x97: {  	_ =	strace $0x8FFFFFFF  }
0x98: {  	s18 =	sld [smem:$0x3FDB];
	_ =	sdelay $0x1  }
0x99: {  	s19 =	simm.s32 $_scs_section_size  }
0x9a: {  	s4 =	simm.s32 $_size__tile_overlayer_lowered;
	s5 =	simm.s32 $_tile_overlayer_lowered  }
0x9b: {  	s22 =	simm.s32 $0x1BFF;
	s21 =	sshll.u32 s5, $0x1;
	s2 =	sadd.s32 s19, s18  }
0x9c: {  	s6 =	simm.s32 $0x0;
	s20 =	sshll.u32 s4, $0x1;
	s4 =	sadd.s32 s21, s2  }
0x9d: {  	[timem:s6], [sflag:s22] =	dma.local [hbm:s4], s20  }
0x9e: {  	_ =	swait.ge [sflag:s22], s20  }
0x9f: {  	s3 =	ssub.s32 $0x0, s20;
	[sflag:s22] =	ssyncset.done $0x0  }
0xa0: {  	[sflag:s22] =	ssyncadd.s32 s3;
	_ =	sdelay $0x1  }
0xa1: {  	s23 =	simm.s32 $0x1B8B  }
0xa2: {  	_ =	swait.ge [sflag:s23], $0x1  }
0xa3: {  	[sflag:s23] =	ssyncset.done $0x0  }
0xa4: {  	s25 =	simm.s32 $0x1B8E;
	s24 =	sld [smem:$0x3FFE];
	[sflag:s23] =	ssyncadd.s32 $0xFFFFFFFF  }
0xa5: {  	s26 =	simm.s32 $execute0_lowered;
	[smem:$0x3FD2] =	sst s25  }
0xa6: {  	s4 =	sshll.u32 s26, $0x1;
	_ =	strace $0x80000046;
	[dreg:$0x1] =	wrdreg $0xFFFFFFFF  }
0xa7: {  	s28 =	simm.s32 $_size_execute0_lowered;
	s2 =	sadd.s32 s2, s4;
	[dreg:$0x0] =	wrdreg $0x0  }
0xa8: {  	s4 =	sshll.u32 s28, $0x1;
	[dreg:$0x2] =	wrdreg s2  }
0xa9: {  	[dreg:$0x3] =	wrdreg s4  }
0xaa: {  	[dreg:$0x4] =	wrdreg $0xC0  }
0xab: {  	_ =	task [dreg:s6], $0x5FFFF  }
0xac: {  	[dreg:$0x1] =	wrdreg $0xFFFFFFFF  }
0xad: {  	[dreg:$0x0] =	wrdreg $0x60  }
0xae: {  	[dreg:$0x2] =	wrdreg s24  }
0xaf: {  	[dreg:$0x3] =	wrdreg $0x55000  }
0xb0: {  	[dreg:$0x4] =	wrdreg $0x9  }
0xb1: {  	_ =	task.clear_ibuf [dreg:s6], $0x5FFFF;
	_ =	strace $0x90000046  }
0xb2: {  	s29 =	simm.s32 $0x9;
	_ =	strace $0x80000048  }
0xb3: {  	_ =	swait.ge [sflag:s29], $0x1  }
0xb4: {  	[sflag:s29] =	ssyncadd.s32 $0xFFFFFFFF  }
0xb5: {  	_ =	strace $0x90000048  }
0xb6: {  	_ =	sfence  }
0xb7: {  	s30 =	sld [smem:$0x0];
	_ =	sdelay $0x2  }
0xb8: {  	s31 =	sshll.u32 s1, $0xD;
	s1 =	sshrl.u32 s1, $0x2  }
0xb9: {  	s3 =	sand.u32 $0x4000, s31;
	s1 =	sadd.s32 s1, s30  }
0xba: {  	s0 =	sor.u32 s3, s0;
	s1 =	sshll.u32 s1, $0x11  }
0xbb: {  	s0 =	sor.u32 s1, s0  }
0xbc: {  	s0 =	sadd.s32 $0x8F2B, s0  }
0xbd: {  	[sflag:s0] =	ssyncadd.remote.s32 $0x1  }
0xbe: {  	_ =	sfence.sel $0xFFFF  }
0xbf: {  	[dreg:$0x0] =	wrdreg $0xFFFFFFFF;
	(pc) =	sbr.abs _section_cstart, $3  }
0xc0: {  	[dreg:$0x1] =	wrdreg $0xFFFFFFFF  }
0xc1: {  	_ =	task.clear_ibuf [dreg:s6], $0x2FFFF;
	_ =	strace $0x9FFFFFFF  }
0xc2: {  	(tm) =	ssettm $0x7FFFFFFF  }
0xc3: {  	_ =	shalt  }
tec
execute0_lowered:
.L_overlay_start_1:
0x0: {  	(tag) =	ssettag $0x1  }
0x1: {  	s3 =	rddreg [dreg:$0x0]  }
0x2: {  	s5 =	rddreg [dreg:$0x1]  }
0x3: {  	s2 =	srdreg.scid;
	s1 =	stileid.u32  }
0x4: {  	s0 =	rddreg [dreg:$0x2];
	s11 =	simm.s32 $0x400;
	s12 =	simm.s32 $0x5000  }
0x5: {  	s13 =	simm.s32 $0x100;
	s14 =	simm.s32 $0x5280;
	s15 =	simm.s32 $0x0  }
0x6: {  	s4 =	sand.u32 $0x1, s2;
	s6 =	smul.u32 $0x500, s1;
	s2 =	simm.s32 $0x0  }
0x7: {  	s8 =	sshll.u32 s1, $0x1;
	s29 =	sshrl.u32 s1, $0x3;
	s30 =	smul.u32 $0x5000, s1  }
0x8: {  	s31 =	sshll.u32 s1, $0x7;
	s7 =	sshll.u32 s4, $0x7;
	[smem:$0x7FF] =	sst s2  }
0x9: {  	s28 =	sor.u32 s4, s8;
	s4 =	ssub.s32 $0x2, s4;
	s8 =	smul.u32 $0x50000, s29  }
0xa: {  	s6 =	sor.u32 s7, s6;
	_ =	strace $0x80000047;
	s7 =	smul.u32 $0x2800, s28  }
0xb: {  	s9 =	sshrl.u32 s4, $0x1;
	s10 =	sshrl.u32 s30, $0x2;
	s6 =	sshrl.u32 s6, $0x3  }
0xc: {  	s9 =	ssub.s32 s4, s9;
	s8 =	sshrl.u32 s8, $0x2;
	s6 =	sadd.s32 s6, s3  }
0xd: {  	s7 =	sshrl.u32 s7, $0x3;
	s8 =	sadd.s32 s8, s5;
	s5 =	sadd.s32 s10, s5  }
0xe: {  	s10 =	simm.s32 $0x80;
	s3 =	sadd.s32 s3, s7;
	s7 =	sand.u32 $0x380, s31  }
0xf: {  	s6 =	sadd.s32 $0x17400, s6;
	s3 =	sadd.s32 $0xD400, s3;
	s4 =	sadd.s32 s7, s8  }
0x10: {  	v0 =	vimm.f32 $0.0e+00;
	s7 =	smax.u32 s9, $0x1;
	s8 =	simm.s32 $0x2800;
	s9 =	simm.s32 $0x1  }
.LBB2_1:
0x11: {  	s16 =	simm.s32 $0x40;
	s17 =	simm.s32 $0x0  }
.LBB2_2:
0x12: {  	p0 =	sne.s32 s16, $0x9FC0;
	[tilespmem:s17+$0x0] =	vst v0;
	s17 =	smov.u32 s16;
	s16 =	sadd.s32 $0x40, s16  }
.Ltmp0:
0x13: {  	(pc) =	sbr.rel @p0 .LBB2_2-.Ltmp0, $2  }
0x14: {  	_ =	sdelay $0x2  }
0x15: {  	s17 =	sshra.s32 s17, $0x2  }
0x16: {  	[tilespmem:s17+$0x0] =	vst v0  }
0x17: {  	[tilespmem:s8], [sflag:$0x1] =	stream.linear.gather [hbm4b:s3+s2], $0x2800, $0x38;
	[tilespmem:$0x7D00] =	vst v63  }
0x18: {  	_ =	swait.ge [sflag:s9], $0x2800  }
0x19: {  	[sflag:s9] =	ssyncset.done $0x0  }
0x1a: {  	s19 =	simm.s32 $0x2900;
	[sflag:s9] =	ssyncadd.s32 $0xFFFFD800  }
0x1b: {  	v1 =	vld [tilespmem:s19+$0x80];
	_ =	sdelay $0x4  }
0x1c: {  	(xrf1) =	vunique.msk.u32 $0xffff, v1  }
0x1d: {  	v2 =	vld [tilespmem:s19+$0xFFFFFF80]  }
0x1e: {  	v3 =	vld [tilespmem:s19+$0x0]  }
0x1f: {  	v4 =	vld [tilespmem:s19+$0xFFFFFF00];
	_ =	sdelay $0x2  }
0x20: {  	(xrf1) =	vunique.msk.u32 $0xffff, v2  }
0x21: {  	(xrf1) =	vunique.msk.u32 $0xffff, v3  }
0x22: {  	(xrf1) =	vunique.msk.u32 $0xffff, v4;
	_ =	sdelay $0x5  }
0x23: {  	_, v5, vm0 =	vpop (xrf1);
	_ =	sdelay $0x3  }
0x24: {  	v5 =	vcvt.s32.f32 v5;
	_ =	sdelay $0x1  }
0x25: {  	_, v6, vm1 =	vpop (xrf1);
	[tilespmem:v1+s2+$0x0] =	vst.idx.add.f32.msk vm0, v5  }
0x26: {  	_, v7, vm2 =	vpop (xrf1);
	v1 =	vld [tilespmem:s19+$0x90]  }
0x27: {  	_, v8, vm3 =	vpop (xrf1);
	_ =	sdelay $0x1  }
0x28: {  	v5 =	vcvt.s32.f32 v6  }
0x29: {  	v7 =	vcvt.s32.f32 v7  }
0x2a: {  	v6 =	vcvt.s32.f32 v8;
	[tilespmem:v2+s2+$0x0] =	vst.idx.add.f32.msk vm1, v5;
	(xrf1) =	vunique.msk.u32 $0xffff, v1  }
0x2b: {  	[tilespmem:v3+s2+$0x0] =	vst.idx.add.f32.msk vm2, v7  }
0x2c: {  	[tilespmem:v4+s2+$0x0] =	vst.idx.add.f32.msk vm3, v6  }
0x2d: {  	v2 =	vld [tilespmem:s19+$0xFFFFFF10]  }
0x2e: {  	v3 =	vld [tilespmem:s19+$0xFFFFFF90];
	_ =	sdelay $0x1  }
0x2f: {  	v4 =	vld [tilespmem:s19+$0x10];
	_ =	sdelay $0x1  }
0x30: {  	(xrf1) =	vunique.msk.u32 $0xffff, v2  }
0x31: {  	(xrf1) =	vunique.msk.u32 $0xffff, v3;
	_ =	sdelay $0x1  }
0x32: {  	(xrf1) =	vunique.msk.u32 $0xffff, v4;
	_ =	sdelay $0x2  }
0x33: {  	_, v5, vm0 =	vpop (xrf1);
	_ =	sdelay $0x3  }
0x34: {  	v5 =	vcvt.s32.f32 v5;
	_ =	sdelay $0x1  }
0x35: {  	[tilespmem:v1+s2+$0x0] =	vst.idx.add.f32.msk vm0, v5  }
0x36: {  	v5 =	vld [tilespmem:s19+$0xA0]  }
0x37: {  	_, v1, vm0 =	vpop (xrf1)  }
0x38: {  	_, v6, vm1 =	vpop (xrf1);
	_ =	sdelay $0x1  }
0x39: {  	_, v7, vm2 =	vpop (xrf1)  }
0x3a: {  	v1 =	vcvt.s32.f32 v1;
	(xrf1) =	vunique.msk.u32 $0xffff, v5  }
0x3b: {  	v6 =	vcvt.s32.f32 v6  }
0x3c: {  	[tilespmem:v2+s2+$0x0] =	vst.idx.add.f32.msk vm0, v1  }
0x3d: {  	v7 =	vcvt.s32.f32 v7;
	[tilespmem:v3+s2+$0x0] =	vst.idx.add.f32.msk vm1, v6  }
0x3e: {  	v1 =	vld [tilespmem:s19+$0xFFFFFF20]  }
0x3f: {  	[tilespmem:v4+s2+$0x0] =	vst.idx.add.f32.msk vm2, v7  }
0x40: {  	v2 =	vld [tilespmem:s19+$0xFFFFFFA0]  }
0x41: {  	s16 =	simm.s32 $0x2B00;
	v3 =	vld [tilespmem:s19+$0x20]  }
0x42: {  	v4 =	vld [tilespmem:s16+$0x80];
	_ =	sdelay $0x1  }
0x43: {  	(xrf1) =	vunique.msk.u32 $0xffff, v1  }
0x44: {  	(xrf1) =	vunique.msk.u32 $0xffff, v2  }
0x45: {  	v6 =	vld [tilespmem:s16+$0xFFFFFF80];
	(xrf1) =	vunique.msk.u32 $0xffff, v3  }
0x46: {  	v7 =	vld [tilespmem:s16+$0x0];
	(xrf1) =	vunique.msk.u32 $0xffff, v4  }
0x47: {  	v8 =	vld [tilespmem:s16+$0xFFFFFF00];
	_, v9, vm0 =	vpop (xrf1);
	_ =	sdelay $0x2  }
0x48: {  	(xrf1) =	vunique.msk.u32 $0xffff, v6  }
0x49: {  	(xrf1) =	vunique.msk.u32 $0xffff, v7;
	v9 =	vcvt.s32.f32 v9  }
0x4a: {  	(xrf1) =	vunique.msk.u32 $0xffff, v8  }
0x4b: {  	[tilespmem:v5+s2+$0x0] =	vst.idx.add.f32.msk vm0, v9  }
0x4c: {  	v5 =	vld [tilespmem:s19+$0xB0];
	_ =	sdelay $0x2  }
0x4d: {  	_, v9, vm0 =	vpop (xrf1)  }
0x4e: {  	_, v10, vm1 =	vpop (xrf1)  }
0x4f: {  	_, v11, vm2 =	vpop (xrf1);
	(xrf1) =	vunique.msk.u32 $0xffff, v5  }
0x50: {  	_, v12, vm3 =	vpop (xrf1);
	_ =	sdelay $0x1  }
0x51: {  	v9 =	vcvt.s32.f32 v9;
	_ =	sdelay $0x1  }
0x52: {  	[tilespmem:v1+s2+$0x0] =	vst.idx.add.f32.msk vm0, v9;
	_, v1, vm0 =	vpop (xrf1);
	v9 =	vcvt.s32.f32 v12  }
0x53: {  	_, v12, vm4 =	vpop (xrf1);
	v13 =	vld [tilespmem:s19+$0xFFFFFF30]  }
0x54: {  	_, v14, vm5 =	vpop (xrf1);
	[tilespmem:v4+s2+$0x0] =	vst.idx.add.f32.msk vm3, v9;
	v9 =	vcvt.s32.f32 v10  }
0x55: {  	v4 =	vld [tilespmem:s16+$0x90]  }
0x56: {  	v1 =	vcvt.s32.f32 v1;
	[tilespmem:v2+s2+$0x0] =	vst.idx.add.f32.msk vm1, v9;
	v2 =	vcvt.s32.f32 v14  }
0x57: {  	v9 =	vcvt.s32.f32 v12  }
0x58: {  	(xrf1) =	vunique.msk.u32 $0xffff, v13;
	[tilespmem:v6+s2+$0x0] =	vst.idx.add.f32.msk vm0, v1  }
0x59: {  	[tilespmem:v7+s2+$0x0] =	vst.idx.add.f32.msk vm4, v9  }
0x5a: {  	[tilespmem:v8+s2+$0x0] =	vst.idx.add.f32.msk vm5, v2;
	(xrf1) =	vunique.msk.u32 $0xffff, v4  }
0x5b: {  	v1 =	vld [tilespmem:s16+$0xFFFFFF10];
	_, v2, vm0 =	vpop (xrf1)  }
0x5c: {  	v6 =	vcvt.s32.f32 v11;
	v7 =	vld [tilespmem:s16+$0xFFFFFF90]  }
0x5d: {  	v8 =	vld [tilespmem:s16+$0x10]  }
0x5e: {  	[tilespmem:v3+s2+$0x0] =	vst.idx.add.f32.msk vm2, v6  }
0x5f: {  	v3 =	vld [tilespmem:s19+$0xFFFFFFB0];
	v2 =	vcvt.s32.f32 v2  }
0x60: {  	v6 =	vld [tilespmem:s19+$0x30];
	(xrf1) =	vunique.msk.u32 $0xffff, v1  }
0x61: {  	(xrf1) =	vunique.msk.u32 $0xffff, v7;
	[tilespmem:v5+s2+$0x0] =	vst.idx.add.f32.msk vm0, v2  }
0x62: {  	v2 =	vld [tilespmem:s19+$0xC0]  }
0x63: {  	(xrf1) =	vunique.msk.u32 $0xffff, v8;
	_ =	sdelay $0x1  }
0x64: {  	(xrf1) =	vunique.msk.u32 $0xffff, v3  }
0x65: {  	(xrf1) =	vunique.msk.u32 $0xffff, v6;
	_, v5, vm0 =	vpop (xrf1)  }
0x66: {  	(xrf1) =	vunique.msk.u32 $0xffff, v2  }
0x67: {  	_, v9, vm1 =	vpop (xrf1);
	_ =	sdelay $0x1  }
0x68: {  	v5 =	vcvt.s32.f32 v5;
	_ =	sdelay $0x1  }
0x69: {  	v9 =	vcvt.s32.f32 v9;
	[tilespmem:v13+s2+$0x0] =	vst.idx.add.f32.msk vm0, v5  }
0x6a: {  	v5 =	vld [tilespmem:s19+$0xFFFFFF40]  }
0x6b: {  	[tilespmem:v4+s2+$0x0] =	vst.idx.add.f32.msk vm1, v9;
	_, v4, vm0 =	vpop (xrf1)  }
0x6c: {  	v9 =	vld [tilespmem:s16+$0xA0];
	_, v10, vm1 =	vpop (xrf1);
	_ =	sdelay $0x1  }
0x6d: {  	_, v11, vm2 =	vpop (xrf1)  }
0x6e: {  	v4 =	vcvt.s32.f32 v4;
	(xrf1) =	vunique.msk.u32 $0xffff, v5  }
0x6f: {  	v10 =	vcvt.s32.f32 v10;
	_, v12, vm3 =	vpop (xrf1)  }
0x70: {  	_, v13, vm4 =	vpop (xrf1);
	(xrf1) =	vunique.msk.u32 $0xffff, v9;
	[tilespmem:v1+s2+$0x0] =	vst.idx.add.f32.msk vm0, v4  }
0x71: {  	v11 =	vcvt.s32.f32 v11;
	[tilespmem:v7+s2+$0x0] =	vst.idx.add.f32.msk vm1, v10;
	_, v1, vm0 =	vpop (xrf1)  }
0x72: {  	v4 =	vld [tilespmem:s16+$0xFFFFFF20]  }
0x73: {  	[tilespmem:v8+s2+$0x0] =	vst.idx.add.f32.msk vm2, v11  }
0x74: {  	v7 =	vld [tilespmem:s16+$0xFFFFFFA0]  }
0x75: {  	s17 =	simm.s32 $0x2D00;
	v8 =	vld [tilespmem:s16+$0x20];
	v1 =	vcvt.s32.f32 v1  }
0x76: {  	v10 =	vld [tilespmem:s17+$0x80]  }
0x77: {  	[tilespmem:v2+s2+$0x0] =	vst.idx.add.f32.msk vm0, v1  }
0x78: {  	(xrf1) =	vunique.msk.u32 $0xffff, v4;
	v1 =	vld [tilespmem:s19+$0xD0]  }
0x79: {  	(xrf1) =	vunique.msk.u32 $0xffff, v7  }
0x7a: {  	(xrf1) =	vunique.msk.u32 $0xffff, v8  }
0x7b: {  	(xrf1) =	vunique.msk.u32 $0xffff, v10;
	v2 =	vld [tilespmem:s17+$0xFFFFFF80]  }
0x7c: {  	v12 =	vcvt.s32.f32 v12;
	v11 =	vld [tilespmem:s17+$0x0];
	_, v15, vm0 =	vpop (xrf1)  }
0x7d: {  	v14 =	vld [tilespmem:s17+$0xFFFFFF00];
	v13 =	vcvt.s32.f32 v13;
	(xrf1) =	vunique.msk.u32 $0xffff, v1  }
0x7e: {  	[tilespmem:v3+s2+$0x0] =	vst.idx.add.f32.msk vm3, v12;
	_, v3, vm1 =	vpop (xrf1)  }
0x7f: {  	[tilespmem:v6+s2+$0x0] =	vst.idx.add.f32.msk vm4, v13  }
0x80: {  	v12 =	vld [tilespmem:s19+$0xFFFFFFC0];
	v6 =	vcvt.s32.f32 v15;
	(xrf1) =	vunique.msk.u32 $0xffff, v2  }
0x81: {  	v13 =	vld [tilespmem:s19+$0x40];
	(xrf1) =	vunique.msk.u32 $0xffff, v11  }
0x82: {  	v3 =	vcvt.s32.f32 v3;
	[tilespmem:v5+s2+$0x0] =	vst.idx.add.f32.msk vm0, v6;
	(xrf1) =	vunique.msk.u32 $0xffff, v14  }
0x83: {  	v5 =	vld [tilespmem:s19+$0xFFFFFF50]  }
0x84: {  	[tilespmem:v9+s2+$0x0] =	vst.idx.add.f32.msk vm1, v3  }
0x85: {  	v3 =	vld [tilespmem:s16+$0xB0]  }
0x86: {  	_, v6, vm2 =	vpop (xrf1)  }
0x87: {  	(xrf1) =	vunique.msk.u32 $0xffff, v12;
	_, v9, vm1 =	vpop (xrf1)  }
0x88: {  	(xrf1) =	vunique.msk.u32 $0xffff, v13;
	_, v15, vm0 =	vpop (xrf1)  }
0x89: {  	(xrf1) =	vunique.msk.u32 $0xffff, v5;
	_, v16, vm3 =	vpop (xrf1)  }
0x8a: {  	v6 =	vcvt.s32.f32 v6;
	(xrf1) =	vunique.msk.u32 $0xffff, v3  }
0x8b: {  	_, v17, vm4 =	vpop (xrf1);
	_ =	sdelay $0x1  }
0x8c: {  	[tilespmem:v4+s2+$0x0] =	vst.idx.add.f32.msk vm2, v6;
	v4 =	vcvt.s32.f32 v16  }
0x8d: {  	v19 =	vld [tilespmem:s16+$0xFFFFFF30];
	_, v18, vm5 =	vpop (xrf1)  }
0x8e: {  	[tilespmem:v10+s2+$0x0] =	vst.idx.add.f32.msk vm3, v4;
	v4 =	vcvt.s32.f32 v17;
	_, v6, vm2 =	vpop (xrf1)  }
0x8f: {  	v10 =	vld [tilespmem:s17+$0x90];
	_, v16, vm6 =	vpop (xrf1)  }
0x90: {  	[tilespmem:v1+s2+$0x0] =	vst.idx.add.f32.msk vm4, v4;
	v1 =	vcvt.s32.f32 v16  }
0x91: {  	v17 =	vcvt.s32.f32 v18;
	v6 =	vcvt.s32.f32 v6  }
0x92: {  	v4 =	vld [tilespmem:s19+$0xE0]  }
0x93: {  	(xrf1) =	vunique.msk.u32 $0xffff, v19;
	[tilespmem:v2+s2+$0x0] =	vst.idx.add.f32.msk vm5, v17  }
0x94: {  	_, v2, vm3 =	vpop (xrf1);
	[tilespmem:v11+s2+$0x0] =	vst.idx.add.f32.msk vm2, v6  }
0x95: {  	(xrf1) =	vunique.msk.u32 $0xffff, v10;
	[tilespmem:v14+s2+$0x0] =	vst.idx.add.f32.msk vm6, v1;
	_, v1, vm4 =	vpop (xrf1)  }
0x96: {  	v11 =	vld [tilespmem:s17+$0xFFFFFF10];
	_, v6, vm2 =	vpop (xrf1)  }
0x97: {  	v9 =	vcvt.s32.f32 v9;
	v14 =	vld [tilespmem:s17+$0xFFFFFF90];
	_, v16, vm5 =	vpop (xrf1)  }
0x98: {  	v15 =	vcvt.s32.f32 v15;
	v17 =	vld [tilespmem:s17+$0x10];
	(xrf1) =	vunique.msk.u32 $0xffff, v4  }
0x99: {  	[tilespmem:v7+s2+$0x0] =	vst.idx.add.f32.msk vm1, v9  }
0x9a: {  	[tilespmem:v8+s2+$0x0] =	vst.idx.add.f32.msk vm0, v15  }
0x9b: {  	v7 =	vld [tilespmem:s16+$0xFFFFFFB0];
	v8 =	vcvt.s32.f32 v16;
	(xrf1) =	vunique.msk.u32 $0xffff, v11  }
0x9c: {  	v9 =	vld [tilespmem:s16+$0x30];
	v2 =	vcvt.s32.f32 v2;
	(xrf1) =	vunique.msk.u32 $0xffff, v14  }
0x9d: {  	(xrf1) =	vunique.msk.u32 $0xffff, v17;
	[tilespmem:v3+s2+$0x0] =	vst.idx.add.f32.msk vm5, v8  }
0x9e: {  	v3 =	vld [tilespmem:s16+$0xC0];
	_ =	sdelay $0x1  }
0x9f: {  	v1 =	vcvt.s32.f32 v1  }
0xa0: {  	[tilespmem:v12+s2+$0x0] =	vst.idx.add.f32.msk vm3, v2;
	_, v2, vm0 =	vpop (xrf1);
	(xrf1) =	vunique.msk.u32 $0xffff, v7  }
0xa1: {  	[tilespmem:v13+s2+$0x0] =	vst.idx.add.f32.msk vm4, v1;
	(xrf1) =	vunique.msk.u32 $0xffff, v9  }
0xa2: {  	v1 =	vcvt.s32.f32 v6;
	v6 =	vld [tilespmem:s19+$0xFFFFFFD0];
	_, v8, vm1 =	vpop (xrf1);
	(xrf1) =	vunique.msk.u32 $0xffff, v3  }
0xa3: {  	v12 =	vld [tilespmem:s19+$0x50];
	v8 =	vcvt.s32.f32 v8  }
0xa4: {  	[tilespmem:v5+s2+$0x0] =	vst.idx.add.f32.msk vm2, v1;
	v1 =	vcvt.s32.f32 v2  }
0xa5: {  	v2 =	vld [tilespmem:s19+$0xFFFFFF60];
	_, v5, vm2 =	vpop (xrf1)  }
0xa6: {  	[tilespmem:v19+s2+$0x0] =	vst.idx.add.f32.msk vm0, v1  }
0xa7: {  	v1 =	vld [tilespmem:s16+$0xFFFFFF40]  }
0xa8: {  	[tilespmem:v10+s2+$0x0] =	vst.idx.add.f32.msk vm1, v8;
	_, v8, vm0 =	vpop (xrf1)  }
0xa9: {  	v5 =	vcvt.s32.f32 v5;
	_, v13, vm1 =	vpop (xrf1)  }
0xaa: {  	(xrf1) =	vunique.msk.u32 $0xffff, v6;
	v10 =	vld [tilespmem:s17+$0xA0];
	v8 =	vcvt.s32.f32 v8;
	_, v15, vm3 =	vpop (xrf1)  }
0xab: {  	(xrf1) =	vunique.msk.u32 $0xffff, v12;
	[tilespmem:v4+s2+$0x0] =	vst.idx.add.f32.msk vm2, v5;
	v4 =	vcvt.s32.f32 v13  }
0xac: {  	(xrf1) =	vunique.msk.u32 $0xffff, v2  }
0xad: {  	(xrf1) =	vunique.msk.u32 $0xffff, v1;
	v13 =	vld [tilespmem:s19+$0xF0]  }
0xae: {  	v5 =	vcvt.s32.f32 v15;
	_, v15, vm2 =	vpop (xrf1);
	[tilespmem:v11+s2+$0x0] =	vst.idx.add.f32.msk vm0, v8  }
0xaf: {  	(xrf1) =	vunique.msk.u32 $0xffff, v10;
	_, v8, vm0 =	vpop (xrf1);
	[tilespmem:v14+s2+$0x0] =	vst.idx.add.f32.msk vm1, v4  }
0xb0: {  	[tilespmem:v17+s2+$0x0] =	vst.idx.add.f32.msk vm3, v5;
	_, v4, vm1 =	vpop (xrf1)  }
0xb1: {  	v5 =	vld [tilespmem:s17+$0xFFFFFF20]  }
0xb2: {  	v11 =	vld [tilespmem:s17+$0xFFFFFFA0];
	_ =	sdelay $0x1  }
0xb3: {  	s18 =	simm.s32 $0x2F00;
	v14 =	vld [tilespmem:s17+$0x20];
	v4 =	vcvt.s32.f32 v4  }
0xb4: {  	v16 =	vld [tilespmem:s18+$0x80];
	(xrf1) =	vunique.msk.u32 $0xffff, v13  }
0xb5: {  	(xrf1) =	vunique.msk.u32 $0xffff, v5;
	[tilespmem:v3+s2+$0x0] =	vst.idx.add.f32.msk vm1, v4  }
0xb6: {  	(xrf1) =	vunique.msk.u32 $0xffff, v11;
	v4 =	vld [tilespmem:s16+$0xD0]  }
0xb7: {  	_, v3, vm3 =	vpop (xrf1)  }
0xb8: {  	v20 =	vld [tilespmem:s18+$0x0];
	(xrf1) =	vunique.msk.u32 $0xffff, v14;
	_, v17, vm4 =	vpop (xrf1)  }
0xb9: {  	v18 =	vld [tilespmem:s18+$0xFFFFFF80];
	v15 =	vcvt.s32.f32 v15;
	(xrf1) =	vunique.msk.u32 $0xffff, v16;
	_, v19, vm1 =	vpop (xrf1)  }
0xba: {  	v21 =	vld [tilespmem:s18+$0xFFFFFF00];
	v8 =	vcvt.s32.f32 v8;
	_, v22, vm5 =	vpop (xrf1)  }
0xbb: {  	[tilespmem:v7+s2+$0x0] =	vst.idx.add.f32.msk vm2, v15;
	(xrf1) =	vunique.msk.u32 $0xffff, v4  }
0xbc: {  	[tilespmem:v9+s2+$0x0] =	vst.idx.add.f32.msk vm0, v8;
	_, v7, vm2 =	vpop (xrf1)  }
0xbd: {  	v9 =	vld [tilespmem:s16+$0xFFFFFFC0];
	v3 =	vcvt.s32.f32 v3;
	v8 =	vcvt.s32.f32 v22  }
0xbe: {  	v15 =	vld [tilespmem:s16+$0x40];
	(xrf1) =	vunique.msk.u32 $0xffff, v18  }
0xbf: {  	[tilespmem:v6+s2+$0x0] =	vst.idx.add.f32.msk vm3, v3;
	(xrf1) =	vunique.msk.u32 $0xffff, v20  }
0xc0: {  	v7 =	vcvt.s32.f32 v7;
	(xrf1) =	vunique.msk.u32 $0xffff, v21;
	[tilespmem:v1+s2+$0x0] =	vst.idx.add.f32.msk vm5, v8  }
0xc1: {  	v1 =	vld [tilespmem:s16+$0xFFFFFF50]  }
0xc2: {  	_, v8, vm0 =	vpop (xrf1);
	[tilespmem:v10+s2+$0x0] =	vst.idx.add.f32.msk vm2, v7;
	v7 =	vcvt.s32.f32 v17  }
0xc3: {  	v10 =	vld [tilespmem:s17+$0xB0];
	_, v3, vm2 =	vpop (xrf1)  }
0xc4: {  	[tilespmem:v12+s2+$0x0] =	vst.idx.add.f32.msk vm4, v7;
	_, v6, vm3 =	vpop (xrf1);
	v3 =	vcvt.s32.f32 v3  }
0xc5: {  	(xrf1) =	vunique.msk.u32 $0xffff, v9;
	v7 =	vcvt.s32.f32 v19;
	v12 =	vld [tilespmem:s19+$0xFFFFFFE0]  }
0xc6: {  	(xrf1) =	vunique.msk.u32 $0xffff, v15;
	v19 =	vld [tilespmem:s19+$0x60];
	_, v17, vm4 =	vpop (xrf1)  }
0xc7: {  	[tilespmem:v2+s2+$0x0] =	vst.idx.add.f32.msk vm1, v7;
	(xrf1) =	vunique.msk.u32 $0xffff, v1;
	_, v2, vm1 =	vpop (xrf1)  }
0xc8: {  	v6 =	vcvt.s32.f32 v6;
	v22 =	vld [tilespmem:s19+$0xFFFFFF70];
	(xrf1) =	vunique.msk.u32 $0xffff, v10  }
0xc9: {  	v7 =	vcvt.s32.f32 v17;
	[tilespmem:v5+s2+$0x0] =	vst.idx.add.f32.msk vm2, v3;
	_, v3, vm2 =	vpop (xrf1)  }
0xca: {  	[tilespmem:v11+s2+$0x0] =	vst.idx.add.f32.msk vm3, v6  }
0xcb: {  	v2 =	vcvt.s32.f32 v2;
	v11 =	vld [tilespmem:s17+$0xFFFFFF30]  }
0xcc: {  	[tilespmem:v14+s2+$0x0] =	vst.idx.add.f32.msk vm4, v7;
	_, v5, vm5 =	vpop (xrf1)  }
0xcd: {  	[tilespmem:v16+s2+$0x0] =	vst.idx.add.f32.msk vm1, v2;
	v2 =	vcvt.s32.f32 v3;
	_, v6, vm3 =	vpop (xrf1)  }
0xce: {  	v8 =	vcvt.s32.f32 v8;
	(xrf1) =	vunique.msk.u32 $0xffff, v12;
	v3 =	vld [tilespmem:s18+$0x90];
	v5 =	vcvt.s32.f32 v5;
	_, v7, vm4 =	vpop (xrf1)  }
0xcf: {  	(xrf1) =	vunique.msk.u32 $0xffff, v19;
	[tilespmem:v4+s2+$0x0] =	vst.idx.add.f32.msk vm2, v2;
	v2 =	vcvt.s32.f32 v7  }
0xd0: {  	[tilespmem:v13+s2+$0x0] =	vst.idx.add.f32.msk vm0, v8;
	v4 =	vcvt.s32.f32 v6  }
0xd1: {  	(xrf1) =	vunique.msk.u32 $0xffff, v22;
	v14 =	vld [tilespmem:s16+$0xE0]  }
0xd2: {  	(xrf1) =	vunique.msk.u32 $0xffff, v11;
	[tilespmem:v18+s2+$0x0] =	vst.idx.add.f32.msk vm5, v5  }
0xd3: {  	_, v5, vm1 =	vpop (xrf1);
	[tilespmem:v20+s2+$0x0] =	vst.idx.add.f32.msk vm3, v4  }
0xd4: {  	(xrf1) =	vunique.msk.u32 $0xffff, v3;
	[tilespmem:v21+s2+$0x0] =	vst.idx.add.f32.msk vm4, v2;
	_, v2, vm2 =	vpop (xrf1)  }
0xd5: {  	v16 =	vld [tilespmem:s18+$0xFFFFFF10];
	_, v4, vm3 =	vpop (xrf1)  }
0xd6: {  	v17 =	vld [tilespmem:s18+$0xFFFFFF90];
	_, v6, vm4 =	vpop (xrf1);
	(xrf1) =	vunique.msk.u32 $0xffff, v14  }
0xd7: {  	v18 =	vld [tilespmem:s18+$0x10];
	v2 =	vcvt.s32.f32 v2  }
0xd8: {  	v7 =	vcvt.s32.f32 v5;
	v20 =	vld [tilespmem:s17+$0xFFFFFFB0]  }
0xd9: {  	v5 =	vld [tilespmem:s17+$0x30]  }
0xda: {  	[tilespmem:v9+s2+$0x0] =	vst.idx.add.f32.msk vm1, v7;
	v6 =	vcvt.s32.f32 v6;
	(xrf1) =	vunique.msk.u32 $0xffff, v16  }
0xdb: {  	(xrf1) =	vunique.msk.u32 $0xffff, v17;
	[tilespmem:v15+s2+$0x0] =	vst.idx.add.f32.msk vm2, v2  }
0xdc: {  	(xrf1) =	vunique.msk.u32 $0xffff, v18;
	_, v2, vm2 =	vpop (xrf1);
	[tilespmem:v10+s2+$0x0] =	vst.idx.add.f32.msk vm4, v6  }
0xdd: {  	v4 =	vcvt.s32.f32 v4;
	_, v9, vm4 =	vpop (xrf1);
	v10 =	vld [tilespmem:s17+$0xC0]  }
0xde: {  	v7 =	vld [tilespmem:s16+$0xFFFFFFD0]  }
0xdf: {  	[tilespmem:v1+s2+$0x0] =	vst.idx.add.f32.msk vm3, v4;
	_, v21, vm1 =	vpop (xrf1)  }
0xe0: {  	(xrf1) =	vunique.msk.u32 $0xffff, v20;
	v1 =	vcvt.s32.f32 v2;
	v6 =	vld [tilespmem:s16+$0x50];
	_, v2, vm3 =	vpop (xrf1)  }
0xe1: {  	v4 =	vld [tilespmem:s16+$0xFFFFFF60];
	v8 =	vcvt.s32.f32 v9;
	(xrf1) =	vunique.msk.u32 $0xffff, v5  }
0xe2: {  	_, v9, vm0 =	vpop (xrf1);
	[tilespmem:v12+s2+$0x0] =	vst.idx.add.f32.msk vm2, v1;
	(xrf1) =	vunique.msk.u32 $0xffff, v10  }
0xe3: {  	[tilespmem:v19+s2+$0x0] =	vst.idx.add.f32.msk vm4, v8;
	v8 =	vcvt.s32.f32 v2  }
0xe4: {  	v9 =	vcvt.s32.f32 v9;
	v2 =	vld [tilespmem:s19+$0xFFFFFFF0];
	(xrf1) =	vunique.msk.u32 $0xffff, v7;
	_, v12, vm2 =	vpop (xrf1)  }
0xe5: {  	v1 =	vld [tilespmem:s19+$0x70];
	(xrf1) =	vunique.msk.u32 $0xffff, v6  }
0xe6: {  	[tilespmem:v11+s2+$0x0] =	vst.idx.add.f32.msk vm3, v8;
	(xrf1) =	vunique.msk.u32 $0xffff, v4  }
0xe7: {  	v11 =	vld [tilespmem:s17+$0xFFFFFF40]  }
0xe8: {  	[tilespmem:v3+s2+$0x0] =	vst.idx.add.f32.msk vm0, v9;
	v3 =	vcvt.s32.f32 v12;
	_, v8, vm3 =	vpop (xrf1)  }
0xe9: {  	v13 =	vcvt.s32.f32 v21;
	v15 =	vld [tilespmem:s18+$0xA0];
	(xrf1) =	vunique.msk.u32 $0xffff, v2;
	_, v9, vm0 =	vpop (xrf1)  }
0xea: {  	v8 =	vcvt.s32.f32 v8;
	(xrf1) =	vunique.msk.u32 $0xffff, v1;
	_, v12, vm4 =	vpop (xrf1);
	[tilespmem:v14+s2+$0x0] =	vst.idx.add.f32.msk vm2, v3  }
0xeb: {  	v9 =	vcvt.s32.f32 v9;
	v3 =	vld [tilespmem:s16+$0xF0]  }
0xec: {  	(xrf1) =	vunique.msk.u32 $0xffff, v11  }
0xed: {  	[tilespmem:v22+s2+$0x0] =	vst.idx.add.f32.msk vm1, v13  }
0xee: {  	v12 =	vcvt.s32.f32 v12;
	_, v13, vm1 =	vpop (xrf1);
	(xrf1) =	vunique.msk.u32 $0xffff, v15;
	[tilespmem:v16+s2+$0x0] =	vst.idx.add.f32.msk vm3, v8  }
0xef: {  	v19 =	vcvt.s32.f32 v13;
	_, v8, vm2 =	vpop (xrf1);
	[tilespmem:v17+s2+$0x0] =	vst.idx.add.f32.msk vm0, v9  }
0xf0: {  	[tilespmem:v18+s2+$0x0] =	vst.idx.add.f32.msk vm4, v12;
	_, v9, vm6 =	vpop (xrf1);
	(xrf1) =	vunique.msk.u32 $0xffff, v3  }
0xf1: {  	v12 =	vld [tilespmem:s18+$0xFFFFFF20]  }
0xf2: {  	v13 =	vld [tilespmem:s18+$0xFFFFFFA0];
	_, v14, vm4 =	vpop (xrf1)  }
0xf3: {  	v18 =	vcvt.s32.f32 v8;
	v16 =	vcvt.s32.f32 v14;
	_, v8, vm5 =	vpop (xrf1);
	v14 =	vld [tilespmem:s18+$0x20]  }
0xf4: {  	s20 =	simm.s32 $0x3100;
	s19 =	simm.s32 $0xC;
	[tilespmem:v20+s2+$0x0] =	vst.idx.add.f32.msk vm1, v19;
	v20 =	vcvt.s32.f32 v9;
	v17 =	vcvt.s32.f32 v8;
	_, v19, vm3 =	vpop (xrf1)  }
.LBB2_4:
0xf5: {  	v21 =	vld [tilespmem:s20+$0x80];
	s19 =	sadd.s32 $0x4, s19;
	v9 =	vcvt.s32.f32 v19  }
0xf6: {  	p0 =	slt.u32 s19, $0x4C;
	(xrf1) =	vunique.msk.u32 $0xffff, v12;
	[tilespmem:v10+s2+$0x0] =	vst.idx.add.f32.msk vm6, v20  }
0xf7: {  	(xrf1) =	vunique.msk.u32 $0xffff, v13;
	v10 =	vld [tilespmem:s17+$0xD0];
	_, v8, vm1 =	vpop (xrf1)  }
0xf8: {  	v19 =	vld [tilespmem:s20+$0xFFFFFF80];
	(xrf1) =	vunique.msk.u32 $0xffff, v14;
	v20 =	vcvt.s32.f32 v8;
	_, v8, vm0 =	vpop (xrf1)  }
0xf9: {  	v22 =	vld [tilespmem:s20+$0x0];
	v8 =	vcvt.s32.f32 v8  }
0xfa: {  	v23 =	vld [tilespmem:s20+$0xFFFFFF00];
	(xrf1) =	vunique.msk.u32 $0xffff, v21;
	_, v24, vm6 =	vpop (xrf1)  }
0xfb: {  	v24 =	vcvt.s32.f32 v24;
	[tilespmem:v5+s2+$0x0] =	vst.idx.add.f32.msk vm2, v18  }
0xfc: {  	_, v5, vm2 =	vpop (xrf1);
	v18 =	vld [tilespmem:s17+$0xFFFFFFC0];
	(xrf1) =	vunique.msk.u32 $0xffff, v10  }
0xfd: {  	(xrf1) =	vunique.msk.u32 $0xffff, v19;
	v25 =	vld [tilespmem:s17+$0x40]  }
0xfe: {  	(xrf1) =	vunique.msk.u32 $0xffff, v22;
	[tilespmem:v7+s2+$0x0] =	vst.idx.add.f32.msk vm4, v16;
	_, v7, vm4 =	vpop (xrf1)  }
0xff: {  	(xrf1) =	vunique.msk.u32 $0xffff, v23;
	[tilespmem:v6+s2+$0x0] =	vst.idx.add.f32.msk vm5, v17  }
0x100: {  	v5 =	vcvt.s32.f32 v5;
	[tilespmem:v11+s2+$0x0] =	vst.idx.add.f32.msk vm6, v24  }
0x101: {  	v11 =	vld [tilespmem:s17+$0xFFFFFF50];
	(xrf1) =	vunique.msk.u32 $0xffff, v18  }
0x102: {  	[tilespmem:v15+s2+$0x0] =	vst.idx.add.f32.msk vm2, v5;
	(xrf1) =	vunique.msk.u32 $0xffff, v25;
	v15 =	vcvt.s32.f32 v7  }
0x103: {  	v6 =	vld [tilespmem:s18+$0xB0]  }
0x104: {  	_, v7, vm2 =	vpop (xrf1);
	[tilespmem:v3+s2+$0x0] =	vst.idx.add.f32.msk vm4, v15  }
0x105: {  	v3 =	vcvt.s32.f32 v7;
	_, v5, vm4 =	vpop (xrf1);
	v15 =	vld [tilespmem:s16+$0xFFFFFFE0]  }
0x106: {  	v5 =	vcvt.s32.f32 v5;
	_, v7, vm5 =	vpop (xrf1);
	(xrf1) =	vunique.msk.u32 $0xffff, v11;
	v16 =	vld [tilespmem:s16+$0x60]  }
0x107: {  	v7 =	vcvt.s32.f32 v7;
	[tilespmem:v4+s2+$0x0] =	vst.idx.add.f32.msk vm3, v9  }
0x108: {  	_, v4, vm3 =	vpop (xrf1);
	(xrf1) =	vunique.msk.u32 $0xffff, v6;
	v9 =	vld [tilespmem:s16+$0xFFFFFF70]  }
0x109: {  	[tilespmem:v2+s2+$0x0] =	vst.idx.add.f32.msk vm1, v20  }
0x10a: {  	[tilespmem:v12+s2+$0x0] =	vst.idx.add.f32.msk vm2, v3;
	_, v2, vm2 =	vpop (xrf1);
	(xrf1) =	vunique.msk.u32 $0xffff, v15  }
0x10b: {  	_, v3, vm6 =	vpop (xrf1);
	[tilespmem:v13+s2+$0x0] =	vst.idx.add.f32.msk vm4, v5;
	(xrf1) =	vunique.msk.u32 $0xffff, v16  }
0x10c: {  	v17 =	vcvt.s32.f32 v4;
	v3 =	vcvt.s32.f32 v3;
	_, v5, vm4 =	vpop (xrf1);
	[tilespmem:v14+s2+$0x0] =	vst.idx.add.f32.msk vm5, v7  }
0x10d: {  	v5 =	vcvt.s32.f32 v5;
	_, v7, vm5 =	vpop (xrf1);
	v12 =	vld [tilespmem:s18+$0xFFFFFF30];
	(xrf1) =	vunique.msk.u32 $0xffff, v9  }
0x10e: {  	v14 =	vcvt.s32.f32 v2;
	v7 =	vcvt.s32.f32 v7;
	[tilespmem:v21+s2+$0x0] =	vst.idx.add.f32.msk vm3, v17  }
0x10f: {  	v13 =	vld [tilespmem:s20+$0x90];
	_, v4, vm1 =	vpop (xrf1)  }
0x110: {  	v4 =	vcvt.s32.f32 v4;
	[tilespmem:v10+s2+$0x0] =	vst.idx.add.f32.msk vm2, v14;
	_, v2, vm3 =	vpop (xrf1)  }
0x111: {  	v2 =	vcvt.s32.f32 v2;
	v14 =	vld [tilespmem:s17+$0xE0]  }
0x112: {  	[tilespmem:v19+s2+$0x0] =	vst.idx.add.f32.msk vm6, v3;
	(xrf1) =	vunique.msk.u32 $0xffff, v12  }
0x113: {  	[tilespmem:v23+s2+$0x0] =	vst.idx.add.f32.msk vm5, v7  }
0x114: {  	[tilespmem:v22+s2+$0x0] =	vst.idx.add.f32.msk vm4, v5;
	(xrf1) =	vunique.msk.u32 $0xffff, v13;
	_, v3, vm2 =	vpop (xrf1)  }
0x115: {  	v17 =	vld [tilespmem:s20+$0xFFFFFF10];
	v3 =	vcvt.s32.f32 v3  }
0x116: {  	v19 =	vld [tilespmem:s20+$0xFFFFFF90];
	_, v7, vm6 =	vpop (xrf1);
	(xrf1) =	vunique.msk.u32 $0xffff, v14  }
0x117: {  	v20 =	vld [tilespmem:s20+$0x10]  }
0x118: {  	v21 =	vld [tilespmem:s18+$0xFFFFFFB0];
	_, v10, vm4 =	vpop (xrf1)  }
0x119: {  	v5 =	vld [tilespmem:s18+$0x30];
	v22 =	vcvt.s32.f32 v10;
	_, v10, vm5 =	vpop (xrf1)  }
0x11a: {  	v7 =	vcvt.s32.f32 v7;
	(xrf1) =	vunique.msk.u32 $0xffff, v17;
	[tilespmem:v18+s2+$0x0] =	vst.idx.add.f32.msk vm1, v4;
	v18 =	vcvt.s32.f32 v10  }
0x11b: {  	(xrf1) =	vunique.msk.u32 $0xffff, v19;
	[tilespmem:v25+s2+$0x0] =	vst.idx.add.f32.msk vm3, v2;
	_, v2, vm1 =	vpop (xrf1)  }
0x11c: {  	(xrf1) =	vunique.msk.u32 $0xffff, v20;
	[tilespmem:v6+s2+$0x0] =	vst.idx.add.f32.msk vm6, v7;
	v23 =	vcvt.s32.f32 v2  }
0x11d: {  	v10 =	vld [tilespmem:s18+$0xC0];
	(xrf1) =	vunique.msk.u32 $0xffff, v21  }
0x11e: {  	(xrf1) =	vunique.msk.u32 $0xffff, v5;
	v7 =	vld [tilespmem:s17+$0xFFFFFFD0]  }
0x11f: {  	v6 =	vld [tilespmem:s17+$0x50]  }
0x120: {  	_, v2, vm3 =	vpop (xrf1);
	[tilespmem:v11+s2+$0x0] =	vst.idx.add.f32.msk vm2, v3  }
0x121: {  	v3 =	vcvt.s32.f32 v2;
	v4 =	vld [tilespmem:s17+$0xFFFFFF60]  }
0x122: {  	_, v11, vm2 =	vpop (xrf1);
	(xrf1) =	vunique.msk.u32 $0xffff, v10;
	[tilespmem:v15+s2+$0x0] =	vst.idx.add.f32.msk vm4, v22  }
0x123: {  	(xrf1) =	vunique.msk.u32 $0xffff, v7;
	[tilespmem:v16+s2+$0x0] =	vst.idx.add.f32.msk vm5, v18  }
0x124: {  	(xrf1) =	vunique.msk.u32 $0xffff, v6;
	_, v15, vm4 =	vpop (xrf1);
	v2 =	vld [tilespmem:s16+$0xFFFFFFF0]  }
0x125: {  	v16 =	vld [tilespmem:s16+$0x70];
	s16 =	smov.u32 s17;
	s17 =	smov.u32 s18;
	s18 =	smov.u32 s20  }
0x126: {  	v18 =	vcvt.s32.f32 v11;
	[tilespmem:v12+s2+$0x0] =	vst.idx.add.f32.msk vm3, v3;
	(xrf1) =	vunique.msk.u32 $0xffff, v4  }
0x127: {  	v11 =	vld [tilespmem:s17+$0xFFFFFF40]  }
0x128: {  	v12 =	vcvt.s32.f32 v15;
	[tilespmem:v13+s2+$0x0] =	vst.idx.add.f32.msk vm2, v18;
	_, v3, vm3 =	vpop (xrf1)  }
0x129: {  	v13 =	vcvt.s32.f32 v3;
	v15 =	vld [tilespmem:s20+$0xA0];
	_, v3, vm5 =	vpop (xrf1);
	(xrf1) =	vunique.msk.u32 $0xffff, v2  }
0x12a: {  	v22 =	vcvt.s32.f32 v3;
	_, v3, vm6 =	vpop (xrf1);
	[tilespmem:v14+s2+$0x0] =	vst.idx.add.f32.msk vm4, v12;
	(xrf1) =	vunique.msk.u32 $0xffff, v16  }
0x12b: {  	v12 =	vcvt.s32.f32 v3;
	_, v14, vm7 =	vpop (xrf1);
	v3 =	vld [tilespmem:s16+$0xF0]  }
0x12c: {  	v24 =	vcvt.s32.f32 v14;
	(xrf1) =	vunique.msk.u32 $0xffff, v11;
	_, v14, vm2 =	vpop (xrf1);
	[tilespmem:v9+s2+$0x0] =	vst.idx.add.f32.msk vm1, v23  }
0x12d: {  	v18 =	vcvt.s32.f32 v14;
	[tilespmem:v1+s2+$0x0] =	vst.idx.add.f32.msk vm0, v8;
	v1 =	vmov v16  }
0x12e: {  	[tilespmem:v17+s2+$0x0] =	vst.idx.add.f32.msk vm3, v13;
	(xrf1) =	vunique.msk.u32 $0xffff, v15  }
0x12f: {  	[tilespmem:v19+s2+$0x0] =	vst.idx.add.f32.msk vm5, v22  }
.Ltmp1:
0x130: {  	[tilespmem:v20+s2+$0x0] =	vst.idx.add.f32.msk vm6, v12;
	_, v8, vm6 =	vpop (xrf1);
	(xrf1) =	vunique.msk.u32 $0xffff, v3;
	(pc) =	sbr.rel @p0 .LBB2_4-.Ltmp1, $4  }
0x131: {  	v12 =	vld [tilespmem:s20+$0xFFFFFF20];
	_, v9, vm4 =	vpop (xrf1)  }
0x132: {  	v13 =	vld [tilespmem:s20+$0xFFFFFFA0];
	v16 =	vcvt.s32.f32 v9;
	_, v9, vm5 =	vpop (xrf1)  }
0x133: {  	v14 =	vld [tilespmem:s20+$0x20];
	v17 =	vcvt.s32.f32 v9  }
0x134: {  	v20 =	vcvt.s32.f32 v8;
	s20 =	sadd.s32 $0x200, s20;
	[tilespmem:v21+s2+$0x0] =	vst.idx.add.f32.msk vm7, v24;
	_, v19, vm3 =	vpop (xrf1)  }
0x135: {  	_ =	sdelay $0x2  }
0x136: {  	_, v9, vm1 =	vpop (xrf1)  }
0x137: {  	_, v8, vm0 =	vpop (xrf1)  }
0x138: {  	_, v21, vm7 =	vpop (xrf1)  }
0x139: {  	[tilespmem:v5+s2+$0x0] =	vst.idx.add.f32.msk vm2, v18  }
0x13a: {  	[tilespmem:v10+s2+$0x0] =	vst.idx.add.f32.msk vm6, v20;
	_, v20, vm6 =	vpop (xrf1)  }
0x13b: {  	v45 =	vld [tilespmem:s17+$0xFFFFFFC0]  }
0x13c: {  	v46 =	vld [tilespmem:s17+$0x40];
	v44 =	vcvt.s32.f32 v21  }
0x13d: {  	v10 =	vld [tilespmem:s17+$0xD0]  }
0x13e: {  	(xrf1) =	vunique.msk.u32 $0xffff, v12;
	v20 =	vcvt.s32.f32 v20;
	[tilespmem:v11+s2+$0x0] =	vst.idx.add.f32.msk vm7, v44  }
0x13f: {  	(xrf1) =	vunique.msk.u32 $0xffff, v13;
	v11 =	vld [tilespmem:s17+$0xFFFFFF50]  }
0x140: {  	[tilespmem:v15+s2+$0x0] =	vst.idx.add.f32.msk vm6, v20  }
0x141: {  	(xrf1) =	vunique.msk.u32 $0xffff, v14;
	v15 =	vld [tilespmem:s18+$0xB0]  }
0x142: {  	(xrf1) =	vunique.msk.u32 $0xffff, v10  }
0x143: {  	(xrf1) =	vunique.msk.u32 $0xffff, v45  }
0x144: {  	(xrf1) =	vunique.msk.u32 $0xffff, v46  }
0x145: {  	(xrf1) =	vunique.msk.u32 $0xffff, v11  }
0x146: {  	(xrf1) =	vunique.msk.u32 $0xffff, v15;
	_ =	sdelay $0x4  }
0x147: {  	_, v5, vm2 =	vpop (xrf1)  }
0x148: {  	[tilespmem:v7+s2+$0x0] =	vst.idx.add.f32.msk vm4, v16;
	_, v7, vm4 =	vpop (xrf1)  }
0x149: {  	[tilespmem:v6+s2+$0x0] =	vst.idx.add.f32.msk vm5, v17;
	_, v6, vm5 =	vpop (xrf1);
	v7 =	vcvt.s32.f32 v7  }
0x14a: {  	v47 =	vcvt.s32.f32 v19;
	v48 =	vld [tilespmem:s16+$0xFFFFFFE0];
	v6 =	vcvt.s32.f32 v6  }
0x14b: {  	v50 =	vld [tilespmem:s16+$0x60];
	_, v49, vm11 =	vpop (xrf1)  }
0x14c: {  	[tilespmem:v4+s2+$0x0] =	vst.idx.add.f32.msk vm3, v47;
	_, v16, vm3 =	vpop (xrf1)  }
0x14d: {  	v4 =	vld [tilespmem:s16+$0xFFFFFF70];
	_, v22, vm12 =	vpop (xrf1)  }
0x14e: {  	[tilespmem:v12+s2+$0x0] =	vst.idx.add.f32.msk vm4, v7;
	_, v7, vm4 =	vpop (xrf1)  }
0x14f: {  	[tilespmem:v13+s2+$0x0] =	vst.idx.add.f32.msk vm5, v6;
	_, v6, vm5 =	vpop (xrf1)  }
0x150: {  	v19 =	vcvt.s32.f32 v49;
	v53 =	vld [tilespmem:s18+$0xFFFFFF30];
	_, v52, vm13 =	vpop (xrf1)  }
0x151: {  	v51 =	vcvt.s32.f32 v16;
	v54 =	vld [tilespmem:s18+$0xFFFFFFB0]  }
0x152: {  	(xrf1) =	vunique.msk.u32 $0xffff, v48;
	[tilespmem:v14+s2+$0x0] =	vst.idx.add.f32.msk vm11, v19  }
0x153: {  	(xrf1) =	vunique.msk.u32 $0xffff, v50;
	[tilespmem:v10+s2+$0x0] =	vst.idx.add.f32.msk vm3, v51  }
0x154: {  	v12 =	vld [tilespmem:s17+$0xE0];
	v55 =	vcvt.s32.f32 v52  }
0x155: {  	(xrf1) =	vunique.msk.u32 $0xffff, v4;
	v56 =	vld [tilespmem:s18+$0x30]  }
0x156: {  	(xrf1) =	vunique.msk.u32 $0xffff, v53;
	[tilespmem:v15+s2+$0x0] =	vst.idx.add.f32.msk vm13, v55  }
0x157: {  	v15 =	vld [tilespmem:s18+$0xC0];
	_ =	sdelay $0x1  }
0x158: {  	(xrf1) =	vunique.msk.u32 $0xffff, v12  }
0x159: {  	(xrf1) =	vunique.msk.u32 $0xffff, v54  }
0x15a: {  	(xrf1) =	vunique.msk.u32 $0xffff, v56  }
0x15b: {  	(xrf1) =	vunique.msk.u32 $0xffff, v15;
	_ =	sdelay $0x1  }
0x15c: {  	v57 =	vcvt.s32.f32 v22;
	v7 =	vcvt.s32.f32 v7;
	_ =	sdelay $0x1  }
0x15d: {  	[tilespmem:v45+s2+$0x0] =	vst.idx.add.f32.msk vm12, v57;
	_, v58, vm14 =	vpop (xrf1)  }
0x15e: {  	[tilespmem:v46+s2+$0x0] =	vst.idx.add.f32.msk vm4, v7;
	_, v10, vm7 =	vpop (xrf1)  }
0x15f: {  	v18 =	vld [tilespmem:s17+$0xFFFFFFD0];
	v6 =	vcvt.s32.f32 v6  }
0x160: {  	v21 =	vld [tilespmem:s17+$0x50];
	_, v7, vm3 =	vpop (xrf1)  }
0x161: {  	v19 =	vcvt.s32.f32 v58;
	[tilespmem:v11+s2+$0x0] =	vst.idx.add.f32.msk vm5, v6;
	_, v59, vm15 =	vpop (xrf1)  }
0x162: {  	v60 =	vcvt.s32.f32 v10;
	v11 =	vld [tilespmem:s17+$0xFFFFFF60]  }
0x163: {  	[tilespmem:v48+s2+$0x0] =	vst.idx.add.f32.msk vm14, v19  }
0x164: {  	[tilespmem:v50+s2+$0x0] =	vst.idx.add.f32.msk vm7, v60;
	_, v61, vm9 =	vpop (xrf1)  }
0x165: {  	v63 =	vld [tilespmem:s16+$0xFFFFFFF0];
	v62 =	vcvt.s32.f32 v59;
	_, v31, vm10 =	vpop (xrf1)  }
0x166: {  	v6 =	vld [tilespmem:s16+$0x70];
	_, v32, vm11 =	vpop (xrf1)  }
0x167: {  	[tilespmem:v53+s2+$0x0] =	vst.idx.add.f32.msk vm15, v62;
	_, v14, vm4 =	vpop (xrf1)  }
0x168: {  	(xrf1) =	vunique.msk.u32 $0xffff, v18;
	v19 =	vld [tilespmem:s18+$0xFFFFFF40]  }
0x169: {  	(xrf1) =	vunique.msk.u32 $0xffff, v21;
	v17 =	vcvt.s32.f32 v61  }
0x16a: {  	(xrf1) =	vunique.msk.u32 $0xffff, v11  }
0x16b: {  	(xrf1) =	vunique.msk.u32 $0xffff, v63;
	[tilespmem:v12+s2+$0x0] =	vst.idx.add.f32.msk vm9, v17;
	v33 =	vcvt.s32.f32 v14  }
0x16c: {  	(xrf1) =	vunique.msk.u32 $0xffff, v6;
	v34 =	vld [tilespmem:s17+$0xF0]  }
0x16d: {  	v35 =	vcvt.s32.f32 v31;
	(xrf1) =	vunique.msk.u32 $0xffff, v19;
	[tilespmem:v15+s2+$0x0] =	vst.idx.add.f32.msk vm4, v33  }
0x16e: {  	v12 =	vld [tilespmem:s18+$0xD0]  }
0x16f: {  	v36 =	vcvt.s32.f32 v32;
	[tilespmem:v54+s2+$0x0] =	vst.idx.add.f32.msk vm10, v35  }
0x170: {  	v16 =	vld [tilespmem:s18+$0xFFFFFFC0]  }
0x171: {  	[tilespmem:v56+s2+$0x0] =	vst.idx.add.f32.msk vm11, v36  }
0x172: {  	v13 =	vld [tilespmem:s18+$0x40];
	(xrf1) =	vunique.msk.u32 $0xffff, v34  }
0x173: {  	(xrf1) =	vunique.msk.u32 $0xffff, v12;
	_ =	sdelay $0x1  }
0x174: {  	(xrf1) =	vunique.msk.u32 $0xffff, v16  }
0x175: {  	_, v37, vm12 =	vpop (xrf1)  }
0x176: {  	_, v38, vm13 =	vpop (xrf1);
	(xrf1) =	vunique.msk.u32 $0xffff, v13  }
0x177: {  	_, v39, vm8 =	vpop (xrf1)  }
0x178: {  	_, v40, vm5 =	vpop (xrf1)  }
0x179: {  	_, v23, vm4 =	vpop (xrf1)  }
0x17a: {  	v15 =	vcvt.s32.f32 v37;
	_, v24, vm9 =	vpop (xrf1)  }
0x17b: {  	v17 =	vcvt.s32.f32 v38;
	_ =	sdelay $0x2  }
0x17c: {  	[tilespmem:v18+s2+$0x0] =	vst.idx.add.f32.msk vm12, v15;
	v24 =	vcvt.s32.f32 v24  }
0x17d: {  	[tilespmem:v21+s2+$0x0] =	vst.idx.add.f32.msk vm13, v17;
	_, v15, vm6 =	vpop (xrf1)  }
0x17e: {  	[tilespmem:v19+s2+$0x0] =	vst.idx.add.f32.msk vm9, v24;
	_, v17, vm7 =	vpop (xrf1)  }
0x17f: {  	v41 =	vld [tilespmem:s18+$0xFFFFFF50]  }
0x180: {  	v42 =	vcvt.s32.f32 v39;
	v43 =	vld [tilespmem:s17+$0xFFFFFFE0];
	_, v44, vm14 =	vpop (xrf1)  }
0x181: {  	v45 =	vld [tilespmem:s17+$0x60]  }
0x182: {  	[tilespmem:v11+s2+$0x0] =	vst.idx.add.f32.msk vm8, v42;
	v46 =	vcvt.s32.f32 v17;
	_, v47, vm15 =	vpop (xrf1)  }
0x183: {  	v19 =	vld [tilespmem:s17+$0xFFFFFF70]  }
0x184: {  	(xrf1) =	vunique.msk.u32 $0xffff, v41;
	v21 =	vcvt.s32.f32 v44;
	[tilespmem:v12+s2+$0x0] =	vst.idx.add.f32.msk vm7, v46  }
0x185: {  	v11 =	vld [tilespmem:s18+$0xE0]  }
0x186: {  	(xrf1) =	vunique.msk.u32 $0xffff, v43;
	v48 =	vcvt.s32.f32 v47;
	[tilespmem:v16+s2+$0x0] =	vst.idx.add.f32.msk vm14, v21  }
0x187: {  	(xrf1) =	vunique.msk.u32 $0xffff, v45;
	v16 =	vld [tilespmem:s18+$0xFFFFFFD0]  }
0x188: {  	[tilespmem:v13+s2+$0x0] =	vst.idx.add.f32.msk vm15, v48  }
0x189: {  	(xrf1) =	vunique.msk.u32 $0xffff, v19;
	v12 =	vld [tilespmem:s18+$0x50]  }
0x18a: {  	(xrf1) =	vunique.msk.u32 $0xffff, v11;
	_ =	sdelay $0x1  }
0x18b: {  	(xrf1) =	vunique.msk.u32 $0xffff, v16;
	_ =	sdelay $0x1  }
0x18c: {  	(xrf1) =	vunique.msk.u32 $0xffff, v12;
	_ =	sdelay $0x3  }
0x18d: {  	_, v13, vm8 =	vpop (xrf1)  }
0x18e: {  	v13 =	vcvt.s32.f32 v13  }
0x18f: {  	_, v49, vm12 =	vpop (xrf1)  }
0x190: {  	_, v50, vm10 =	vpop (xrf1);
	v17 =	vcvt.s32.f32 v49;
	_ =	sdelay $0x1  }
0x191: {  	_, v25, vm7 =	vpop (xrf1)  }
0x192: {  	[tilespmem:v41+s2+$0x0] =	vst.idx.add.f32.msk vm8, v13;
	_, v13, vm8 =	vpop (xrf1)  }
0x193: {  	v52 =	vld [tilespmem:s18+$0xFFFFFF60];
	v51 =	vcvt.s32.f32 v50  }
0x194: {  	[tilespmem:v43+s2+$0x0] =	vst.idx.add.f32.msk vm12, v17;
	_, v17, vm9 =	vpop (xrf1)  }
0x195: {  	[tilespmem:v45+s2+$0x0] =	vst.idx.add.f32.msk vm10, v51  }
0x196: {  	v53 =	vld [tilespmem:s17+$0xFFFFFFF0];
	v13 =	vcvt.s32.f32 v13;
	_, v54, vm13 =	vpop (xrf1)  }
0x197: {  	v24 =	vld [tilespmem:s17+$0x70]  }
0x198: {  	v55 =	vcvt.s32.f32 v17;
	[tilespmem:v11+s2+$0x0] =	vst.idx.add.f32.msk vm8, v13  }
0x199: {  	v13 =	vld [tilespmem:s18+$0xF0]  }
0x19a: {  	v56 =	vcvt.s32.f32 v54;
	[tilespmem:v16+s2+$0x0] =	vst.idx.add.f32.msk vm9, v55  }
0x19b: {  	v11 =	vld [tilespmem:s18+$0xFFFFFFE0]  }
0x19c: {  	[tilespmem:v12+s2+$0x0] =	vst.idx.add.f32.msk vm13, v56  }
0x19d: {  	(xrf1) =	vunique.msk.u32 $0xffff, v52;
	v12 =	vld [tilespmem:s18+$0x60]  }
0x19e: {  	(xrf1) =	vunique.msk.u32 $0xffff, v53  }
0x19f: {  	(xrf1) =	vunique.msk.u32 $0xffff, v24  }
0x1a0: {  	(xrf1) =	vunique.msk.u32 $0xffff, v13  }
0x1a1: {  	(xrf1) =	vunique.msk.u32 $0xffff, v11  }
0x1a2: {  	(xrf1) =	vunique.msk.u32 $0xffff, v12;
	_ =	sdelay $0x8  }
0x1a3: {  	_, v57, vm11 =	vpop (xrf1)  }
0x1a4: {  	_, v58, vm9 =	vpop (xrf1)  }
0x1a5: {  	_, v59, vm8 =	vpop (xrf1)  }
0x1a6: {  	_, v26, vm10 =	vpop (xrf1)  }
0x1a7: {  	_, v27, vm12 =	vpop (xrf1)  }
0x1a8: {  	_, v28, vm13 =	vpop (xrf1)  }
0x1a9: {  	v16 =	vcvt.s32.f32 v57;
	_ =	sdelay $0x1  }
0x1aa: {  	[tilespmem:v52+s2+$0x0] =	vst.idx.add.f32.msk vm11, v16;
	v27 =	vcvt.s32.f32 v27  }
0x1ab: {  	v16 =	vld [tilespmem:s18+$0xFFFFFF70];
	v60 =	vcvt.s32.f32 v28  }
0x1ac: {  	[tilespmem:v11+s2+$0x0] =	vst.idx.add.f32.msk vm12, v27  }
0x1ad: {  	[tilespmem:v12+s2+$0x0] =	vst.idx.add.f32.msk vm13, v60  }
0x1ae: {  	v61 =	vld [tilespmem:s18+$0xFFFFFFF0]  }
0x1af: {  	v12 =	vld [tilespmem:s18+$0x70];
	_ =	sdelay $0x1  }
0x1b0: {  	(xrf1) =	vunique.msk.u32 $0xffff, v16;
	_ =	sdelay $0x1  }
0x1b1: {  	(xrf1) =	vunique.msk.u32 $0xffff, v61  }
0x1b2: {  	(xrf1) =	vunique.msk.u32 $0xffff, v12;
	_ =	sdelay $0x1  }
0x1b3: {  	v5 =	vcvt.s32.f32 v5  }
0x1b4: {  	v9 =	vcvt.s32.f32 v9  }
0x1b5: {  	[tilespmem:v3+s2+$0x0] =	vst.idx.add.f32.msk vm2, v5;
	v3 =	vcvt.s32.f32 v7  }
0x1b6: {  	[tilespmem:v2+s2+$0x0] =	vst.idx.add.f32.msk vm1, v9  }
0x1b7: {  	v2 =	vcvt.s32.f32 v8;
	[tilespmem:v4+s2+$0x0] =	vst.idx.add.f32.msk vm3, v3;
	v3 =	vcvt.s32.f32 v15;
	_ =	sdelay $0x1  }
0x1b8: {  	[tilespmem:v1+s2+$0x0] =	vst.idx.add.f32.msk vm0, v2;
	v2 =	vcvt.s32.f32 v25;
	_ =	sdelay $0x1  }
0x1b9: {  	v1 =	vcvt.s32.f32 v40  }
0x1ba: {  	[tilespmem:v34+s2+$0x0] =	vst.idx.add.f32.msk vm6, v3;
	_, v3, vm14 =	vpop (xrf1)  }
0x1bb: {  	v62 =	vcvt.s32.f32 v23;
	[tilespmem:v63+s2+$0x0] =	vst.idx.add.f32.msk vm5, v1  }
0x1bc: {  	[tilespmem:v19+s2+$0x0] =	vst.idx.add.f32.msk vm7, v2;
	v1 =	vcvt.s32.f32 v26;
	_, v2, vm15 =	vpop (xrf1)  }
0x1bd: {  	[tilespmem:v6+s2+$0x0] =	vst.idx.add.f32.msk vm4, v62;
	v63 =	vcvt.s32.f32 v58;
	_, v5, vm2 =	vpop (xrf1)  }
0x1be: {  	[tilespmem:v13+s2+$0x0] =	vst.idx.add.f32.msk vm10, v1;
	v1 =	vcvt.s32.f32 v3  }
0x1bf: {  	[tilespmem:v53+s2+$0x0] =	vst.idx.add.f32.msk vm9, v63;
	v3 =	vcvt.s32.f32 v59  }
0x1c0: {  	[tilespmem:v16+s2+$0x0] =	vst.idx.add.f32.msk vm14, v1;
	v1 =	vcvt.s32.f32 v2  }
0x1c1: {  	[tilespmem:v24+s2+$0x0] =	vst.idx.add.f32.msk vm8, v3;
	v2 =	vcvt.s32.f32 v5  }
0x1c2: {  	[tilespmem:v61+s2+$0x0] =	vst.idx.add.f32.msk vm15, v1  }
0x1c3: {  	s16 =	simm.s32 $0x0;
	[tilespmem:v12+s2+$0x0] =	vst.idx.add.f32.msk vm2, v2  }
0x1c4: {  	[spmem:s4] =	stream.strided.scatter [tilespmem:s16], [sflag:$0x1], $0x2800, s11, s10, $0x38;
	[tilespmem:$0x7D00] =	vst v63  }
0x1c5: {  	_ =	swait.ge [sflag:s9], $0x2800  }
0x1c6: {  	[sflag:s9] =	ssyncset.done $0x0  }
0x1c7: {  	[sflag:s9] =	ssyncadd.s32 $0xFFFFD800  }
0x1c8: {  	[bflag:$0x0] =	sbarrier.arrive $0xFFFF  }
0x1c9: {  	[tilespmem:$0x5280] =	vst v0  }
0x1ca: {  	[tilespmem:$0x5290] =	vst v0  }
0x1cb: {  	[tilespmem:$0x52A0] =	vst v0  }
0x1cc: {  	[tilespmem:$0x52B0] =	vst v0  }
0x1cd: {  	[tilespmem:$0x52C0] =	vst v0  }
0x1ce: {  	[tilespmem:$0x52D0] =	vst v0  }
0x1cf: {  	[tilespmem:$0x52E0] =	vst v0  }
0x1d0: {  	[tilespmem:$0x52F0] =	vst v0  }
0x1d1: {  	[tilespmem:$0x5300] =	vst v0  }
0x1d2: {  	[tilespmem:$0x5310] =	vst v0  }
0x1d3: {  	[tilespmem:$0x5320] =	vst v0  }
0x1d4: {  	[tilespmem:$0x5330] =	vst v0  }
0x1d5: {  	[tilespmem:$0x5340] =	vst v0  }
0x1d6: {  	[tilespmem:$0x5350] =	vst v0  }
0x1d7: {  	[tilespmem:$0x5360] =	vst v0  }
0x1d8: {  	[tilespmem:$0x5370] =	vst v0  }
0x1d9: {  	[tilespmem:$0x5380] =	vst v0  }
0x1da: {  	[tilespmem:$0x5390] =	vst v0  }
0x1db: {  	[tilespmem:$0x53A0] =	vst v0  }
0x1dc: {  	[tilespmem:$0x53B0] =	vst v0  }
0x1dd: {  	[tilespmem:$0x53C0] =	vst v0  }
0x1de: {  	[tilespmem:$0x53D0] =	vst v0  }
0x1df: {  	[tilespmem:$0x53E0] =	vst v0  }
0x1e0: {  	[tilespmem:$0x53F0] =	vst v0  }
0x1e1: {  	[tilespmem:$0x5400] =	vst v0  }
0x1e2: {  	[tilespmem:$0x5410] =	vst v0  }
0x1e3: {  	[tilespmem:$0x5420] =	vst v0  }
0x1e4: {  	[tilespmem:$0x5430] =	vst v0  }
0x1e5: {  	[tilespmem:$0x5440] =	vst v0  }
0x1e6: {  	[tilespmem:$0x5450] =	vst v0  }
0x1e7: {  	[tilespmem:$0x5460] =	vst v0  }
0x1e8: {  	[tilespmem:$0x5470] =	vst v0  }
0x1e9: {  	[tilespmem:$0x5480] =	vst v0  }
0x1ea: {  	[tilespmem:$0x5490] =	vst v0  }
0x1eb: {  	[tilespmem:$0x54A0] =	vst v0  }
0x1ec: {  	[tilespmem:$0x54B0] =	vst v0  }
0x1ed: {  	[tilespmem:$0x54C0] =	vst v0  }
0x1ee: {  	[tilespmem:$0x54D0] =	vst v0  }
0x1ef: {  	[tilespmem:$0x54E0] =	vst v0  }
0x1f0: {  	[tilespmem:$0x54F0] =	vst v0  }
.LBB2_6:
0x1f1: {  	s17 =	sshrl.u32 s16, $0x3  }
0x1f2: {  	s17 =	smul.u32 $0x50000, s17;
	_ =	sdelay $0x1  }
0x1f3: {  	s18 =	sshll.u32 s16, $0x7;
	s17 =	sshra.s32 s17, $0x2  }
0x1f4: {  	s18 =	sand.u32 $0x380, s18;
	s17 =	sadd.s32 s17, s5  }
0x1f5: {  	s17 =	sadd.s32 s18, s17  }
0x1f6: {  	[tilespmem:s12], [sflag:$0x1] =	stream.strided.gather [spmem:s17], $0x280, s11, s10, $0x38;
	[tilespmem:$0x7D00] =	vst v63  }
0x1f7: {  	_ =	swait.ge [sflag:s9], $0x280  }
0x1f8: {  	[sflag:s9] =	ssyncset.done $0x0  }
0x1f9: {  	s17 =	simm.s32 $0x52A0;
	[sflag:s9] =	ssyncadd.s32 $0xFFFFFD80  }
0x1fa: {  	s18 =	simm.s32 $0x5020;
	v6 =	vld [tilespmem:s17+$0x10]  }
0x1fb: {  	v7 =	vld [tilespmem:s18+$0x10]  }
0x1fc: {  	v3 =	vld [tilespmem:s18+$0xFFFFFFE0]  }
0x1fd: {  	v1 =	vld [tilespmem:s17+$0xFFFFFFF0]  }
0x1fe: {  	v5 =	vld [tilespmem:s18+$0xFFFFFFF0]  }
0x1ff: {  	v2 =	vld [tilespmem:s17+$0x0]  }
0x200: {  	v4 =	vld [tilespmem:s18+$0x0];
	v7 =	vadd.f32 v7, v6  }
0x201: {  	s19 =	simm.s32 $0x0;
	s20 =	simm.s32 $0x52E0;
	v6 =	vld [tilespmem:s17+$0xFFFFFFE0]  }
.LBB2_7:
0x202: {  	v8 =	vld [tilespmem:s20+$0x10];
	[tilespmem:s17+$0x10] =	vst v7;
	s18 =	sadd.s32 $0x40, s18  }
0x203: {  	s19 =	sadd.s32 $0x4, s19;
	v7 =	vld [tilespmem:s18+$0x10];
	v5 =	vadd.f32 v5, v1  }
0x204: {  	p0 =	slt.u32 s19, $0x24;
	v9 =	vld [tilespmem:s18+$0xFFFFFFE0]  }
.Ltmp2:
0x205: {  	v1 =	vld [tilespmem:s20+$0xFFFFFFF0];
	[tilespmem:s17+$0xFFFFFFF0] =	vst v5;
	v4 =	vadd.f32 v4, v2;
	(pc) =	sbr.rel @p0 .LBB2_7-.Ltmp2, $4  }
0x206: {  	v5 =	vld [tilespmem:s18+$0xFFFFFFF0];
	v10 =	vadd.f32 v3, v6  }
0x207: {  	v2 =	vld [tilespmem:s20+$0x0];
	[tilespmem:s17+$0x0] =	vst v4  }
0x208: {  	v4 =	vld [tilespmem:s18+$0x0];
	v7 =	vadd.f32 v7, v8;
	[tilespmem:s17+$0xFFFFFFE0] =	vst v10;
	s17 =	smov.u32 s20  }
0x209: {  	s20 =	sadd.s32 $0x40, s20;
	v6 =	vld [tilespmem:s17+$0xFFFFFFE0];
	v3 =	vmov v9  }
0x20a: {  	s16 =	sadd.s32 $0x1, s16  }
0x20b: {  	p0 =	sne.s32 s16, $0x10  }
.Ltmp3:
0x20c: {  	v1 =	vadd.f32 v5, v1;
	(pc) =	sbr.rel @p0 .LBB2_6-.Ltmp3, $4  }
0x20d: {  	[tilespmem:s17+$0x10] =	vst v7;
	v2 =	vadd.f32 v4, v2  }
0x20e: {  	[tilespmem:s17+$0xFFFFFFF0] =	vst v1;
	v1 =	vadd.f32 v3, v6  }
0x20f: {  	[tilespmem:s17+$0x0] =	vst v2  }
0x210: {  	[tilespmem:s17+$0xFFFFFFE0] =	vst v1  }
0x211: {  	s15 =	sadd.s32 $0x1, s15  }
0x212: {  	p0 =	sne.s32 s15, s7  }
.Ltmp4:
0x213: {  	_ = 	snop;
	(pc) =	sbr.rel @p0 .LBB2_1-.Ltmp4, $4  }
0x214: {  	[hbm4b:s6+s10] =	stream.strided.scatter [tilespmem:s14], [sflag:$0x1], $0x280, s13, s10, $0x38;
	[tilespmem:$0x7D00] =	vst v63  }
0x215: {  	_ =	swait.ge [sflag:s9], $0x280  }
0x216: {  	[sflag:s9] =	ssyncset.done $0x0  }
0x217: {  	[sflag:s9] =	ssyncadd.s32 $0xFFFFFD80  }
0x218: {  	_ =	sfence.sel $0x180000  }
0x219: {  	[bflag:$0x0] =	sbarrier.arrive $0xFFFF  }
0x21a: {  	p0 =	sne.s32 s1, $0x0;
	_ =	strace $0x90000047  }
0x21b: {  	s0 =	sadd.s32 @!p0 $0x100000, s0;
	[bflag:$0x2] =	sbarrier.arrive $0xFFFF  }
0x21c: {  	[sflag:s0] =	ssyncadd.tile.s32 @!p0 $0x1;
	_ =	shalt  }
.Lfunc_end2:
_tile_overlayer_lowered:
.L_overlay_start_2:
0x21d: {  	(tag) =	ssettag $0x2  }
0x21e: {  	s0 =	rddreg [dreg:$0x0];
	s2 =	stileid.u32  }
0x21f: {  	s1 =	rddreg [dreg:$0x1];
	p0 =	sne.s32 s2, $0x0  }
0x220: {  	s3 =	rddreg [dreg:$0x2];
	[bflag:$0x3] =	sbarrier.arrive $0xFFFF;
	s2 =	simm.s32 @!p0 $0x1C01  }
0x221: {  	[timem:s3], [sflag:s2] =	dma.local @!p0 [hbm:s0], s1  }
0x222: {  	s0 =	simm.s32 @!p0 $0x1  }
0x223: {  	_ =	swait.ge @!p0 [sflag:s0], s1  }
0x224: {  	s1 =	ssub.s32 @!p0 $0x0, s1;
	[sflag:s0] =	ssyncset.done @!p0 $0x0  }
0x225: {  	[sflag:s0] =	ssyncadd.s32 @!p0 s1  }
0x226: {  	[bflag:$0x3] =	sbarrier.arrive $0xFFFF  }
0x227: {  	_ =	shalt  }

</sc_bundles>
